<compile_context>
chip_gen: v7x
topology: tpu7x:2x2x1
jax: 0.10.2.dev20260603
libtpu: 0.0.44.dev20260713+nightly
codegen_flags: <defaults>
</compile_context>

<pallas_src>
import functools

import jax
import jax.numpy as jnp
from jax import lax
from jax.experimental import pallas as pl
from jax.experimental.pallas import tpu as pltpu
from jax.experimental.pallas import tpu_sc as plsc

COMPLEXES, RESX, RESY, CH = 2048, 32, 32, 16
RATE2 = 256
N = COMPLEXES * RATE2
NC, NS, L = 2, 16, 16
NW = NC * NS
CPW = COMPLEXES // NW
SPW = N // NW
TEX = RESX * RESY * CH
GROUPS = RATE2 // L


def _body(tex, u_hbm, v_hbm, out_hbm,
          u_v, v_v, tab0, tab1, o0, o1, ts0, ts1, os0, os1):
    wid = lax.axis_index("s") * NC + lax.axis_index("c")
    s0 = wid * SPW
    c0 = wid * CPW

    pltpu.sync_copy(u_hbm.at[pl.ds(s0, SPW)], u_v)
    pltpu.sync_copy(v_hbm.at[pl.ds(s0, SPW)], v_v)

    tabs, outs = (tab0, tab1), (o0, o1)
    tsems, osems = (ts0, ts1), (os0, os1)

    pltpu.async_copy(tex.at[c0 + 0], tab0, ts0)
    pltpu.async_copy(tex.at[c0 + 1], tab1, ts1)

    @pl.loop(0, CPW, step=2)
    def _pair(cbase):
        for b in range(2):
            ci = cbase + b
            tab, ov, ts, osem = tabs[b], outs[b], tsems[b], osems[b]
            pltpu.make_async_copy(tex.at[c0 + ci], tab, ts).wait()

            @pl.when(cbase > 0)
            def _wait_out():
                pltpu.make_async_copy(
                    ov, out_hbm.at[:, pl.ds((c0 + ci - 2) * RATE2, RATE2)],
                    osem).wait()

            @plsc.parallel_loop(0, GROUPS, unroll=8)
            def _group(g):
                sb = ci * RATE2 + g * L
                uu = jnp.clip(u_v[pl.ds(sb, L)], 0.0, 1.0)
                vv = jnp.clip(v_v[pl.ds(sb, L)], 0.0, 1.0)
                x = uu * float(RESX - 1)
                y = vv * float(RESY - 1)
                x0 = x.astype(jnp.int32)
                y0 = y.astype(jnp.int32)
                wx = x - x0.astype(jnp.float32)
                wy = y - y0.astype(jnp.float32)
                x1 = jnp.minimum(x0 + 1, RESX - 1)
                y1 = jnp.minimum(y0 + 1, RESY - 1)
                x0r = x0 * (RESY * CH)
                x1r = x1 * (RESY * CH)
                y0c = y0 * CH
                y1c = y1 * CH
                b00 = x0r + y0c
                b01 = x0r + y1c
                b10 = x1r + y0c
                b11 = x1r + y1c
                wA = (1.0 - wx) * (1.0 - wy)
                wB = (1.0 - wx) * wy
                wC = wx * (1.0 - wy)
                wD = wx * wy

                @plsc.parallel_loop(0, CH, unroll=2)
                def _chan(ch):
                    f00 = plsc.load_gather(tab, [b00 + ch])
                    f01 = plsc.load_gather(tab, [b01 + ch])
                    f10 = plsc.load_gather(tab, [b10 + ch])
                    f11 = plsc.load_gather(tab, [b11 + ch])
                    o = f00 * wA + f01 * wB + f10 * wC + f11 * wD
                    ov[ch, pl.ds(g * L, L)] = o

            pltpu.async_copy(
                ov, out_hbm.at[:, pl.ds((c0 + ci) * RATE2, RATE2)], osem)

            @pl.when(ci + 2 < CPW)
            def _prefetch():
                pltpu.async_copy(tex.at[c0 + ci + 2], tab, ts)

    pltpu.make_async_copy(
        o0, out_hbm.at[:, pl.ds((c0 + CPW - 2) * RATE2, RATE2)], os0).wait()
    pltpu.make_async_copy(
        o1, out_hbm.at[:, pl.ds((c0 + CPW - 1) * RATE2, RATE2)], os1).wait()


_mesh = plsc.VectorSubcoreMesh(
    core_axis_name="c", subcore_axis_name="s", num_cores=NC, num_subcores=NS
)

_fetch_sc = functools.partial(
    pl.kernel,
    out_type=jax.ShapeDtypeStruct((CH, N), jnp.float32),
    mesh=_mesh,
    compiler_params=pltpu.CompilerParams(needs_layout_passes=False),
    scratch_types=[
        pltpu.VMEM((SPW,), jnp.float32),
        pltpu.VMEM((SPW,), jnp.float32),
        pltpu.VMEM((TEX,), jnp.float32),
        pltpu.VMEM((TEX,), jnp.float32),
        pltpu.VMEM((CH, RATE2), jnp.float32),
        pltpu.VMEM((CH, RATE2), jnp.float32),
        pltpu.SemaphoreType.DMA,
        pltpu.SemaphoreType.DMA,
        pltpu.SemaphoreType.DMA,
        pltpu.SemaphoreType.DMA,
    ],
)(_body)


def kernel(map, u, v):
    return _fetch_sc(map.reshape(COMPLEXES, TEX), u, v).T

# --- scband reference (transcript-rebuilt; emitter-appended) ---
"""Pipeline reference for scband-ngftexture-fetch-30502857736195 (READ-ONLY COPY).

The authoritative reference and input builder live on the scoring server;
editing this copy changes nothing except your own understanding.
"""

import jax, jax.numpy as jnp
import numpy as np

COMPLEXES, RESX, RESY, RATE, CH = 2048, 32, 32, 16, 16


def setup_inputs(seed: int = 0) -> dict:
    key = jax.random.key(seed)
    k1, k2, k3 = jax.random.split(key, 3)
    N = COMPLEXES * RATE * RATE
    map_ = jax.random.normal(k1, (COMPLEXES, RESX, RESY, CH), dtype=jnp.float32)
    u = jax.random.uniform(k2, (N,), dtype=jnp.float32)
    v = jax.random.uniform(k3, (N,), dtype=jnp.float32)
    return {"map": map_, "u": u, "v": v}


def _fetch(map_, u, v):
    # Each complex owns a contiguous block of rate*rate samples; bilinear fetch
    # from that complex's resx x resy feature texture at (u, v) in [0, 1].
    N = u.shape[0]
    cidx = (jnp.arange(N, dtype=jnp.int32) // (RATE * RATE)).astype(jnp.int32)
    x = jnp.clip(u, 0.0, 1.0) * (RESX - 1)
    y = jnp.clip(v, 0.0, 1.0) * (RESY - 1)
    x0 = jnp.floor(x).astype(jnp.int32)
    y0 = jnp.floor(y).astype(jnp.int32)
    x1 = jnp.minimum(x0 + 1, RESX - 1)
    y1 = jnp.minimum(y0 + 1, RESY - 1)
    wx = (x - x0.astype(jnp.float32))[:, None]
    wy = (y - y0.astype(jnp.float32))[:, None]
    f00 = map_[cidx, x0, y0]
    f01 = map_[cidx, x0, y1]
    f10 = map_[cidx, x1, y0]
    f11 = map_[cidx, x1, y1]
    return (f00 * (1.0 - wx) * (1.0 - wy)
            + f01 * (1.0 - wx) * wy
            + f10 * wx * (1.0 - wy)
            + f11 * wx * wy)


def reference(map, u, v):
    return _fetch(map, u, v)

if __name__ == "__main__":
    import jax
    _d = setup_inputs()
    print(jax.jit(kernel)(*tuple(_d.values())))

</pallas_src>

<mosaic_0001>
#map = affine_map<(d0, d1) -> (0, 0)>
#map1 = affine_map<(d0, d1) -> (0)>
module attributes {stable_mosaic.version = 14 : i64} {
  func.func @_body(%arg0: i32, %arg1: i32, %arg2: memref<2048x16384xf32, #tpu.memory_space<hbm>>, %arg3: memref<524288xf32, #tpu.memory_space<hbm>>, %arg4: memref<524288xf32, #tpu.memory_space<hbm>>, %arg5: memref<16x524288xf32, #tpu.memory_space<hbm>>, %arg6: memref<16384xf32, #tpu.memory_space<vmem>>, %arg7: memref<16384xf32, #tpu.memory_space<vmem>>, %arg8: memref<16384xf32, #tpu.memory_space<vmem>>, %arg9: memref<16384xf32, #tpu.memory_space<vmem>>, %arg10: memref<16x256xf32, #tpu.memory_space<vmem>>, %arg11: memref<16x256xf32, #tpu.memory_space<vmem>>, %arg12: memref<!tpu.dma_semaphore, #tpu.memory_space<semaphore_mem>>, %arg13: memref<!tpu.dma_semaphore, #tpu.memory_space<semaphore_mem>>, %arg14: memref<!tpu.dma_semaphore, #tpu.memory_space<semaphore_mem>>, %arg15: memref<!tpu.dma_semaphore, #tpu.memory_space<semaphore_mem>>) attributes {dimension_semantics = [#tpu.dimension_semantics<core_parallel>, #tpu.dimension_semantics<subcore_parallel>], iteration_bounds = array<i64: 2, 16>, scalar_prefetch = 0 : i64, scratch_operands = 10 : i64, tpu.core_type = #tpu.core_type<sc_vector_subcore>, window_params = [{transform_indices = #map}, {transform_indices = #map1}, {transform_indices = #map1}, {transform_indices = #map}]} {
    %mul3A = arith.constant 2 : i32
    %mul3A_0 = arith.muli %arg1, %mul3A : i32
    %add3A = arith.addi %mul3A_0, %arg0 : i32
    %mul3A_1 = arith.constant 16384 : i32
    %mul3A_2 = arith.muli %add3A, %mul3A_1 : i32
    %mul3A_3 = arith.constant 64 : i32
    %mul3A_4 = arith.muli %add3A, %mul3A_3 : i32
    "tpu.region"() ({
      %run_scoped3A = tpu.sem_alloc : memref<!tpu.dma_semaphore, #tpu.memory_space<semaphore_mem>>
      %dma_start3A_42 = tpu.memref_slice %arg3[%mul3A_2] : memref<524288xf32, #tpu.memory_space<hbm>> -> memref<16384xf32, #tpu.memory_space<hbm>>
      %dma_start3A_43 = tpu.memref_slice %arg3[%mul3A_2] : memref<524288xf32, #tpu.memory_space<hbm>> -> memref<16384xf32, #tpu.memory_space<hbm>>
      tpu.enqueue_dma source(%dma_start3A_43 : memref<16384xf32, #tpu.memory_space<hbm>>) target(%arg6 : memref<16384xf32, #tpu.memory_space<vmem>>) target_semaphore(%run_scoped3A : memref<!tpu.dma_semaphore, #tpu.memory_space<semaphore_mem>>)
      %dma_wait3A_44 = tpu.memref_slice %arg3[%mul3A_2] : memref<524288xf32, #tpu.memory_space<hbm>> -> memref<16384xf32, #tpu.memory_space<hbm>>
      %dma_wait3A_45 = tpu.memref_slice %arg3[%mul3A_2] : memref<524288xf32, #tpu.memory_space<hbm>> -> memref<16384xf32, #tpu.memory_space<hbm>>
      tpu.wait_dma2 semaphore(%run_scoped3A : memref<!tpu.dma_semaphore, #tpu.memory_space<semaphore_mem>>) src(%dma_wait3A_45 : memref<16384xf32, #tpu.memory_space<hbm>>) dst(%arg6 : memref<16384xf32, #tpu.memory_space<vmem>>)
      tpu.yield
    }) : () -> ()
    "tpu.region"() ({
      %run_scoped3A = tpu.sem_alloc : memref<!tpu.dma_semaphore, #tpu.memory_space<semaphore_mem>>
      %dma_start3A_42 = tpu.memref_slice %arg4[%mul3A_2] : memref<524288xf32, #tpu.memory_space<hbm>> -> memref<16384xf32, #tpu.memory_space<hbm>>
      %dma_start3A_43 = tpu.memref_slice %arg4[%mul3A_2] : memref<524288xf32, #tpu.memory_space<hbm>> -> memref<16384xf32, #tpu.memory_space<hbm>>
      tpu.enqueue_dma source(%dma_start3A_43 : memref<16384xf32, #tpu.memory_space<hbm>>) target(%arg7 : memref<16384xf32, #tpu.memory_space<vmem>>) target_semaphore(%run_scoped3A : memref<!tpu.dma_semaphore, #tpu.memory_space<semaphore_mem>>)
      %dma_wait3A_44 = tpu.memref_slice %arg4[%mul3A_2] : memref<524288xf32, #tpu.memory_space<hbm>> -> memref<16384xf32, #tpu.memory_space<hbm>>
      %dma_wait3A_45 = tpu.memref_slice %arg4[%mul3A_2] : memref<524288xf32, #tpu.memory_space<hbm>> -> memref<16384xf32, #tpu.memory_space<hbm>>
      tpu.wait_dma2 semaphore(%run_scoped3A : memref<!tpu.dma_semaphore, #tpu.memory_space<semaphore_mem>>) src(%dma_wait3A_45 : memref<16384xf32, #tpu.memory_space<hbm>>) dst(%arg7 : memref<16384xf32, #tpu.memory_space<vmem>>)
      tpu.yield
    }) : () -> ()
    %add3A_5 = arith.constant 0 : i32
    %add3A_6 = arith.addi %mul3A_4, %add3A_5 : i32
    %dma_start3A = arith.constant 0 : i32
    %dma_start3A_7 = tpu.memref_slice %arg2[%add3A_6, %dma_start3A] : memref<2048x16384xf32, #tpu.memory_space<hbm>> -> memref<1x16384xf32, #tpu.memory_space<hbm>>
    %dma_start3A_8 = tpu.memref_squeeze %dma_start3A_7 : memref<1x16384xf32, #tpu.memory_space<hbm>> -> memref<16384xf32, #tpu.memory_space<hbm>>
    %dma_start3A_9 = arith.constant 0 : i32
    %dma_start3A_10 = tpu.memref_slice %arg2[%add3A_6, %dma_start3A_9] : memref<2048x16384xf32, #tpu.memory_space<hbm>> -> memref<1x16384xf32, #tpu.memory_space<hbm>>
    %dma_start3A_11 = tpu.memref_squeeze %dma_start3A_10 : memref<1x16384xf32, #tpu.memory_space<hbm>> -> memref<16384xf32, #tpu.memory_space<hbm>>
    tpu.enqueue_dma source(%dma_start3A_11 : memref<16384xf32, #tpu.memory_space<hbm>>) target(%arg8 : memref<16384xf32, #tpu.memory_space<vmem>>) target_semaphore(%arg12 : memref<!tpu.dma_semaphore, #tpu.memory_space<semaphore_mem>>)
    %add3A_12 = arith.constant 1 : i32
    %add3A_13 = arith.addi %mul3A_4, %add3A_12 : i32
    %dma_start3A_14 = arith.constant 0 : i32
    %dma_start3A_15 = tpu.memref_slice %arg2[%add3A_13, %dma_start3A_14] : memref<2048x16384xf32, #tpu.memory_space<hbm>> -> memref<1x16384xf32, #tpu.memory_space<hbm>>
    %dma_start3A_16 = tpu.memref_squeeze %dma_start3A_15 : memref<1x16384xf32, #tpu.memory_space<hbm>> -> memref<16384xf32, #tpu.memory_space<hbm>>
    %dma_start3A_17 = arith.constant 0 : i32
    %dma_start3A_18 = tpu.memref_slice %arg2[%add3A_13, %dma_start3A_17] : memref<2048x16384xf32, #tpu.memory_space<hbm>> -> memref<1x16384xf32, #tpu.memory_space<hbm>>
    %dma_start3A_19 = tpu.memref_squeeze %dma_start3A_18 : memref<1x16384xf32, #tpu.memory_space<hbm>> -> memref<16384xf32, #tpu.memory_space<hbm>>
    tpu.enqueue_dma source(%dma_start3A_19 : memref<16384xf32, #tpu.memory_space<hbm>>) target(%arg9 : memref<16384xf32, #tpu.memory_space<vmem>>) target_semaphore(%arg13 : memref<!tpu.dma_semaphore, #tpu.memory_space<semaphore_mem>>)
    %scan3A = arith.constant 0 : i32
    %scan3A_20 = arith.constant 32 : i32
    %scan3A_21 = arith.addi %scan3A, %scan3A_20 : i32
    %scan3A_22 = arith.constant 1 : i32
    scf.for %scan3A_42 = %scan3A to %scan3A_21 step %scan3A_22  : i32 {
      %mul3A_43 = arith.constant 2 : i32
      %mul3A_44 = arith.muli %scan3A_42, %mul3A_43 : i32
      %add3A_45 = arith.constant 0 : i32
      %add3A_46 = arith.addi %add3A_45, %mul3A_44 : i32
      %add3A_47 = arith.constant 0 : i32
      %add3A_48 = arith.addi %add3A_46, %add3A_47 : i32
      %add3A_49 = arith.addi %mul3A_4, %add3A_48 : i32
      %dma_wait3A_50 = arith.constant 0 : i32
      %dma_wait3A_51 = tpu.memref_slice %arg2[%add3A_49, %dma_wait3A_50] : memref<2048x16384xf32, #tpu.memory_space<hbm>> -> memref<1x16384xf32, #tpu.memory_space<hbm>>
      %dma_wait3A_52 = tpu.memref_squeeze %dma_wait3A_51 : memref<1x16384xf32, #tpu.memory_space<hbm>> -> memref<16384xf32, #tpu.memory_space<hbm>>
      %dma_wait3A_53 = arith.constant 0 : i32
      %dma_wait3A_54 = tpu.memref_slice %arg2[%add3A_49, %dma_wait3A_53] : memref<2048x16384xf32, #tpu.memory_space<hbm>> -> memref<1x16384xf32, #tpu.memory_space<hbm>>
      %dma_wait3A_55 = tpu.memref_squeeze %dma_wait3A_54 : memref<1x16384xf32, #tpu.memory_space<hbm>> -> memref<16384xf32, #tpu.memory_space<hbm>>
      tpu.wait_dma2 semaphore(%arg12 : memref<!tpu.dma_semaphore, #tpu.memory_space<semaphore_mem>>) src(%dma_wait3A_55 : memref<16384xf32, #tpu.memory_space<hbm>>) dst(%arg8 : memref<16384xf32, #tpu.memory_space<vmem>>)
      %gt3A = arith.constant 0 : i32
      %gt3A_56 = arith.cmpi sgt, %add3A_46, %gt3A : i32
      %convert_element_type3A = arith.extui %gt3A_56 : i1 to i32
      %cond3A = arith.constant 0 : i32
      %cond3A_57 = arith.cmpi ne, %convert_element_type3A, %cond3A : i32
      scf.if %cond3A_57 {
        %add3A_104 = arith.addi %mul3A_4, %add3A_48 : i32
        %sub3A_105 = arith.constant 2 : i32
        %sub3A_106 = arith.subi %add3A_104, %sub3A_105 : i32
        %mul3A_107 = arith.constant 256 : i32
        %mul3A_108 = arith.muli %sub3A_106, %mul3A_107 : i32
        %dma_wait3A_109 = arith.constant 0 : i32
        %dma_wait3A_110 = tpu.memref_slice %arg5[%dma_wait3A_109, %mul3A_108] : memref<16x524288xf32, #tpu.memory_space<hbm>> -> memref<16x256xf32, #tpu.memory_space<hbm>>
        %dma_wait3A_111 = arith.constant 0 : i32
        %dma_wait3A_112 = tpu.memref_slice %arg5[%dma_wait3A_111, %mul3A_108] : memref<16x524288xf32, #tpu.memory_space<hbm>> -> memref<16x256xf32, #tpu.memory_space<hbm>>
        tpu.wait_dma2 semaphore(%arg14 : memref<!tpu.dma_semaphore, #tpu.memory_space<semaphore_mem>>) src(%arg10 : memref<16x256xf32, #tpu.memory_space<vmem>>) dst(%dma_wait3A_112 : memref<16x256xf32, #tpu.memory_space<hbm>>)
      } else {
      }
      %parallel_loop3A = arith.constant 0 : i32
      %parallel_loop3A_58 = arith.constant 16 : i32
      %parallel_loop3A_59 = arith.constant 1 : i32
      scf.for %parallel_loop3A_104 = %parallel_loop3A to %parallel_loop3A_58 step %parallel_loop3A_59  : i32 {
        %parallel_loop3A_105 = arith.constant 256 : i32
        %parallel_loop3A_106 = arith.muli %add3A_48, %parallel_loop3A_105 : i32
        %parallel_loop3A_107 = arith.constant 16 : i32
        %parallel_loop3A_108 = arith.muli %parallel_loop3A_104, %parallel_loop3A_107 : i32
        %parallel_loop3A_109 = arith.addi %parallel_loop3A_106, %parallel_loop3A_108 : i32
        %parallel_loop3A_110 = arith.index_cast %parallel_loop3A_109 : i32 to index
        %parallel_loop3A_111 = tpu.vector_load %arg6[%parallel_loop3A_110] {strides = array<i32>} : memref<16384xf32, #tpu.memory_space<vmem>>, vector<16xf32>,
        %parallel_loop3A_112 = arith.constant 0.000000e+00 : f32
        %parallel_loop3A_113 = arith.constant 1.000000e+00 : f32
        %parallel_loop3A_114 = vector.broadcast %parallel_loop3A_112 : f32 to vector<16xf32>
        %parallel_loop3A_115 = arith.maximumf %parallel_loop3A_114, %parallel_loop3A_111 : vector<16xf32>
        %parallel_loop3A_116 = vector.broadcast %parallel_loop3A_113 : f32 to vector<16xf32>
        %parallel_loop3A_117 = arith.minimumf %parallel_loop3A_116, %parallel_loop3A_115 : vector<16xf32>
        %parallel_loop3A_118 = arith.index_cast %parallel_loop3A_109 : i32 to index
        %parallel_loop3A_119 = tpu.vector_load %arg7[%parallel_loop3A_118] {strides = array<i32>} : memref<16384xf32, #tpu.memory_space<vmem>>, vector<16xf32>,
        %parallel_loop3A_120 = arith.constant 0.000000e+00 : f32
        %parallel_loop3A_121 = arith.constant 1.000000e+00 : f32
        %parallel_loop3A_122 = vector.broadcast %parallel_loop3A_120 : f32 to vector<16xf32>
        %parallel_loop3A_123 = arith.maximumf %parallel_loop3A_122, %parallel_loop3A_119 : vector<16xf32>
        %parallel_loop3A_124 = vector.broadcast %parallel_loop3A_121 : f32 to vector<16xf32>
        %parallel_loop3A_125 = arith.minimumf %parallel_loop3A_124, %parallel_loop3A_123 : vector<16xf32>
        %parallel_loop3A_126 = arith.constant 3.100000e+01 : f32
        %parallel_loop3A_127 = vector.broadcast %parallel_loop3A_126 : f32 to vector<16xf32>
        %parallel_loop3A_128 = arith.mulf %parallel_loop3A_117, %parallel_loop3A_127 : vector<16xf32>
        %parallel_loop3A_129 = arith.constant 3.100000e+01 : f32
        %parallel_loop3A_130 = vector.broadcast %parallel_loop3A_129 : f32 to vector<16xf32>
        %parallel_loop3A_131 = arith.mulf %parallel_loop3A_125, %parallel_loop3A_130 : vector<16xf32>
        %parallel_loop3A_132 = arith.fptosi %parallel_loop3A_128 : vector<16xf32> to vector<16xi32>
        %parallel_loop3A_133 = arith.fptosi %parallel_loop3A_131 : vector<16xf32> to vector<16xi32>
        %parallel_loop3A_134 = arith.sitofp %parallel_loop3A_132 : vector<16xi32> to vector<16xf32>
        %parallel_loop3A_135 = arith.subf %parallel_loop3A_128, %parallel_loop3A_134 : vector<16xf32>
        %parallel_loop3A_136 = arith.sitofp %parallel_loop3A_133 : vector<16xi32> to vector<16xf32>
        %parallel_loop3A_137 = arith.subf %parallel_loop3A_131, %parallel_loop3A_136 : vector<16xf32>
        %parallel_loop3A_138 = arith.constant 1 : i32
        %parallel_loop3A_139 = vector.broadcast %parallel_loop3A_138 : i32 to vector<16xi32>
        %parallel_loop3A_140 = arith.addi %parallel_loop3A_132, %parallel_loop3A_139 : vector<16xi32>
        %parallel_loop3A_141 = arith.constant 31 : i32
        %parallel_loop3A_142 = vector.broadcast %parallel_loop3A_141 : i32 to vector<16xi32>
        %parallel_loop3A_143 = arith.minsi %parallel_loop3A_140, %parallel_loop3A_142 : vector<16xi32>
        %parallel_loop3A_144 = arith.constant 1 : i32
        %parallel_loop3A_145 = vector.broadcast %parallel_loop3A_144 : i32 to vector<16xi32>
        %parallel_loop3A_146 = arith.addi %parallel_loop3A_133, %parallel_loop3A_145 : vector<16xi32>
        %parallel_loop3A_147 = arith.constant 31 : i32
        %parallel_loop3A_148 = vector.broadcast %parallel_loop3A_147 : i32 to vector<16xi32>
        %parallel_loop3A_149 = arith.minsi %parallel_loop3A_146, %parallel_loop3A_148 : vector<16xi32>
        %parallel_loop3A_150 = arith.constant 512 : i32
        %parallel_loop3A_151 = vector.broadcast %parallel_loop3A_150 : i32 to vector<16xi32>
        %parallel_loop3A_152 = arith.muli %parallel_loop3A_132, %parallel_loop3A_151 : vector<16xi32>
        %parallel_loop3A_153 = arith.constant 512 : i32
        %parallel_loop3A_154 = vector.broadcast %parallel_loop3A_153 : i32 to vector<16xi32>
        %parallel_loop3A_155 = arith.muli %parallel_loop3A_143, %parallel_loop3A_154 : vector<16xi32>
        %parallel_loop3A_156 = arith.constant 16 : i32
        %parallel_loop3A_157 = vector.broadcast %parallel_loop3A_156 : i32 to vector<16xi32>
        %parallel_loop3A_158 = arith.muli %parallel_loop3A_133, %parallel_loop3A_157 : vector<16xi32>
        %parallel_loop3A_159 = arith.constant 16 : i32
        %parallel_loop3A_160 = vector.broadcast %parallel_loop3A_159 : i32 to vector<16xi32>
        %parallel_loop3A_161 = arith.muli %parallel_loop3A_149, %parallel_loop3A_160 : vector<16xi32>
        %parallel_loop3A_162 = arith.addi %parallel_loop3A_152, %parallel_loop3A_158 : vector<16xi32>
        %parallel_loop3A_163 = arith.addi %parallel_loop3A_152, %parallel_loop3A_161 : vector<16xi32>
        %parallel_loop3A_164 = arith.addi %parallel_loop3A_155, %parallel_loop3A_158 : vector<16xi32>
        %parallel_loop3A_165 = arith.addi %parallel_loop3A_155, %parallel_loop3A_161 : vector<16xi32>
        %parallel_loop3A_166 = arith.constant 1.000000e+00 : f32
        %parallel_loop3A_167 = vector.broadcast %parallel_loop3A_166 : f32 to vector<16xf32>
        %parallel_loop3A_168 = arith.subf %parallel_loop3A_167, %parallel_loop3A_135 : vector<16xf32>
        %parallel_loop3A_169 = arith.constant 1.000000e+00 : f32
        %parallel_loop3A_170 = vector.broadcast %parallel_loop3A_169 : f32 to vector<16xf32>
        %parallel_loop3A_171 = arith.subf %parallel_loop3A_170, %parallel_loop3A_137 : vector<16xf32>
        %parallel_loop3A_172 = arith.mulf %parallel_loop3A_168, %parallel_loop3A_171 : vector<16xf32>
        %parallel_loop3A_173 = arith.constant 1.000000e+00 : f32
        %parallel_loop3A_174 = vector.broadcast %parallel_loop3A_173 : f32 to vector<16xf32>
        %parallel_loop3A_175 = arith.subf %parallel_loop3A_174, %parallel_loop3A_135 : vector<16xf32>
        %parallel_loop3A_176 = arith.mulf %parallel_loop3A_175, %parallel_loop3A_137 : vector<16xf32>
        %parallel_loop3A_177 = arith.constant 1.000000e+00 : f32
        %parallel_loop3A_178 = vector.broadcast %parallel_loop3A_177 : f32 to vector<16xf32>
        %parallel_loop3A_179 = arith.subf %parallel_loop3A_178, %parallel_loop3A_137 : vector<16xf32>
        %parallel_loop3A_180 = arith.mulf %parallel_loop3A_135, %parallel_loop3A_179 : vector<16xf32>
        %parallel_loop3A_181 = arith.mulf %parallel_loop3A_135, %parallel_loop3A_137 : vector<16xf32>
        %parallel_loop3A_182 = arith.constant 0 : i32
        %parallel_loop3A_183 = arith.constant 16 : i32
        %parallel_loop3A_184 = arith.constant 1 : i32
        scf.for %parallel_loop3A_185 = %parallel_loop3A_182 to %parallel_loop3A_183 step %parallel_loop3A_184  : i32 {
          %parallel_loop3A_186 = vector.broadcast %parallel_loop3A_185 : i32 to vector<16xi32>
          %parallel_loop3A_187 = arith.addi %parallel_loop3A_162, %parallel_loop3A_186 : vector<16xi32>
          %parallel_loop3A_188 = tpu.vector_load_idx %arg8[%parallel_loop3A_187] : memref<16384xf32, #tpu.memory_space<vmem>>[vector<16xi32>], vector<16xf32>,
          %parallel_loop3A_189 = vector.broadcast %parallel_loop3A_185 : i32 to vector<16xi32>
          %parallel_loop3A_190 = arith.addi %parallel_loop3A_163, %parallel_loop3A_189 : vector<16xi32>
          %parallel_loop3A_191 = tpu.vector_load_idx %arg8[%parallel_loop3A_190] : memref<16384xf32, #tpu.memory_space<vmem>>[vector<16xi32>], vector<16xf32>,
          %parallel_loop3A_192 = vector.broadcast %parallel_loop3A_185 : i32 to vector<16xi32>
          %parallel_loop3A_193 = arith.addi %parallel_loop3A_164, %parallel_loop3A_192 : vector<16xi32>
          %parallel_loop3A_194 = tpu.vector_load_idx %arg8[%parallel_loop3A_193] : memref<16384xf32, #tpu.memory_space<vmem>>[vector<16xi32>], vector<16xf32>,
          %parallel_loop3A_195 = vector.broadcast %parallel_loop3A_185 : i32 to vector<16xi32>
          %parallel_loop3A_196 = arith.addi %parallel_loop3A_165, %parallel_loop3A_195 : vector<16xi32>
          %parallel_loop3A_197 = tpu.vector_load_idx %arg8[%parallel_loop3A_196] : memref<16384xf32, #tpu.memory_space<vmem>>[vector<16xi32>], vector<16xf32>,
          %parallel_loop3A_198 = arith.mulf %parallel_loop3A_188, %parallel_loop3A_172 : vector<16xf32>
          %parallel_loop3A_199 = arith.mulf %parallel_loop3A_191, %parallel_loop3A_176 : vector<16xf32>
          %parallel_loop3A_200 = arith.addf %parallel_loop3A_198, %parallel_loop3A_199 : vector<16xf32>
          %parallel_loop3A_201 = arith.mulf %parallel_loop3A_194, %parallel_loop3A_180 : vector<16xf32>
          %parallel_loop3A_202 = arith.addf %parallel_loop3A_200, %parallel_loop3A_201 : vector<16xf32>
          %parallel_loop3A_203 = arith.mulf %parallel_loop3A_197, %parallel_loop3A_181 : vector<16xf32>
          %parallel_loop3A_204 = arith.addf %parallel_loop3A_202, %parallel_loop3A_203 : vector<16xf32>
          %parallel_loop3A_205 = arith.constant 16 : i32
          %parallel_loop3A_206 = arith.muli %parallel_loop3A_104, %parallel_loop3A_205 : i32
          %parallel_loop3A_207 = arith.index_cast %parallel_loop3A_185 : i32 to index
          %parallel_loop3A_208 = arith.index_cast %parallel_loop3A_206 : i32 to index
          %parallel_loop3A_209 = tpu.vector_load %arg10[%parallel_loop3A_207, %parallel_loop3A_208] {strides = array<i32>} : memref<16x256xf32, #tpu.memory_space<vmem>>, vector<16xf32>,
          tpu.vector_store %arg10[%parallel_loop3A_207, %parallel_loop3A_208], %parallel_loop3A_204 {strides = array<i32>} : memref<16x256xf32, #tpu.memory_space<vmem>>, vector<16xf32>,
        } {sc.loop_unroll_factor = 2 : i64, sc.parallel_access}
      } {sc.loop_unroll_factor = 8 : i64, sc.parallel_access}
      %add3A_60 = arith.addi %mul3A_4, %add3A_48 : i32
      %mul3A_61 = arith.constant 256 : i32
      %mul3A_62 = arith.muli %add3A_60, %mul3A_61 : i32
      %dma_start3A_63 = arith.constant 0 : i32
      %dma_start3A_64 = tpu.memref_slice %arg5[%dma_start3A_63, %mul3A_62] : memref<16x524288xf32, #tpu.memory_space<hbm>> -> memref<16x256xf32, #tpu.memory_space<hbm>>
      %dma_start3A_65 = arith.constant 0 : i32
      %dma_start3A_66 = tpu.memref_slice %arg5[%dma_start3A_65, %mul3A_62] : memref<16x524288xf32, #tpu.memory_space<hbm>> -> memref<16x256xf32, #tpu.memory_space<hbm>>
      tpu.enqueue_dma source(%arg10 : memref<16x256xf32, #tpu.memory_space<vmem>>) target(%dma_start3A_66 : memref<16x256xf32, #tpu.memory_space<hbm>>) target_semaphore(%arg14 : memref<!tpu.dma_semaphore, #tpu.memory_space<semaphore_mem>>)
      %add3A_67 = arith.constant 2 : i32
      %add3A_68 = arith.addi %add3A_48, %add3A_67 : i32
      %lt3A = arith.constant 64 : i32
      %lt3A_69 = arith.cmpi slt, %add3A_68, %lt3A : i32
      %convert_element_type3A_70 = arith.extui %lt3A_69 : i1 to i32
      %cond3A_71 = arith.constant 0 : i32
      %cond3A_72 = arith.cmpi ne, %convert_element_type3A_70, %cond3A_71 : i32
      scf.if %cond3A_72 {
        %add3A_104 = arith.addi %mul3A_4, %add3A_48 : i32
        %add3A_105 = arith.constant 2 : i32
        %add3A_106 = arith.addi %add3A_104, %add3A_105 : i32
        %dma_start3A_107 = arith.constant 0 : i32
        %dma_start3A_108 = tpu.memref_slice %arg2[%add3A_106, %dma_start3A_107] : memref<2048x16384xf32, #tpu.memory_space<hbm>> -> memref<1x16384xf32, #tpu.memory_space<hbm>>
        %dma_start3A_109 = tpu.memref_squeeze %dma_start3A_108 : memref<1x16384xf32, #tpu.memory_space<hbm>> -> memref<16384xf32, #tpu.memory_space<hbm>>
        %dma_start3A_110 = arith.constant 0 : i32
        %dma_start3A_111 = tpu.memref_slice %arg2[%add3A_106, %dma_start3A_110] : memref<2048x16384xf32, #tpu.memory_space<hbm>> -> memref<1x16384xf32, #tpu.memory_space<hbm>>
        %dma_start3A_112 = tpu.memref_squeeze %dma_start3A_111 : memref<1x16384xf32, #tpu.memory_space<hbm>> -> memref<16384xf32, #tpu.memory_space<hbm>>
        tpu.enqueue_dma source(%dma_start3A_112 : memref<16384xf32, #tpu.memory_space<hbm>>) target(%arg8 : memref<16384xf32, #tpu.memory_space<vmem>>) target_semaphore(%arg12 : memref<!tpu.dma_semaphore, #tpu.memory_space<semaphore_mem>>)
      } else {
      }
      %add3A_73 = arith.constant 1 : i32
      %add3A_74 = arith.addi %add3A_46, %add3A_73 : i32
      %add3A_75 = arith.addi %mul3A_4, %add3A_74 : i32
      %dma_wait3A_76 = arith.constant 0 : i32
      %dma_wait3A_77 = tpu.memref_slice %arg2[%add3A_75, %dma_wait3A_76] : memref<2048x16384xf32, #tpu.memory_space<hbm>> -> memref<1x16384xf32, #tpu.memory_space<hbm>>
      %dma_wait3A_78 = tpu.memref_squeeze %dma_wait3A_77 : memref<1x16384xf32, #tpu.memory_space<hbm>> -> memref<16384xf32, #tpu.memory_space<hbm>>
      %dma_wait3A_79 = arith.constant 0 : i32
      %dma_wait3A_80 = tpu.memref_slice %arg2[%add3A_75, %dma_wait3A_79] : memref<2048x16384xf32, #tpu.memory_space<hbm>> -> memref<1x16384xf32, #tpu.memory_space<hbm>>
      %dma_wait3A_81 = tpu.memref_squeeze %dma_wait3A_80 : memref<1x16384xf32, #tpu.memory_space<hbm>> -> memref<16384xf32, #tpu.memory_space<hbm>>
      tpu.wait_dma2 semaphore(%arg13 : memref<!tpu.dma_semaphore, #tpu.memory_space<semaphore_mem>>) src(%dma_wait3A_81 : memref<16384xf32, #tpu.memory_space<hbm>>) dst(%arg9 : memref<16384xf32, #tpu.memory_space<vmem>>)
      %gt3A_82 = arith.constant 0 : i32
      %gt3A_83 = arith.cmpi sgt, %add3A_46, %gt3A_82 : i32
      %convert_element_type3A_84 = arith.extui %gt3A_83 : i1 to i32
      %cond3A_85 = arith.constant 0 : i32
      %cond3A_86 = arith.cmpi ne, %convert_element_type3A_84, %cond3A_85 : i32
      scf.if %cond3A_86 {
        %add3A_104 = arith.addi %mul3A_4, %add3A_74 : i32
        %sub3A_105 = arith.constant 2 : i32
        %sub3A_106 = arith.subi %add3A_104, %sub3A_105 : i32
        %mul3A_107 = arith.constant 256 : i32
        %mul3A_108 = arith.muli %sub3A_106, %mul3A_107 : i32
        %dma_wait3A_109 = arith.constant 0 : i32
        %dma_wait3A_110 = tpu.memref_slice %arg5[%dma_wait3A_109, %mul3A_108] : memref<16x524288xf32, #tpu.memory_space<hbm>> -> memref<16x256xf32, #tpu.memory_space<hbm>>
        %dma_wait3A_111 = arith.constant 0 : i32
        %dma_wait3A_112 = tpu.memref_slice %arg5[%dma_wait3A_111, %mul3A_108] : memref<16x524288xf32, #tpu.memory_space<hbm>> -> memref<16x256xf32, #tpu.memory_space<hbm>>
        tpu.wait_dma2 semaphore(%arg15 : memref<!tpu.dma_semaphore, #tpu.memory_space<semaphore_mem>>) src(%arg11 : memref<16x256xf32, #tpu.memory_space<vmem>>) dst(%dma_wait3A_112 : memref<16x256xf32, #tpu.memory_space<hbm>>)
      } else {
      }
      %parallel_loop3A_87 = arith.constant 0 : i32
      %parallel_loop3A_88 = arith.constant 16 : i32
      %parallel_loop3A_89 = arith.constant 1 : i32
      scf.for %parallel_loop3A_104 = %parallel_loop3A_87 to %parallel_loop3A_88 step %parallel_loop3A_89  : i32 {
        %parallel_loop3A_105 = arith.constant 256 : i32
        %parallel_loop3A_106 = arith.muli %add3A_74, %parallel_loop3A_105 : i32
        %parallel_loop3A_107 = arith.constant 16 : i32
        %parallel_loop3A_108 = arith.muli %parallel_loop3A_104, %parallel_loop3A_107 : i32
        %parallel_loop3A_109 = arith.addi %parallel_loop3A_106, %parallel_loop3A_108 : i32
        %parallel_loop3A_110 = arith.index_cast %parallel_loop3A_109 : i32 to index
        %parallel_loop3A_111 = tpu.vector_load %arg6[%parallel_loop3A_110] {strides = array<i32>} : memref<16384xf32, #tpu.memory_space<vmem>>, vector<16xf32>,
        %parallel_loop3A_112 = arith.constant 0.000000e+00 : f32
        %parallel_loop3A_113 = arith.constant 1.000000e+00 : f32
        %parallel_loop3A_114 = vector.broadcast %parallel_loop3A_112 : f32 to vector<16xf32>
        %parallel_loop3A_115 = arith.maximumf %parallel_loop3A_114, %parallel_loop3A_111 : vector<16xf32>
        %parallel_loop3A_116 = vector.broadcast %parallel_loop3A_113 : f32 to vector<16xf32>
        %parallel_loop3A_117 = arith.minimumf %parallel_loop3A_116, %parallel_loop3A_115 : vector<16xf32>
        %parallel_loop3A_118 = arith.index_cast %parallel_loop3A_109 : i32 to index
        %parallel_loop3A_119 = tpu.vector_load %arg7[%parallel_loop3A_118] {strides = array<i32>} : memref<16384xf32, #tpu.memory_space<vmem>>, vector<16xf32>,
        %parallel_loop3A_120 = arith.constant 0.000000e+00 : f32
        %parallel_loop3A_121 = arith.constant 1.000000e+00 : f32
        %parallel_loop3A_122 = vector.broadcast %parallel_loop3A_120 : f32 to vector<16xf32>
        %parallel_loop3A_123 = arith.maximumf %parallel_loop3A_122, %parallel_loop3A_119 : vector<16xf32>
        %parallel_loop3A_124 = vector.broadcast %parallel_loop3A_121 : f32 to vector<16xf32>
        %parallel_loop3A_125 = arith.minimumf %parallel_loop3A_124, %parallel_loop3A_123 : vector<16xf32>
        %parallel_loop3A_126 = arith.constant 3.100000e+01 : f32
        %parallel_loop3A_127 = vector.broadcast %parallel_loop3A_126 : f32 to vector<16xf32>
        %parallel_loop3A_128 = arith.mulf %parallel_loop3A_117, %parallel_loop3A_127 : vector<16xf32>
        %parallel_loop3A_129 = arith.constant 3.100000e+01 : f32
        %parallel_loop3A_130 = vector.broadcast %parallel_loop3A_129 : f32 to vector<16xf32>
        %parallel_loop3A_131 = arith.mulf %parallel_loop3A_125, %parallel_loop3A_130 : vector<16xf32>
        %parallel_loop3A_132 = arith.fptosi %parallel_loop3A_128 : vector<16xf32> to vector<16xi32>
        %parallel_loop3A_133 = arith.fptosi %parallel_loop3A_131 : vector<16xf32> to vector<16xi32>
        %parallel_loop3A_134 = arith.sitofp %parallel_loop3A_132 : vector<16xi32> to vector<16xf32>
        %parallel_loop3A_135 = arith.subf %parallel_loop3A_128, %parallel_loop3A_134 : vector<16xf32>
        %parallel_loop3A_136 = arith.sitofp %parallel_loop3A_133 : vector<16xi32> to vector<16xf32>
        %parallel_loop3A_137 = arith.subf %parallel_loop3A_131, %parallel_loop3A_136 : vector<16xf32>
        %parallel_loop3A_138 = arith.constant 1 : i32
        %parallel_loop3A_139 = vector.broadcast %parallel_loop3A_138 : i32 to vector<16xi32>
        %parallel_loop3A_140 = arith.addi %parallel_loop3A_132, %parallel_loop3A_139 : vector<16xi32>
        %parallel_loop3A_141 = arith.constant 31 : i32
        %parallel_loop3A_142 = vector.broadcast %parallel_loop3A_141 : i32 to vector<16xi32>
        %parallel_loop3A_143 = arith.minsi %parallel_loop3A_140, %parallel_loop3A_142 : vector<16xi32>
        %parallel_loop3A_144 = arith.constant 1 : i32
        %parallel_loop3A_145 = vector.broadcast %parallel_loop3A_144 : i32 to vector<16xi32>
        %parallel_loop3A_146 = arith.addi %parallel_loop3A_133, %parallel_loop3A_145 : vector<16xi32>
        %parallel_loop3A_147 = arith.constant 31 : i32
        %parallel_loop3A_148 = vector.broadcast %parallel_loop3A_147 : i32 to vector<16xi32>
        %parallel_loop3A_149 = arith.minsi %parallel_loop3A_146, %parallel_loop3A_148 : vector<16xi32>
        %parallel_loop3A_150 = arith.constant 512 : i32
        %parallel_loop3A_151 = vector.broadcast %parallel_loop3A_150 : i32 to vector<16xi32>
        %parallel_loop3A_152 = arith.muli %parallel_loop3A_132, %parallel_loop3A_151 : vector<16xi32>
        %parallel_loop3A_153 = arith.constant 512 : i32
        %parallel_loop3A_154 = vector.broadcast %parallel_loop3A_153 : i32 to vector<16xi32>
        %parallel_loop3A_155 = arith.muli %parallel_loop3A_143, %parallel_loop3A_154 : vector<16xi32>
        %parallel_loop3A_156 = arith.constant 16 : i32
        %parallel_loop3A_157 = vector.broadcast %parallel_loop3A_156 : i32 to vector<16xi32>
        %parallel_loop3A_158 = arith.muli %parallel_loop3A_133, %parallel_loop3A_157 : vector<16xi32>
        %parallel_loop3A_159 = arith.constant 16 : i32
        %parallel_loop3A_160 = vector.broadcast %parallel_loop3A_159 : i32 to vector<16xi32>
        %parallel_loop3A_161 = arith.muli %parallel_loop3A_149, %parallel_loop3A_160 : vector<16xi32>
        %parallel_loop3A_162 = arith.addi %parallel_loop3A_152, %parallel_loop3A_158 : vector<16xi32>
        %parallel_loop3A_163 = arith.addi %parallel_loop3A_152, %parallel_loop3A_161 : vector<16xi32>
        %parallel_loop3A_164 = arith.addi %parallel_loop3A_155, %parallel_loop3A_158 : vector<16xi32>
        %parallel_loop3A_165 = arith.addi %parallel_loop3A_155, %parallel_loop3A_161 : vector<16xi32>
        %parallel_loop3A_166 = arith.constant 1.000000e+00 : f32
        %parallel_loop3A_167 = vector.broadcast %parallel_loop3A_166 : f32 to vector<16xf32>
        %parallel_loop3A_168 = arith.subf %parallel_loop3A_167, %parallel_loop3A_135 : vector<16xf32>
        %parallel_loop3A_169 = arith.constant 1.000000e+00 : f32
        %parallel_loop3A_170 = vector.broadcast %parallel_loop3A_169 : f32 to vector<16xf32>
        %parallel_loop3A_171 = arith.subf %parallel_loop3A_170, %parallel_loop3A_137 : vector<16xf32>
        %parallel_loop3A_172 = arith.mulf %parallel_loop3A_168, %parallel_loop3A_171 : vector<16xf32>
        %parallel_loop3A_173 = arith.constant 1.000000e+00 : f32
        %parallel_loop3A_174 = vector.broadcast %parallel_loop3A_173 : f32 to vector<16xf32>
        %parallel_loop3A_175 = arith.subf %parallel_loop3A_174, %parallel_loop3A_135 : vector<16xf32>
        %parallel_loop3A_176 = arith.mulf %parallel_loop3A_175, %parallel_loop3A_137 : vector<16xf32>
        %parallel_loop3A_177 = arith.constant 1.000000e+00 : f32
        %parallel_loop3A_178 = vector.broadcast %parallel_loop3A_177 : f32 to vector<16xf32>
        %parallel_loop3A_179 = arith.subf %parallel_loop3A_178, %parallel_loop3A_137 : vector<16xf32>
        %parallel_loop3A_180 = arith.mulf %parallel_loop3A_135, %parallel_loop3A_179 : vector<16xf32>
        %parallel_loop3A_181 = arith.mulf %parallel_loop3A_135, %parallel_loop3A_137 : vector<16xf32>
        %parallel_loop3A_182 = arith.constant 0 : i32
        %parallel_loop3A_183 = arith.constant 16 : i32
        %parallel_loop3A_184 = arith.constant 1 : i32
        scf.for %parallel_loop3A_185 = %parallel_loop3A_182 to %parallel_loop3A_183 step %parallel_loop3A_184  : i32 {
          %parallel_loop3A_186 = vector.broadcast %parallel_loop3A_185 : i32 to vector<16xi32>
          %parallel_loop3A_187 = arith.addi %parallel_loop3A_162, %parallel_loop3A_186 : vector<16xi32>
          %parallel_loop3A_188 = tpu.vector_load_idx %arg9[%parallel_loop3A_187] : memref<16384xf32, #tpu.memory_space<vmem>>[vector<16xi32>], vector<16xf32>,
          %parallel_loop3A_189 = vector.broadcast %parallel_loop3A_185 : i32 to vector<16xi32>
          %parallel_loop3A_190 = arith.addi %parallel_loop3A_163, %parallel_loop3A_189 : vector<16xi32>
          %parallel_loop3A_191 = tpu.vector_load_idx %arg9[%parallel_loop3A_190] : memref<16384xf32, #tpu.memory_space<vmem>>[vector<16xi32>], vector<16xf32>,
          %parallel_loop3A_192 = vector.broadcast %parallel_loop3A_185 : i32 to vector<16xi32>
          %parallel_loop3A_193 = arith.addi %parallel_loop3A_164, %parallel_loop3A_192 : vector<16xi32>
          %parallel_loop3A_194 = tpu.vector_load_idx %arg9[%parallel_loop3A_193] : memref<16384xf32, #tpu.memory_space<vmem>>[vector<16xi32>], vector<16xf32>,
          %parallel_loop3A_195 = vector.broadcast %parallel_loop3A_185 : i32 to vector<16xi32>
          %parallel_loop3A_196 = arith.addi %parallel_loop3A_165, %parallel_loop3A_195 : vector<16xi32>
          %parallel_loop3A_197 = tpu.vector_load_idx %arg9[%parallel_loop3A_196] : memref<16384xf32, #tpu.memory_space<vmem>>[vector<16xi32>], vector<16xf32>,
          %parallel_loop3A_198 = arith.mulf %parallel_loop3A_188, %parallel_loop3A_172 : vector<16xf32>
          %parallel_loop3A_199 = arith.mulf %parallel_loop3A_191, %parallel_loop3A_176 : vector<16xf32>
          %parallel_loop3A_200 = arith.addf %parallel_loop3A_198, %parallel_loop3A_199 : vector<16xf32>
          %parallel_loop3A_201 = arith.mulf %parallel_loop3A_194, %parallel_loop3A_180 : vector<16xf32>
          %parallel_loop3A_202 = arith.addf %parallel_loop3A_200, %parallel_loop3A_201 : vector<16xf32>
          %parallel_loop3A_203 = arith.mulf %parallel_loop3A_197, %parallel_loop3A_181 : vector<16xf32>
          %parallel_loop3A_204 = arith.addf %parallel_loop3A_202, %parallel_loop3A_203 : vector<16xf32>
          %parallel_loop3A_205 = arith.constant 16 : i32
          %parallel_loop3A_206 = arith.muli %parallel_loop3A_104, %parallel_loop3A_205 : i32
          %parallel_loop3A_207 = arith.index_cast %parallel_loop3A_185 : i32 to index
          %parallel_loop3A_208 = arith.index_cast %parallel_loop3A_206 : i32 to index
          %parallel_loop3A_209 = tpu.vector_load %arg11[%parallel_loop3A_207, %parallel_loop3A_208] {strides = array<i32>} : memref<16x256xf32, #tpu.memory_space<vmem>>, vector<16xf32>,
          tpu.vector_store %arg11[%parallel_loop3A_207, %parallel_loop3A_208], %parallel_loop3A_204 {strides = array<i32>} : memref<16x256xf32, #tpu.memory_space<vmem>>, vector<16xf32>,
        } {sc.loop_unroll_factor = 2 : i64, sc.parallel_access}
      } {sc.loop_unroll_factor = 8 : i64, sc.parallel_access}
      %add3A_90 = arith.addi %mul3A_4, %add3A_74 : i32
      %mul3A_91 = arith.constant 256 : i32
      %mul3A_92 = arith.muli %add3A_90, %mul3A_91 : i32
      %dma_start3A_93 = arith.constant 0 : i32
      %dma_start3A_94 = tpu.memref_slice %arg5[%dma_start3A_93, %mul3A_92] : memref<16x524288xf32, #tpu.memory_space<hbm>> -> memref<16x256xf32, #tpu.memory_space<hbm>>
      %dma_start3A_95 = arith.constant 0 : i32
      %dma_start3A_96 = tpu.memref_slice %arg5[%dma_start3A_95, %mul3A_92] : memref<16x524288xf32, #tpu.memory_space<hbm>> -> memref<16x256xf32, #tpu.memory_space<hbm>>
      tpu.enqueue_dma source(%arg11 : memref<16x256xf32, #tpu.memory_space<vmem>>) target(%dma_start3A_96 : memref<16x256xf32, #tpu.memory_space<hbm>>) target_semaphore(%arg15 : memref<!tpu.dma_semaphore, #tpu.memory_space<semaphore_mem>>)
      %add3A_97 = arith.constant 2 : i32
      %add3A_98 = arith.addi %add3A_74, %add3A_97 : i32
      %lt3A_99 = arith.constant 64 : i32
      %lt3A_100 = arith.cmpi slt, %add3A_98, %lt3A_99 : i32
      %convert_element_type3A_101 = arith.extui %lt3A_100 : i1 to i32
      %cond3A_102 = arith.constant 0 : i32
      %cond3A_103 = arith.cmpi ne, %convert_element_type3A_101, %cond3A_102 : i32
      scf.if %cond3A_103 {
        %add3A_104 = arith.addi %mul3A_4, %add3A_74 : i32
        %add3A_105 = arith.constant 2 : i32
        %add3A_106 = arith.addi %add3A_104, %add3A_105 : i32
        %dma_start3A_107 = arith.constant 0 : i32
        %dma_start3A_108 = tpu.memref_slice %arg2[%add3A_106, %dma_start3A_107] : memref<2048x16384xf32, #tpu.memory_space<hbm>> -> memref<1x16384xf32, #tpu.memory_space<hbm>>
        %dma_start3A_109 = tpu.memref_squeeze %dma_start3A_108 : memref<1x16384xf32, #tpu.memory_space<hbm>> -> memref<16384xf32, #tpu.memory_space<hbm>>
        %dma_start3A_110 = arith.constant 0 : i32
        %dma_start3A_111 = tpu.memref_slice %arg2[%add3A_106, %dma_start3A_110] : memref<2048x16384xf32, #tpu.memory_space<hbm>> -> memref<1x16384xf32, #tpu.memory_space<hbm>>
        %dma_start3A_112 = tpu.memref_squeeze %dma_start3A_111 : memref<1x16384xf32, #tpu.memory_space<hbm>> -> memref<16384xf32, #tpu.memory_space<hbm>>
        tpu.enqueue_dma source(%dma_start3A_112 : memref<16384xf32, #tpu.memory_space<hbm>>) target(%arg9 : memref<16384xf32, #tpu.memory_space<vmem>>) target_semaphore(%arg13 : memref<!tpu.dma_semaphore, #tpu.memory_space<semaphore_mem>>)
      } else {
      }
    }
    %scan3A_23 = arith.constant 32 : i32
    %add3A_24 = arith.constant 64 : i32
    %add3A_25 = arith.addi %mul3A_4, %add3A_24 : i32
    %sub3A = arith.constant 2 : i32
    %sub3A_26 = arith.subi %add3A_25, %sub3A : i32
    %mul3A_27 = arith.constant 256 : i32
    %mul3A_28 = arith.muli %sub3A_26, %mul3A_27 : i32
    %dma_wait3A = arith.constant 0 : i32
    %dma_wait3A_29 = tpu.memref_slice %arg5[%dma_wait3A, %mul3A_28] : memref<16x524288xf32, #tpu.memory_space<hbm>> -> memref<16x256xf32, #tpu.memory_space<hbm>>
    %dma_wait3A_30 = arith.constant 0 : i32
    %dma_wait3A_31 = tpu.memref_slice %arg5[%dma_wait3A_30, %mul3A_28] : memref<16x524288xf32, #tpu.memory_space<hbm>> -> memref<16x256xf32, #tpu.memory_space<hbm>>
    tpu.wait_dma2 semaphore(%arg14 : memref<!tpu.dma_semaphore, #tpu.memory_space<semaphore_mem>>) src(%arg10 : memref<16x256xf32, #tpu.memory_space<vmem>>) dst(%dma_wait3A_31 : memref<16x256xf32, #tpu.memory_space<hbm>>)
    %add3A_32 = arith.constant 64 : i32
    %add3A_33 = arith.addi %mul3A_4, %add3A_32 : i32
    %sub3A_34 = arith.constant 1 : i32
    %sub3A_35 = arith.subi %add3A_33, %sub3A_34 : i32
    %mul3A_36 = arith.constant 256 : i32
    %mul3A_37 = arith.muli %sub3A_35, %mul3A_36 : i32
    %dma_wait3A_38 = arith.constant 0 : i32
    %dma_wait3A_39 = tpu.memref_slice %arg5[%dma_wait3A_38, %mul3A_37] : memref<16x524288xf32, #tpu.memory_space<hbm>> -> memref<16x256xf32, #tpu.memory_space<hbm>>
    %dma_wait3A_40 = arith.constant 0 : i32
    %dma_wait3A_41 = tpu.memref_slice %arg5[%dma_wait3A_40, %mul3A_37] : memref<16x524288xf32, #tpu.memory_space<hbm>> -> memref<16x256xf32, #tpu.memory_space<hbm>>
    tpu.wait_dma2 semaphore(%arg15 : memref<!tpu.dma_semaphore, #tpu.memory_space<semaphore_mem>>) src(%arg11 : memref<16x256xf32, #tpu.memory_space<vmem>>) dst(%dma_wait3A_41 : memref<16x256xf32, #tpu.memory_space<hbm>>)
    return
  }
}

</mosaic_0001>

<sc_bundles>
// kernel: kernel.3.cloned.1.call-start
scs
__scs_entry_jumppad:
0x0: {  	(pc) =	sbr.rel $0x88, $3  }
0x1: {  	(tag) =	ssettag $0x0;
	lr =	simm.s32 $0x1  }
0x2: {  	[smem:$0x3F9E] =	sst lr;
	_ =	strace $0xD0000000  }
0x3: {  	_ = 	snop  }
0x4: {  	_ = 	snop  }
0x5: {  	_ = 	snop  }
0x6: {  	_ = 	snop  }
0x7: {  	_ = 	snop  }
__scs_overlays_trampoline_lowered:
0x8: {  	[smem:$0x3FAD] =	sst s0  }
0x9: {  	[smem:$0x3FAE] =	sst s1  }
0xa: {  	[smem:$0x3FAF] =	sst s2  }
0xb: {  	[smem:$0x3FB0] =	sst s3  }
0xc: {  	[smem:$0x3FB1] =	sst s4  }
0xd: {  	[smem:$0x3FB2] =	sst s5  }
0xe: {  	[smem:$0x3FB3] =	sst s6  }
0xf: {  	[smem:$0x3FB4] =	sst s7  }
0x10: {  	[smem:$0x3FB5] =	sst s8  }
0x11: {  	[smem:$0x3FB6] =	sst s9;
	s0 =	simm.s32 @!p0 $0x0  }
0x12: {  	s1 =	sld [smem:$0x3F9C];
	s0 =	simm.s32 @p0 $0x1  }
0x13: {  	[smem:$0x3FB7] =	sst s0;
	s0 =	simm.s32 @!p1 $0x0  }
0x14: {  	s2 =	sld [smem:$0x3F9B];
	s0 =	simm.s32 @p1 $0x1  }
0x15: {  	[smem:$0x3FB8] =	sst s0;
	s0 =	simm.s32 @!p2 $0x0  }
0x16: {  	s3 =	sld [smem:$0x3FDB];
	s0 =	simm.s32 @p2 $0x1  }
0x17: {  	s4 =	simm.s32 $0x1BF5;
	[smem:$0x3FBA] =	sst s0  }
0x18: {  	s0 =	sld [smem:$0x3F9D];
	_ =	swait.ge [sflag:s4], $0x0  }
0x19: {  	s7 =	sld [smem:$0x3F9E]  }
0x1a: {  	s8 =	sadd.s32 $0xFFFFE003, lr  }
0x1b: {  	s9 =	sadd.s32 $0xFFFFFEF7, lr;
	s5 =	simm.s32 $0xFFFFFFFF;
	p2 =	slt.u32 s8, $0xFFFFF086  }
0x1c: {  	p1 =	slt.u32 s9, $0xF7A;
	s5 =	simm.s32 @!p2 $0x0  }
0x1d: {  	s5 =	simm.s32 @p1 $0x1;
	p0 =	seq.s32 s7, s2  }
0x1e: {  	s7 =	smul.u32 @!p0 $0xF7A, s2;
	p2 =	seq.s32 @!p0 s5, $0x0  }
0x1f: {  	s9 =	smul.u32 $0xF7A, s1;
	s8 =	simm.s32 @!p0 $0x1BF5;
	p2 =	por !p2, p0  }
0x20: {  	[sflag:s8] =	ssyncset.s32 @!p0 $0xFFFFF086;
	s6 =	sadd.s32 @!p0 s3, s7;
	s7 =	simm.s32 @!p0 $0x108  }
0x21: {  	s3 =	sadd.s32 s3, s9;
	s6 =	sadd.s32 @!p0 $0x88, s6;
	s7 =	simm.s32 @p2 $0x1082  }
0x22: {  	[simem:s7], [sflag:s8] =	dma.local @!p0 [hbm:s6], $0xF7A  }
0x23: {  	s9 =	sor.u32 $0xD0000000, s2;
	s6 =	simm.s32 $0x108;
	_ =	swait.ge @!p0 [sflag:s8], $0x0  }
0x24: {  	s3 =	sadd.s32 $0x88, s3;
	s6 =	simm.s32 @!p1 $0x1082;
	[sflag:s4] =	ssyncset.s32 $0xFFFFF086  }
0x25: {  	[simem:s6], [sflag:s4] =	dma.local [hbm:s3], $0xF7A  }
0x26: {  	[smem:$0x3F9E] =	sst s1;
	(tag) =	ssettag s2;
	_ =	strace s9  }
0x27: {  	s1 =	sld [smem:$0x3FAE]  }
0x28: {  	s2 =	sld [smem:$0x3FAF]  }
0x29: {  	s4 =	sld [smem:$0x3FB1]  }
0x2a: {  	p0 =	seq.s32 s5, $0x0;
	s5 =	sld [smem:$0x3FB2]  }
0x2b: {  	s6 =	sld [smem:$0x3FB3]  }
0x2c: {  	s7 =	sld [smem:$0x3FB4]  }
0x2d: {  	s3 =	simm.s32 $0x108;
	s8 =	sld [smem:$0x3FB5]  }
0x2e: {  	s3 =	simm.s32 @!p0 $0x1082;
	s9 =	sld [smem:$0x3FB6]  }
0x2f: {  	lr =	sadd.s32 s0, s3;
	s0 =	sld [smem:$0x3FAD]  }
0x30: {  	s3 =	sld [smem:$0x3FB0]  }
0x31: {  	[smem:$0x3FB9] =	sst s10  }
0x32: {  	s10 =	sld [smem:$0x3FB7];
	_ =	sdelay $0x3  }
0x33: {  	p0 =	seq.s32 s10, $0x1;
	s10 =	sld [smem:$0x3FB9];
	_ =	sdelay $0x3  }
0x34: {  	[smem:$0x3FB9] =	sst s10  }
0x35: {  	s10 =	sld [smem:$0x3FB8];
	_ =	sdelay $0x3  }
0x36: {  	p1 =	seq.s32 s10, $0x1;
	s10 =	sld [smem:$0x3FB9];
	_ =	sdelay $0x3  }
0x37: {  	[smem:$0x3FB9] =	sst s10  }
0x38: {  	s10 =	sld [smem:$0x3FBA]  }
0x39: {  	_ = 	snop;
	(pc) =	sbr.ind lr, $3  }
0x3a: {  	_ = 	snop  }
0x3b: {  	_ = 	snop  }
0x3c: {  	p2 =	seq.s32 s10, $0x1;
	s10 =	sld [smem:$0x3FB9]  }
0x3d: {  	_ =	shalt  }
0x3e: {  	_ =	shalt  }
0x3f: {  	_ =	shalt  }
0x40: {  	_ =	shalt  }
0x41: {  	_ =	shalt  }
0x42: {  	_ =	shalt  }
0x43: {  	_ =	shalt  }
0x44: {  	_ =	shalt  }
0x45: {  	_ =	shalt  }
0x46: {  	_ =	shalt  }
0x47: {  	_ =	shalt  }
0x48: {  	_ =	shalt  }
0x49: {  	_ =	shalt  }
0x4a: {  	_ =	shalt  }
0x4b: {  	_ =	shalt  }
0x4c: {  	_ =	shalt  }
0x4d: {  	_ =	shalt  }
0x4e: {  	_ =	shalt  }
0x4f: {  	_ =	shalt  }
0x50: {  	_ =	shalt  }
0x51: {  	_ =	shalt  }
0x52: {  	_ =	shalt  }
0x53: {  	_ =	shalt  }
0x54: {  	_ =	shalt  }
0x55: {  	_ =	shalt  }
0x56: {  	_ =	shalt  }
0x57: {  	_ =	shalt  }
0x58: {  	_ =	shalt  }
0x59: {  	_ =	shalt  }
0x5a: {  	_ =	shalt  }
0x5b: {  	_ =	shalt  }
0x5c: {  	_ =	shalt  }
0x5d: {  	_ =	shalt  }
0x5e: {  	_ =	shalt  }
0x5f: {  	_ =	shalt  }
0x60: {  	_ =	shalt  }
0x61: {  	_ =	shalt  }
0x62: {  	_ =	shalt  }
0x63: {  	_ =	shalt  }
0x64: {  	_ =	shalt  }
0x65: {  	_ =	shalt  }
0x66: {  	_ =	shalt  }
0x67: {  	_ =	shalt  }
0x68: {  	_ =	shalt  }
0x69: {  	_ =	shalt  }
0x6a: {  	_ =	shalt  }
0x6b: {  	_ =	shalt  }
0x6c: {  	_ =	shalt  }
0x6d: {  	_ =	shalt  }
0x6e: {  	_ =	shalt  }
0x6f: {  	_ =	shalt  }
0x70: {  	_ =	shalt  }
0x71: {  	_ =	shalt  }
0x72: {  	_ =	shalt  }
0x73: {  	_ =	shalt  }
0x74: {  	_ =	shalt  }
0x75: {  	_ =	shalt  }
0x76: {  	_ =	shalt  }
0x77: {  	_ =	shalt  }
0x78: {  	_ =	shalt  }
0x79: {  	_ =	shalt  }
0x7a: {  	_ =	shalt  }
0x7b: {  	_ =	shalt  }
0x7c: {  	_ =	shalt  }
0x7d: {  	_ =	shalt  }
0x7e: {  	_ =	shalt  }
0x7f: {  	_ =	shalt  }
0x80: {  	_ =	shalt  }
0x81: {  	_ =	shalt  }
0x82: {  	_ =	shalt  }
0x83: {  	_ =	shalt  }
0x84: {  	_ =	shalt  }
0x85: {  	_ =	shalt  }
0x86: {  	_ =	shalt  }
0x87: {  	_ =	shalt  }
.Lfunc_end0:
.L_simem_size_0:
called_computation_lowered:
.L_overlay_start_0:
0x88: {  	s2 =	sld [smem:$0x3FD9]  }
0x89: {  	s3 =	sld [smem:$0x3FFE];
	_ =	sdelay $0x1  }
0x8a: {  	s1 =	srdreg.scid  }
0x8b: {  	s0 =	sand.u32 $0x1, s1  }
0x8c: {  	s17 =	sshll.u32 s0, $0xA;
	s2 =	sadd.s32 s3, s2  }
0x8d: {  	s2 =	sadd.s32 s2, s17  }
0x8e: {  	[smem:$0x3FC5] =	sst s2  }
0x8f: {  	_ = 	snop  }
0x90: {  	s2 =	sld [smem:$0x3FC8]  }
0x91: {  	s18 =	sld [smem:$0x3FC7]  }
0x92: {  	s4 =	sld [smem:$0x3FD0];
	(tm) =	ssettm $0x1  }
0x93: {  	s5 =	sld [smem:$0x3FFB];
	_ =	sdelay $0x3  }
0x94: {  	_ =	strace s5  }
0x95: {  	s5 =	sld [smem:$0x3FFC];
	_ =	sdelay $0x3  }
0x96: {  	_ =	strace s5  }
0x97: {  	s5 =	sld [smem:$0x3FFD];
	_ =	sdelay $0x3  }
0x98: {  	_ =	strace s5  }
0x99: {  	_ =	strace $0x8FFFFFFF  }
0x9a: {  	s19 =	sld [smem:$0x3FDB];
	_ =	sdelay $0x1  }
0x9b: {  	s6 =	simm.s32 $_scs_section_size  }
0x9c: {  	s7 =	simm.s32 $_size__tile_overlayer_lowered;
	s8 =	simm.s32 $_tile_overlayer_lowered  }
0x9d: {  	s22 =	simm.s32 $0x1BFF;
	s21 =	sshll.u32 s8, $0x1;
	s5 =	sadd.s32 s6, s19  }
0x9e: {  	s9 =	simm.s32 $0x0;
	s20 =	sshll.u32 s7, $0x1;
	s7 =	sadd.s32 s21, s5  }
0x9f: {  	[timem:s9], [sflag:s22] =	dma.local [hbm:s7], s20  }
0xa0: {  	_ =	swait.ge [sflag:s22], s20  }
0xa1: {  	s6 =	ssub.s32 $0x0, s20;
	[sflag:s22] =	ssyncset.done $0x0  }
0xa2: {  	[sflag:s22] =	ssyncadd.s32 s6;
	_ =	sdelay $0x1  }
0xa3: {  	s23 =	simm.s32 $0x1B8B  }
0xa4: {  	_ =	swait.ge [sflag:s23], $0x1  }
0xa5: {  	[sflag:s23] =	ssyncset.done $0x0  }
0xa6: {  	s25 =	simm.s32 $0x1B8E;
	s24 =	sld [smem:$0x3FFE];
	[sflag:s23] =	ssyncadd.s32 $0xFFFFFFFF  }
0xa7: {  	s26 =	simm.s32 $execute0_lowered;
	[smem:$0x3FD2] =	sst s25  }
0xa8: {  	s7 =	sshll.u32 s26, $0x1;
	_ =	strace $0x80000046;
	[dreg:$0x1] =	wrdreg $0xFFFFFFFF  }
0xa9: {  	s28 =	simm.s32 $_size_execute0_lowered;
	s5 =	sadd.s32 s5, s7;
	[dreg:$0x0] =	wrdreg $0x0  }
0xaa: {  	s7 =	sshll.u32 s28, $0x1;
	[dreg:$0x2] =	wrdreg s5  }
0xab: {  	[dreg:$0x3] =	wrdreg s7  }
0xac: {  	[dreg:$0x4] =	wrdreg $0xC0  }
0xad: {  	_ =	task [dreg:s9], $0x5FFFF  }
0xae: {  	[dreg:$0x1] =	wrdreg $0xFFFFFFFF  }
0xaf: {  	[dreg:$0x0] =	wrdreg $0x60  }
0xb0: {  	[dreg:$0x2] =	wrdreg s24  }
0xb1: {  	[dreg:$0x3] =	wrdreg s2  }
0xb2: {  	[dreg:$0x4] =	wrdreg s18  }
0xb3: {  	[dreg:$0x5] =	wrdreg s4  }
0xb4: {  	[dreg:$0x6] =	wrdreg $0x9  }
0xb5: {  	_ =	task.clear_ibuf [dreg:s9], $0x7FFFF;
	_ =	strace $0x90000046  }
0xb6: {  	s29 =	simm.s32 $0x9;
	_ =	strace $0x80000048  }
0xb7: {  	_ =	swait.ge [sflag:s29], $0x1  }
0xb8: {  	[sflag:s29] =	ssyncadd.s32 $0xFFFFFFFF  }
0xb9: {  	_ =	strace $0x90000048  }
0xba: {  	_ =	sfence  }
0xbb: {  	s30 =	sld [smem:$0x0];
	_ =	sdelay $0x2  }
0xbc: {  	s31 =	sshll.u32 s1, $0xD;
	s1 =	sshrl.u32 s1, $0x2  }
0xbd: {  	s3 =	sand.u32 $0x4000, s31;
	s1 =	sadd.s32 s1, s30  }
0xbe: {  	s0 =	sor.u32 s3, s0;
	s1 =	sshll.u32 s1, $0x11  }
0xbf: {  	s0 =	sor.u32 s1, s0  }
0xc0: {  	s0 =	sadd.s32 $0x8F2B, s0  }
0xc1: {  	[sflag:s0] =	ssyncadd.remote.s32 $0x1  }
0xc2: {  	_ =	sfence.sel $0xFFFF  }
0xc3: {  	[dreg:$0x0] =	wrdreg $0xFFFFFFFF;
	(pc) =	sbr.abs _section_cstart, $3  }
0xc4: {  	[dreg:$0x1] =	wrdreg $0xFFFFFFFF  }
0xc5: {  	_ =	task.clear_ibuf [dreg:s9], $0x2FFFF;
	_ =	strace $0x9FFFFFFF  }
0xc6: {  	(tm) =	ssettm $0x7FFFFFFF  }
0xc7: {  	_ =	shalt  }
tec
execute0_lowered:
.L_overlay_start_1:
0x0: {  	(tag) =	ssettag $0x1  }
0x1: {  	s0 =	rddreg [dreg:$0x0]  }
0x2: {  	s2 =	rddreg [dreg:$0x1]  }
0x3: {  	s3 =	rddreg [dreg:$0x2]  }
0x4: {  	s31 =	rddreg [dreg:$0x3];
	s1 =	simm.s32 $0x0  }
0x5: {  	s4 =	srdreg.scid;
	s24 =	stileid.u32;
	s15 =	simm.s32 $0x8000  }
0x6: {  	s16 =	simm.s32 $0xC000;
	s5 =	sand.u32 $0x1, s4;
	s7 =	sshll.u32 s24, $0x1  }
0x7: {  	s17 =	simm.s32 $0x1;
	s6 =	ssub.s32 $0x2, s5;
	s5 =	sor.u32 s5, s7  }
0x8: {  	[smem:$0x7FF] =	sst s1;
	s4 =	sadd.s32 $0x400, s0;
	s26 =	sshll.u32 s5, $0xB  }
0x9: {  	_ =	strace $0x80000047;
	s7 =	sshll.u32 s5, $0x11;
	s28 =	sadd.s32 s2, s26  }
.Ltmp0:
0xa: {  	s30 =	sadd.s32 s3, s26;
	[dreg:$0x5] =	wrdreg s28;
	(pc) =	sbr.rel .LBB2_1-.Ltmp0, $4  }
0xb: {  	s25 =	sshrl.u32 s6, $0x1;
	s29 =	sadd.s32 s4, s7;
	[dreg:$0x7] =	wrdreg s30  }
0xc: {  	s0 =	ssub.s32 s6, s25;
	[dreg:$0x6] =	wrdreg s29;
	s1 =	sadd.s32 $0x10, s29  }
0xd: {  	s21 =	simm.s32 $0x2;
	s0 =	smax.u32 s0, $0x1;
	[dreg:$0x8] =	wrdreg s1  }
0xe: {  	s5 =	sshll.u32 s5, $0x6;
	s2 =	simm.s32 $0x0;
	[dreg:$0x9] =	wrdreg s0  }
.LBB2_40:
0xf: {  	s0 =	simm.s32 $0x3  }
0x10: {  	_ =	swait.ge [sflag:s0], $0x1000  }
0x11: {  	[sflag:s0] =	ssyncset.done $0x0  }
0x12: {  	s1 =	simm.s32 $0x4;
	[sflag:s0] =	ssyncadd.s32 $0xFFFFF000  }
0x13: {  	_ =	swait.ge [sflag:s1], $0x1000  }
0x14: {  	s2 =	rddreg [dreg:$0xa]  }
0x15: {  	s30 =	rddreg [dreg:$0x9];
	s2 =	sadd.s32 $0x1, s2  }
0x16: {  	p0 =	sne.s32 s2, s30  }
.Ltmp1:
0x17: {  	_ = 	snop;
	(pc) =	sbr.rel @!p0 .LBB2_41-.Ltmp1, $3  }
0x18: {  	_ =	sdelay $0x1  }
0x19: {  	[sflag:s1] =	ssyncset.done $0x0  }
0x1a: {  	[sflag:s1] =	ssyncadd.s32 $0xFFFFF000  }
.LBB2_1:
0x1b: {  	[dreg:$0xa] =	wrdreg s2  }
0x1c: {  	s0 =	simm.s32 $0x0;
	s1 =	rddreg [dreg:$0x5];
	s25 =	simm.s32 $0x5  }
0x1d: {  	[tilespmem:s0], [sflag:$0x5] =	stream.linear.gather [hbm4b:s1+s0], $0x4000, $0x38;
	[tilespmem:$0x12000] =	vst v63  }
0x1e: {  	_ =	swait.ge [sflag:s25], $0x4000  }
0x1f: {  	[sflag:s25] =	ssyncset.done $0x0  }
0x20: {  	s3 =	simm.s32 $0x4000;
	s26 =	rddreg [dreg:$0x7];
	[sflag:s25] =	ssyncadd.s32 $0xFFFFC000  }
0x21: {  	[tilespmem:s3], [sflag:$0x5] =	stream.linear.gather [hbm4b:s26+s0], $0x4000, $0x38;
	[tilespmem:$0x12000] =	vst v63  }
0x22: {  	_ =	swait.ge [sflag:s25], $0x4000  }
0x23: {  	s29 =	simm.s32 $0x80;
	[sflag:s25] =	ssyncset.done $0x0  }
0x24: {  	s30 =	simm.s32 $0x400;
	s28 =	rddreg [dreg:$0x6];
	[sflag:s25] =	ssyncadd.s32 $0xFFFFC000  }
0x25: {  	[tilespmem:s15], [sflag:$0x1] =	stream.strided.gather [hbm4b:s28+s29], $0x4000, s30, s29, $0x38;
	[tilespmem:$0x12000] =	vst v63  }
0x26: {  	s19 =	smov.u32 s31;
	s26 =	simm.s32 $0x0;
	s31 =	rddreg [dreg:$0x8]  }
0x27: {  	[tilespmem:s16], [sflag:$0x2] =	stream.strided.gather [hbm4b:s31+s29], $0x4000, s30, s29, $0x38;
	[tilespmem:$0x12000] =	vst v63  }
.LBB2_2:
0x28: {  	_ =	swait.ge [sflag:s17], $0x4000;
	p0 =	seq.s32 s26, $0x0;
	s28 =	sshll.u32 s26, $0x1  }
0x29: {  	s30 =	sshll.u32 s26, $0x9;
	s9 =	simm.s32 $0x0;
	p2 =	por $0x1, $0x1  }
0x2a: {  	s10 =	simm.s32 $0x0;
	[sflag:s17] =	ssyncset.done $0x0;
	s0 =	simm.s32 @!p0 $0x3  }
0x2b: {  	s29 =	sor.u32 s5, s28;
	s31 =	sor.u32 $0x10, s30;
	[sflag:s17] =	ssyncadd.s32 $0xFFFFC000  }
0x2c: {  	s2 =	sor.u32 $0x30, s30;
	s12 =	sor.u32 $0x40, s30;
	_ =	swait.ge @!p0 [sflag:s0], $0x1000  }
0x2d: {  	s3 =	sor.u32 $0x50, s30;
	s6 =	sor.u32 $0x60, s30;
	[sflag:s0] =	ssyncset.done @!p0 $0x0  }
0x2e: {  	s8 =	sor.u32 $0x70, s30;
	[sflag:s0] =	ssyncadd.s32 @!p0 $0xFFFFF000;
	s0 =	sor.u32 $0x20, s30  }
.LBB2_3:
0x2f: {  	s7 =	sshll.u32 s10, $0x4  }
0x30: {  	s11 =	sor.u32 s30, s7  }
0x31: {  	v0 =	vld [tilespmem:s11+$0x4000]  }
0x32: {  	v1 =	vld [tilespmem:s11+$0x0];
	_ =	sdelay $0x4  }
0x33: {  	v0 =	vmax.f32 v0, $0.0e+00;
	v1 =	vmax.f32 v1, $0.0e+00  }
0x34: {  	v0 =	vmin.f32 v0, $1.000000000e+00;
	v1 =	vmin.f32 v1, $1.000000000e+00  }
0x35: {  	v0 =	vmul.f32 $3.100000000e+01, v0;
	v1 =	vmul.f32 $3.100000000e+01, v1;
	_ =	sdelay $0x1  }
0x36: {  	v2 =	vtrunc.f32 v0;
	v3 =	vtrunc.f32 v1  }
0x37: {  	v2 =	vcvt.f32.s32 v2;
	v3 =	vcvt.f32.s32 v3;
	_ =	sdelay $0x1  }
0x38: {  	v4 =	vadd.s32 $0x1, v2;
	v5 =	vshll.u32 v3, $0x9;
	v8 =	vshll.u32 v2, $0x4  }
0x39: {  	vm0 =	vlt.s32 v4, $0x1F;
	v7 =	vadd.s32 v5, v8  }
0x3a: {  	s1 =	simm.s32 $0x1;
	v6 =	vadd.s32 $0x1, v3;
	v4 =	vnsel vm0, $0x1F, v4;
	v9 =	vor.u32 s9, v7  }
0x3b: {  	s13 =	simm.s32 $0x2;
	vm15 =	vlt.s32 v6, $0x1F;
	v11 =	vor.u32 s1, v7;
	v4 =	vshll.u32 v4, $0x4  }
0x3c: {  	v10 =	vnsel vm15, $0x1F, v6;
	v17 =	vor.u32 s13, v7;
	v6 =	vadd.s32 v5, v4  }
0x3d: {  	v10 =	vshll.u32 v10, $0x9;
	v12 =	vor.u32 s1, v6  }
0x3e: {  	v5 =	vadd.s32 v8, v10;
	v8 =	vor.u32 s9, v6  }
0x3f: {  	v3 =	vcvt.s32.f32 v3;
	v2 =	vcvt.s32.f32 v2;
	v13 =	vor.u32 s1, v5;
	v9 =	vld.idx.msk [tilespmem:v9+s15+$0x0], $0xffff  }
0x40: {  	v4 =	vadd.s32 v10, v4;
	v10 =	vor.u32 s9, v5;
	v11 =	vld.idx.msk [tilespmem:v11+s15+$0x0], $0xffff  }
0x41: {  	v15 =	vsub.f32 v1, v3;
	v0 =	vsub.f32 v0, v2;
	v14 =	vor.u32 s1, v4;
	v17 =	vld.idx.msk [tilespmem:v17+s15+$0x0], $0xffff  }
0x42: {  	s20 =	simm.s32 $0x3;
	v16 =	vor.u32 s9, v4;
	v12 =	vld.idx.msk [tilespmem:v12+s15+$0x0], $0xffff  }
0x43: {  	v19 =	vor.u32 s20, v7;
	v1 =	vsub.f32 $1.000000000e+00, v15;
	v18 =	vsub.f32 $1.000000000e+00, v0;
	v8 =	vld.idx.msk [tilespmem:v8+s15+$0x0], $0xffff  }
0x44: {  	v20 =	vor.u32 s20, v6;
	v13 =	vld.idx.msk [tilespmem:v13+s15+$0x0], $0xffff  }
0x45: {  	v21 =	vor.u32 s13, v6;
	v3 =	vmul.f32 v18, v1;
	v2 =	vmul.f32 v0, v1;
	v10 =	vld.idx.msk [tilespmem:v10+s15+$0x0], $0xffff  }
0x46: {  	v22 =	vor.u32 s20, v4;
	v1 =	vmul.f32 v18, v15;
	v0 =	vmul.f32 v0, v15;
	v14 =	vld.idx.msk [tilespmem:v14+s15+$0x0], $0xffff  }
0x47: {  	v15 =	vor.u32 s20, v5;
	v16 =	vld.idx.msk [tilespmem:v16+s15+$0x0], $0xffff;
	v11 =	vmul.f32 v11, v3;
	v12 =	vmul.f32 v12, v2  }
0x48: {  	v18 =	vor.u32 s13, v5;
	v19 =	vld.idx.msk [tilespmem:v19+s15+$0x0], $0xffff;
	v9 =	vmul.f32 v9, v3;
	v8 =	vmul.f32 v8, v2  }
0x49: {  	s14 =	simm.s32 $0x4;
	v23 =	vor.u32 s13, v4;
	v20 =	vld.idx.msk [tilespmem:v20+s15+$0x0], $0xffff;
	v11 =	vadd.f32 v12, v11;
	v12 =	vmul.f32 v13, v1  }
0x4a: {  	s18 =	simm.s32 $0x5;
	v21 =	vld.idx.msk [tilespmem:v21+s15+$0x0], $0xffff;
	v13 =	vor.u32 s14, v7;
	v8 =	vadd.f32 v8, v9;
	v9 =	vmul.f32 v10, v1  }
0x4b: {  	v24 =	vor.u32 s18, v7;
	v27 =	vor.u32 s14, v6;
	v28 =	vld.idx.msk [tilespmem:v22+s15+$0x0], $0xffff;
	v10 =	vadd.f32 v12, v11  }
0x4c: {  	v25 =	vld.idx.msk [tilespmem:v15+s15+$0x0], $0xffff;
	v11 =	vmul.f32 v14, v0;
	v9 =	vadd.f32 v9, v8;
	v14 =	vmul.f32 v16, v0  }
0x4d: {  	s23 =	sshll.u32 s10, $0x7;
	v26 =	vld.idx.msk [tilespmem:v18+s15+$0x0], $0xffff;
	v12 =	vor.u32 s18, v6  }
0x4e: {  	s10 =	sand.u32 $0x3FFFFF80, s23;
	v29 =	vor.u32 s18, v5;
	v8 =	vld.idx.msk [tilespmem:v23+s15+$0x0], $0xffff;
	v18 =	vadd.f32 v11, v10;
	v23 =	vadd.f32 v14, v9  }
0x4f: {  	s24 =	sand.u32 $0x800, s9;
	s23 =	simm.s32 $0x80;
	s10 =	sadd.s32 $0x10000, s10;
	v9 =	vmul.f32 v19, v3;
	v14 =	vmul.f32 v20, v2;
	v10 =	vld.idx.msk [tilespmem:v13+s15+$0x0], $0xffff;
	v13 =	vor.u32 s14, v5  }
0x50: {  	s25 =	simm.s32 $0x0;
	s22 =	sand.u32 $0x380, s23;
	s24 =	sadd.s32 s24, s10;
	v15 =	vor.u32 s18, v4;
	v17 =	vmul.f32 v17, v3;
	v11 =	vld.idx.msk [tilespmem:v24+s15+$0x0], $0xffff;
	v19 =	vmul.f32 v21, v2  }
0x51: {  	s25 =	sand.u32 $0x300, s25;
	s11 =	simm.s32 $0x6;
	s22 =	sadd.s32 s22, s24;
	v16 =	vor.u32 s14, v4;
	v21 =	vmul.f32 v25, v1;
	v20 =	vadd.f32 v14, v9;
	v14 =	vld.idx.msk [tilespmem:v27+s15+$0x0], $0xffff  }
0x52: {  	s24 =	sadd.s32 s25, s24;
	s25 =	simm.s32 $0x7;
	v22 =	vmul.f32 v26, v1;
	[tilespmem:s22+$0x0] =	vst v18;
	v9 =	vadd.f32 v19, v17;
	v18 =	vor.u32 s11, v7;
	v12 =	vld.idx.msk [tilespmem:v12+s15+$0x0], $0xffff  }
0x53: {  	p1 =	por p2, p2;
	s20 =	simm.s32 $0x8;
	[tilespmem:s24+$0x0] =	vst v23;
	v19 =	vor.u32 s25, v7;
	v17 =	vld.idx.msk [tilespmem:v29+s15+$0x0], $0xffff;
	s24 =	simm.s32 $0x200;
	v20 =	vadd.f32 v21, v20;
	v21 =	vmul.f32 v28, v0  }
.LBB2_4:
0x54: {  	p2 =	slt.u32 s20, $0xE;
	v23 =	vor.u32 s25, v6;
	v24 =	vld.idx.msk [tilespmem:v13+s15+$0x0], $0xffff;
	v9 =	vadd.f32 v22, v9;
	v13 =	vmul.f32 v8, v0;
	s22 =	sand.u32 $0x800, s24;
	s23 =	sadd.s32 $0x100, s23  }
0x55: {  	v22 =	vor.u32 s11, v6;
	v25 =	vld.idx.msk [tilespmem:v15+s15+$0x0], $0xffff;
	s13 =	sadd.s32 $0xFFFFFF80, s23;
	s22 =	sadd.s32 s22, s10;
	v15 =	vadd.f32 v21, v20;
	s14 =	sand.u32 $0x380, s23;
	v20 =	vmov v10  }
0x56: {  	v21 =	vor.u32 s25, v5;
	v8 =	vld.idx.msk [tilespmem:v16+s15+$0x0], $0xffff;
	v9 =	vadd.f32 v13, v9;
	s13 =	sand.u32 $0x300, s13;
	s14 =	sadd.s32 s14, s22  }
.Ltmp2:
0x57: {  	v13 =	vor.u32 s11, v5;
	v26 =	vmul.f32 v12, v2;
	v10 =	vld.idx.msk [tilespmem:v18+s15+$0x0], $0xffff;
	v18 =	vmul.f32 v11, v3;
	s13 =	sadd.s32 s13, s22;
	[tilespmem:s14+$0x0] =	vst v15;
	(pc) =	sbr.rel @p2 .LBB2_4-.Ltmp2, $4  }
0x58: {  	v15 =	vor.u32 s25, v4;
	v11 =	vld.idx.msk [tilespmem:v19+s15+$0x0], $0xffff;
	v19 =	vmul.f32 v20, v3;
	v20 =	vmul.f32 v14, v2;
	[tilespmem:s13+$0x0] =	vst v9  }
0x59: {  	v16 =	vor.u32 s11, v4;
	s11 =	smov.u32 s20;
	v12 =	vld.idx.msk [tilespmem:v23+s15+$0x0], $0xffff;
	v23 =	vadd.f32 v26, v18;
	v26 =	vmul.f32 v17, v1  }
0x5a: {  	s25 =	sadd.s32 $0x1, s20;
	v18 =	vor.u32 s20, v7;
	v14 =	vld.idx.msk [tilespmem:v22+s15+$0x0], $0xffff;
	v9 =	vadd.f32 v20, v19;
	v22 =	vmul.f32 v24, v1  }
0x5b: {  	s24 =	sadd.s32 $0x200, s24;
	s20 =	sadd.s32 $0x2, s20;
	v19 =	vor.u32 s25, v7;
	v17 =	vld.idx.msk [tilespmem:v21+s15+$0x0], $0xffff;
	v20 =	vadd.f32 v26, v23;
	v21 =	vmul.f32 v25, v0  }
0x5c: {  	_ = 	snop  }
0x5d: {  	s13 =	sor.u32 s31, s7  }
0x5e: {  	v7 =	vadd.f32 v22, v9;
	v8 =	vmul.f32 v8, v0;
	v22 =	vld [tilespmem:s13+$0x4000]  }
0x5f: {  	v23 =	vor.u32 s25, v6;
	v6 =	vor.u32 s11, v6;
	v9 =	vadd.f32 v21, v20;
	v20 =	vld [tilespmem:s13+$0x0]  }
0x60: {  	v13 =	vld.idx.msk [tilespmem:v13+s15+$0x0], $0xffff;
	v10 =	vmul.f32 v10, v3;
	v21 =	vor.u32 s25, v5;
	v5 =	vor.u32 s11, v5  }
0x61: {  	v11 =	vmul.f32 v11, v3;
	v8 =	vadd.f32 v8, v7;
	v7 =	vld.idx.msk [tilespmem:v15+s15+$0x0], $0xffff;
	v12 =	vmul.f32 v12, v2  }
0x62: {  	v16 =	vld.idx.msk [tilespmem:v16+s15+$0x0], $0xffff;
	v15 =	vor.u32 s25, v4;
	v4 =	vor.u32 s11, v4;
	v14 =	vmul.f32 v14, v2  }
0x63: {  	v18 =	vld.idx.msk [tilespmem:v18+s15+$0x0], $0xffff;
	v11 =	vadd.f32 v12, v11;
	v12 =	vmul.f32 v17, v1;
	v17 =	vmax.f32 v22, $0.0e+00  }
0x64: {  	v19 =	vld.idx.msk [tilespmem:v19+s15+$0x0], $0xffff;
	v10 =	vadd.f32 v14, v10;
	v14 =	vmax.f32 v20, $0.0e+00;
	v17 =	vmin.f32 v17, $1.000000000e+00  }
0x65: {  	v13 =	vmul.f32 v13, v1;
	v20 =	vld.idx.msk [tilespmem:v23+s15+$0x0], $0xffff;
	v14 =	vmin.f32 v14, $1.000000000e+00;
	v17 =	vmul.f32 $3.100000000e+01, v17  }
0x66: {  	v11 =	vadd.f32 v12, v11;
	v7 =	vmul.f32 v7, v0;
	v12 =	vmul.f32 $3.100000000e+01, v14  }
0x67: {  	v10 =	vadd.f32 v13, v10;
	v13 =	vmul.f32 v16, v0;
	v14 =	vtrunc.f32 v17  }
0x68: {  	v11 =	vadd.f32 v7, v11;
	v7 =	vtrunc.f32 v12;
	v14 =	vcvt.f32.s32 v14  }
0x69: {  	v18 =	vmul.f32 v18, v3;
	v10 =	vadd.f32 v13, v10;
	v16 =	vcvt.f32.s32 v7  }
0x6a: {  	v6 =	vld.idx.msk [tilespmem:v6+s15+$0x0], $0xffff;
	v13 =	vmul.f32 v19, v3;
	v7 =	vmul.f32 v20, v2;
	v3 =	vadd.s32 $0x1, v14  }
0x6b: {  	v19 =	vshll.u32 v16, $0x9;
	v20 =	vshll.u32 v14, $0x4;
	vm0 =	vlt.s32 v3, $0x1F  }
0x6c: {  	s11 =	simm.s32 $0x0;
	v21 =	vld.idx.msk [tilespmem:v21+s15+$0x0], $0xffff;
	v22 =	vadd.s32 $0x1, v16;
	v23 =	vnsel vm0, $0x1F, v3;
	v3 =	vadd.s32 v19, v20  }
0x6d: {  	s25 =	simm.s32 $0x1;
	vm15 =	vlt.s32 v22, $0x1F;
	v23 =	vshll.u32 v23, $0x4;
	v24 =	vor.u32 s11, v3  }
0x6e: {  	v25 =	vld.idx.msk [tilespmem:v5+s15+$0x0], $0xffff;
	v22 =	vnsel vm15, $0x1F, v22;
	v5 =	vadd.s32 v19, v23;
	v19 =	vor.u32 s25, v3  }
0x6f: {  	v2 =	vmul.f32 v6, v2;
	v6 =	vshll.u32 v22, $0x9;
	v22 =	vor.u32 s25, v5  }
0x70: {  	v15 =	vld.idx.msk [tilespmem:v15+s15+$0x0], $0xffff;
	v13 =	vadd.f32 v7, v13;
	v7 =	vadd.s32 v20, v6;
	v20 =	vor.u32 s11, v5  }
0x71: {  	v4 =	vld.idx.msk [tilespmem:v4+s15+$0x0], $0xffff;
	v21 =	vmul.f32 v21, v1;
	v16 =	vcvt.s32.f32 v16;
	v26 =	vor.u32 s25, v7  }
0x72: {  	s14 =	simm.s32 $0x3;
	v14 =	vcvt.s32.f32 v14;
	v6 =	vadd.s32 v6, v23;
	v55 =	vor.u32 s11, v7;
	v23 =	vld.idx.msk [tilespmem:v24+s15+$0x0], $0xffff  }
0x73: {  	v1 =	vmul.f32 v25, v1;
	v2 =	vadd.f32 v2, v18;
	v27 =	vor.u32 s14, v3;
	v18 =	vld.idx.msk [tilespmem:v19+s15+$0x0], $0xffff  }
0x74: {  	v12 =	vsub.f32 v12, v16;
	v14 =	vsub.f32 v17, v14;
	v16 =	vor.u32 s11, v6;
	v17 =	vld.idx.msk [tilespmem:v22+s15+$0x0], $0xffff  }
0x75: {  	s13 =	simm.s32 $0x2;
	v15 =	vmul.f32 v15, v0;
	v13 =	vadd.f32 v21, v13;
	v19 =	vor.u32 s25, v6;
	v20 =	vld.idx.msk [tilespmem:v20+s15+$0x0], $0xffff  }
0x76: {  	v21 =	vor.u32 s13, v3;
	v56 =	vsub.f32 $1.000000000e+00, v14;
	v22 =	vsub.f32 $1.000000000e+00, v12;
	v26 =	vld.idx.msk [tilespmem:v26+s15+$0x0], $0xffff  }
0x77: {  	v29 =	vmul.f32 v4, v0;
	v28 =	vadd.f32 v1, v2;
	v30 =	vor.u32 s14, v5;
	v24 =	vld.idx.msk [tilespmem:v55+s15+$0x0], $0xffff  }
0x78: {  	s20 =	sadd.s32 $0x100, s23;
	s22 =	sand.u32 $0x800, s24;
	v0 =	vmul.f32 v14, v12;
	v58 =	vor.u32 s14, v6;
	v57 =	vld.idx.msk [tilespmem:v27+s15+$0x0], $0xffff;
	v4 =	vmul.f32 v56, v22  }
0x79: {  	s23 =	sadd.s32 $0xFFFFFF80, s20;
	s22 =	sadd.s32 s22, s10;
	s1 =	sand.u32 $0x380, s20;
	v1 =	vmul.f32 v56, v12;
	v2 =	vmul.f32 v14, v22;
	v22 =	vor.u32 s13, v5;
	v14 =	vld.idx.msk [tilespmem:v16+s15+$0x0], $0xffff  }
0x7a: {  	s20 =	sadd.s32 $0x100, s20;
	s23 =	sand.u32 $0x300, s23;
	s25 =	sadd.s32 s1, s22;
	v12 =	vor.u32 s14, v7;
	v19 =	vld.idx.msk [tilespmem:v19+s15+$0x0], $0xffff;
	v18 =	vmul.f32 v18, v4;
	v23 =	vmul.f32 v23, v4  }
0x7b: {  	s22 =	sadd.s32 s23, s22;
	s23 =	sadd.s32 $0x200, s24;
	s1 =	simm.s32 $0x5;
	v16 =	vld.idx.msk [tilespmem:v21+s15+$0x0], $0xffff;
	v21 =	vor.u32 s13, v7;
	v17 =	vmul.f32 v17, v2;
	v20 =	vmul.f32 v20, v2  }
0x7c: {  	s11 =	sand.u32 $0x800, s11;
	s24 =	simm.s32 $0x4;
	s18 =	sand.u32 $0x800, s23;
	v30 =	vld.idx.msk [tilespmem:v30+s15+$0x0], $0xffff;
	v59 =	vor.u32 s1, v3;
	v26 =	vmul.f32 v26, v1;
	v24 =	vmul.f32 v24, v1  }
0x7d: {  	s23 =	sadd.s32 $0x200, s23;
	v60 =	vld.idx.msk [tilespmem:v58+s15+$0x0], $0xffff;
	s14 =	sadd.s32 s18, s10;
	s18 =	sand.u32 $0x380, s20;
	v17 =	vadd.f32 v17, v18;
	v18 =	vor.u32 s13, v6;
	v20 =	vadd.f32 v20, v23  }
0x7e: {  	[tilespmem:s25+$0x0] =	vst v9;
	v62 =	vor.u32 s1, v7;
	s23 =	sand.u32 $0x800, s23;
	s13 =	sadd.s32 $0xFFFFFF80, s20;
	v23 =	vor.u32 s24, v3;
	v22 =	vld.idx.msk [tilespmem:v22+s15+$0x0], $0xffff;
	s20 =	sadd.s32 $0x100, s20;
	v14 =	vmul.f32 v14, v0  }
0x7f: {  	s18 =	sadd.s32 s18, s14;
	s23 =	sadd.s32 s23, s10;
	v31 =	vld.idx.msk [tilespmem:v12+s15+$0x0], $0xffff;
	s25 =	sadd.s32 $0xFFFFFF80, s20;
	v17 =	vadd.f32 v26, v17;
	v12 =	vmul.f32 v19, v0;
	v9 =	vadd.f32 v24, v20  }
0x80: {  	v13 =	vadd.f32 v15, v13;
	v15 =	vadd.f32 v29, v28;
	[tilespmem:s22+$0x0] =	vst v8;
	s13 =	sand.u32 $0x300, s13;
	s20 =	sand.u32 $0x380, s20;
	v19 =	vor.u32 s1, v5;
	v20 =	vld.idx.msk [tilespmem:v21+s15+$0x0], $0xffff;
	s22 =	sand.u32 $0x300, s25  }
0x81: {  	[tilespmem:s18+$0x0] =	vst v11;
	v11 =	vld.idx.msk [tilespmem:v59+s15+$0x0], $0xffff;
	v21 =	vor.u32 s24, v5;
	s25 =	sadd.s32 s20, s23;
	s20 =	sadd.s32 s22, s23;
	s23 =	simm.s32 $0x80;
	v17 =	vadd.f32 v12, v17;
	v61 =	vadd.f32 v14, v9  }
0x82: {  	s18 =	sadd.s32 s11, s10;
	s13 =	sadd.s32 s13, s14;
	[tilespmem:s25+$0x0] =	vst v13;
	v12 =	vor.u32 s24, v7;
	v9 =	vmul.f32 v57, v4;
	s25 =	sand.u32 $0x380, s23;
	v8 =	vld.idx.msk [tilespmem:v18+s15+$0x0], $0xffff;
	v18 =	vmul.f32 v30, v2  }
0x83: {  	[tilespmem:s13+$0x0] =	vst v10;
	s22 =	simm.s32 $0x0;
	v14 =	vor.u32 s1, v6;
	v10 =	vld.idx.msk [tilespmem:v23+s15+$0x0], $0xffff;
	v23 =	vmul.f32 v16, v4;
	v22 =	vmul.f32 v22, v2;
	s25 =	sadd.s32 s25, s18  }
0x84: {  	s11 =	simm.s32 $0x6;
	v63 =	vmul.f32 v31, v1;
	s22 =	sand.u32 $0x300, s22;
	v16 =	vor.u32 s24, v6;
	[tilespmem:s25+$0x10] =	vst v17;
	v17 =	vld.idx.msk [tilespmem:v62+s15+$0x0], $0xffff;
	v25 =	vadd.f32 v18, v9  }
0x85: {  	[tilespmem:s20+$0x0] =	vst v15;
	s1 =	sadd.s32 s22, s18;
	s25 =	simm.s32 $0x7;
	v13 =	vld.idx.msk [tilespmem:v19+s15+$0x0], $0xffff;
	v9 =	vadd.f32 v22, v23;
	v18 =	vor.u32 s11, v3;
	v22 =	vmul.f32 v20, v1  }
0x86: {  	s20 =	simm.s32 $0x8;
	s24 =	simm.s32 $0x200;
	[tilespmem:s1+$0x10] =	vst v61;
	v15 =	vld.idx.msk [tilespmem:v21+s15+$0x0], $0xffff;
	v19 =	vor.u32 s25, v3;
	v21 =	vmul.f32 v60, v0;
	v20 =	vadd.f32 v63, v25  }
.LBB2_6:
0x87: {  	p2 =	slt.u32 s20, $0xE;
	v23 =	vor.u32 s25, v5;
	v24 =	vld.idx.msk [tilespmem:v12+s15+$0x0], $0xffff;
	v9 =	vadd.f32 v22, v9;
	v12 =	vmul.f32 v8, v0;
	s1 =	sand.u32 $0x800, s24;
	s23 =	sadd.s32 $0x100, s23  }
0x88: {  	v22 =	vor.u32 s11, v5;
	v25 =	vld.idx.msk [tilespmem:v14+s15+$0x0], $0xffff;
	s13 =	sadd.s32 $0xFFFFFF80, s23;
	s1 =	sadd.s32 s1, s10;
	v14 =	vadd.f32 v21, v20;
	s14 =	sand.u32 $0x380, s23;
	v20 =	vmov v10  }
0x89: {  	v21 =	vor.u32 s25, v7;
	v8 =	vld.idx.msk [tilespmem:v16+s15+$0x0], $0xffff;
	v9 =	vadd.f32 v12, v9;
	s13 =	sand.u32 $0x300, s13;
	s14 =	sadd.s32 s14, s1  }
.Ltmp3:
0x8a: {  	v12 =	vor.u32 s11, v7;
	v26 =	vmul.f32 v13, v2;
	v10 =	vld.idx.msk [tilespmem:v18+s15+$0x0], $0xffff;
	v18 =	vmul.f32 v11, v4;
	s1 =	sadd.s32 s13, s1;
	[tilespmem:s14+$0x10] =	vst v14;
	(pc) =	sbr.rel @p2 .LBB2_6-.Ltmp3, $4  }
0x8b: {  	v14 =	vor.u32 s25, v6;
	v11 =	vld.idx.msk [tilespmem:v19+s15+$0x0], $0xffff;
	v19 =	vmul.f32 v20, v4;
	v20 =	vmul.f32 v15, v2;
	[tilespmem:s1+$0x10] =	vst v9  }
0x8c: {  	v16 =	vor.u32 s11, v6;
	s11 =	smov.u32 s20;
	v13 =	vld.idx.msk [tilespmem:v23+s15+$0x0], $0xffff;
	v23 =	vadd.f32 v26, v18;
	v26 =	vmul.f32 v17, v1  }
0x8d: {  	s25 =	sadd.s32 $0x1, s20;
	v18 =	vor.u32 s20, v3;
	v15 =	vld.idx.msk [tilespmem:v22+s15+$0x0], $0xffff;
	v9 =	vadd.f32 v20, v19;
	v22 =	vmul.f32 v24, v1  }
0x8e: {  	s24 =	sadd.s32 $0x200, s24;
	s20 =	sadd.s32 $0x2, s20;
	v19 =	vor.u32 s25, v3;
	v17 =	vld.idx.msk [tilespmem:v21+s15+$0x0], $0xffff;
	v20 =	vadd.f32 v26, v23;
	v21 =	vmul.f32 v25, v0  }
0x8f: {  	_ = 	snop  }
0x90: {  	s1 =	sor.u32 s0, s7  }
0x91: {  	v3 =	vadd.f32 v22, v9;
	v8 =	vmul.f32 v8, v0;
	v22 =	vld [tilespmem:s1+$0x4000]  }
0x92: {  	v23 =	vor.u32 s25, v5;
	v5 =	vor.u32 s11, v5;
	v9 =	vadd.f32 v21, v20;
	v20 =	vld [tilespmem:s1+$0x0]  }
0x93: {  	v12 =	vld.idx.msk [tilespmem:v12+s15+$0x0], $0xffff;
	v10 =	vmul.f32 v10, v4;
	v21 =	vor.u32 s25, v7;
	v7 =	vor.u32 s11, v7  }
0x94: {  	v11 =	vmul.f32 v11, v4;
	v8 =	vadd.f32 v8, v3;
	v3 =	vld.idx.msk [tilespmem:v14+s15+$0x0], $0xffff;
	v13 =	vmul.f32 v13, v2  }
0x95: {  	v16 =	vld.idx.msk [tilespmem:v16+s15+$0x0], $0xffff;
	v14 =	vor.u32 s25, v6;
	v6 =	vor.u32 s11, v6;
	v15 =	vmul.f32 v15, v2  }
0x96: {  	v18 =	vld.idx.msk [tilespmem:v18+s15+$0x0], $0xffff;
	v11 =	vadd.f32 v13, v11;
	v13 =	vmul.f32 v17, v1;
	v17 =	vmax.f32 v22, $0.0e+00  }
0x97: {  	v19 =	vld.idx.msk [tilespmem:v19+s15+$0x0], $0xffff;
	v10 =	vadd.f32 v15, v10;
	v15 =	vmax.f32 v20, $0.0e+00;
	v17 =	vmin.f32 v17, $1.000000000e+00  }
0x98: {  	v12 =	vmul.f32 v12, v1;
	v20 =	vld.idx.msk [tilespmem:v23+s15+$0x0], $0xffff;
	v15 =	vmin.f32 v15, $1.000000000e+00;
	v17 =	vmul.f32 $3.100000000e+01, v17  }
0x99: {  	v11 =	vadd.f32 v13, v11;
	v3 =	vmul.f32 v3, v0;
	v13 =	vmul.f32 $3.100000000e+01, v15  }
0x9a: {  	v10 =	vadd.f32 v12, v10;
	v12 =	vmul.f32 v16, v0;
	v15 =	vtrunc.f32 v17  }
0x9b: {  	v21 =	vld.idx.msk [tilespmem:v21+s15+$0x0], $0xffff;
	v11 =	vadd.f32 v3, v11;
	v3 =	vtrunc.f32 v13;
	v15 =	vcvt.f32.s32 v15  }
0x9c: {  	v10 =	vadd.f32 v12, v10;
	v12 =	vmul.f32 v19, v4;
	v16 =	vcvt.f32.s32 v3  }
0x9d: {  	v4 =	vmul.f32 v18, v4;
	v20 =	vmul.f32 v20, v2;
	v3 =	vadd.s32 $0x1, v15  }
0x9e: {  	v19 =	vld.idx.msk [tilespmem:v5+s15+$0x0], $0xffff;
	v5 =	vshll.u32 v16, $0x9;
	v18 =	vshll.u32 v15, $0x4;
	vm0 =	vlt.s32 v3, $0x1F  }
0x9f: {  	s11 =	simm.s32 $0x0;
	v22 =	vadd.s32 $0x1, v16;
	v23 =	vnsel vm0, $0x1F, v3;
	v3 =	vadd.s32 v5, v18  }
0xa0: {  	s22 =	simm.s32 $0x1;
	v25 =	vld.idx.msk [tilespmem:v7+s15+$0x0], $0xffff;
	v21 =	vmul.f32 v21, v1;
	vm15 =	vlt.s32 v22, $0x1F;
	v24 =	vor.u32 s11, v3  }
0xa1: {  	s13 =	simm.s32 $0x3;
	v14 =	vld.idx.msk [tilespmem:v14+s15+$0x0], $0xffff;
	v7 =	vnsel vm15, $0x1F, v22;
	v23 =	vshll.u32 v23, $0x4;
	v22 =	vor.u32 s22, v3  }
0xa2: {  	v12 =	vadd.f32 v20, v12;
	v28 =	vor.u32 s13, v3;
	v5 =	vadd.s32 v5, v23  }
0xa3: {  	v2 =	vmul.f32 v19, v2;
	v19 =	vshll.u32 v7, $0x9;
	v26 =	vor.u32 s22, v5  }
0xa4: {  	v20 =	vld.idx.msk [tilespmem:v6+s15+$0x0], $0xffff;
	v16 =	vcvt.s32.f32 v16;
	v7 =	vadd.s32 v18, v19;
	v18 =	vor.u32 s11, v5  }
0xa5: {  	v15 =	vcvt.s32.f32 v15;
	v6 =	vadd.s32 v19, v23;
	v27 =	vor.u32 s22, v7;
	v19 =	vld.idx.msk [tilespmem:v24+s15+$0x0], $0xffff  }
0xa6: {  	v1 =	vmul.f32 v25, v1;
	v14 =	vmul.f32 v14, v0;
	v23 =	vor.u32 s11, v7;
	v22 =	vld.idx.msk [tilespmem:v22+s15+$0x0], $0xffff  }
0xa7: {  	v13 =	vsub.f32 v13, v16;
	v15 =	vsub.f32 v17, v15;
	v53 =	vor.u32 s22, v6;
	v57 =	vld.idx.msk [tilespmem:v28+s15+$0x0], $0xffff  }
0xa8: {  	s1 =	simm.s32 $0x2;
	v12 =	vadd.f32 v21, v12;
	v2 =	vadd.f32 v2, v4;
	v16 =	vor.u32 s11, v6;
	v17 =	vld.idx.msk [tilespmem:v26+s15+$0x0], $0xffff  }
0xa9: {  	s14 =	sadd.s32 $0x100, s23;
	v21 =	vor.u32 s1, v3;
	v54 =	vsub.f32 $1.000000000e+00, v13;
	v55 =	vsub.f32 $1.000000000e+00, v15;
	v18 =	vld.idx.msk [tilespmem:v18+s15+$0x0], $0xffff  }
0xaa: {  	s18 =	sand.u32 $0x800, s24;
	s20 =	sadd.s32 $0xFFFFFF80, s14;
	v14 =	vadd.f32 v14, v12;
	v29 =	vadd.f32 v1, v2;
	v30 =	vor.u32 s13, v5;
	v27 =	vld.idx.msk [tilespmem:v27+s15+$0x0], $0xffff  }
0xab: {  	s18 =	sadd.s32 s18, s10;
	s20 =	sand.u32 $0x300, s20;
	v20 =	vmul.f32 v20, v0;
	v56 =	vor.u32 s1, v5;
	v0 =	vmul.f32 v15, v13;
	s22 =	sand.u32 $0x380, s14;
	v23 =	vld.idx.msk [tilespmem:v23+s15+$0x0], $0xffff  }
0xac: {  	v58 =	vor.u32 s13, v6;
	v4 =	vmul.f32 v55, v54;
	v2 =	vmul.f32 v15, v54;
	s22 =	sadd.s32 s22, s18;
	s18 =	sadd.s32 s20, s18;
	s20 =	sadd.s32 $0x200, s24;
	v24 =	vld.idx.msk [tilespmem:v53+s15+$0x0], $0xffff  }
0xad: {  	v1 =	vmul.f32 v55, v13;
	v13 =	vor.u32 s13, v7;
	s25 =	sand.u32 $0x800, s20;
	v20 =	vadd.f32 v20, v29;
	v15 =	vld.idx.msk [tilespmem:v16+s15+$0x0], $0xffff  }
0xae: {  	s14 =	sadd.s32 $0x100, s14;
	s13 =	sadd.s32 s25, s10;
	s25 =	simm.s32 $0x5;
	v16 =	vld.idx.msk [tilespmem:v21+s15+$0x0], $0xffff;
	v21 =	vor.u32 s1, v7;
	v22 =	vmul.f32 v22, v4;
	v17 =	vmul.f32 v17, v2  }
0xaf: {  	s24 =	simm.s32 $0x4;
	s23 =	sand.u32 $0x380, s14;
	s20 =	sadd.s32 $0x200, s20;
	v59 =	vor.u32 s25, v3;
	v30 =	vld.idx.msk [tilespmem:v30+s15+$0x0], $0xffff;
	v19 =	vmul.f32 v19, v4;
	v18 =	vmul.f32 v18, v2  }
0xb0: {  	[tilespmem:s22+$0x10] =	vst v9;
	s20 =	sand.u32 $0x800, s20;
	s22 =	sadd.s32 s23, s13;
	v25 =	vld.idx.msk [tilespmem:v56+s15+$0x0], $0xffff;
	v27 =	vmul.f32 v27, v1;
	v17 =	vadd.f32 v17, v22;
	v22 =	vor.u32 s1, v6;
	s1 =	sadd.s32 $0xFFFFFF80, s14  }
0xb1: {  	[tilespmem:s18+$0x10] =	vst v8;
	s20 =	sadd.s32 s20, s10;
	v60 =	vld.idx.msk [tilespmem:v58+s15+$0x0], $0xffff;
	v23 =	vmul.f32 v23, v1;
	v18 =	vadd.f32 v18, v19;
	v19 =	vor.u32 s24, v3;
	s14 =	sadd.s32 $0x100, s14;
	s1 =	sand.u32 $0x300, s1  }
0xb2: {  	v62 =	vor.u32 s25, v7;
	[tilespmem:s22+$0x10] =	vst v11;
	v31 =	vld.idx.msk [tilespmem:v13+s15+$0x0], $0xffff;
	v13 =	vmul.f32 v24, v0;
	s23 =	sadd.s32 $0xFFFFFF80, s14;
	s14 =	sand.u32 $0x380, s14;
	v17 =	vadd.f32 v27, v17;
	s1 =	sadd.s32 s1, s13  }
0xb3: {  	v21 =	vld.idx.msk [tilespmem:v21+s15+$0x0], $0xffff;
	v15 =	vmul.f32 v15, v0;
	v9 =	vadd.f32 v23, v18;
	v18 =	vor.u32 s25, v5;
	s23 =	sand.u32 $0x300, s23;
	s14 =	sadd.s32 s14, s20;
	[tilespmem:s1+$0x10] =	vst v10  }
0xb4: {  	s11 =	sand.u32 $0x800, s11;
	v12 =	vor.u32 s24, v7;
	v11 =	vld.idx.msk [tilespmem:v59+s15+$0x0], $0xffff;
	v23 =	vor.u32 s24, v5;
	s13 =	sadd.s32 s23, s20;
	s23 =	simm.s32 $0x80;
	[tilespmem:s14+$0x10] =	vst v14;
	v17 =	vadd.f32 v13, v17  }
0xb5: {  	s14 =	sadd.s32 s11, s10;
	v61 =	vadd.f32 v15, v9;
	v9 =	vmul.f32 v57, v4;
	v13 =	vmul.f32 v30, v2;
	s20 =	sand.u32 $0x380, s23;
	v8 =	vld.idx.msk [tilespmem:v22+s15+$0x0], $0xffff  }
0xb6: {  	s18 =	simm.s32 $0x0;
	v14 =	vor.u32 s25, v6;
	v15 =	vmul.f32 v16, v4;
	[tilespmem:s13+$0x10] =	vst v20;
	v10 =	vld.idx.msk [tilespmem:v19+s15+$0x0], $0xffff;
	v19 =	vmul.f32 v25, v2;
	s25 =	sadd.s32 s20, s14  }
0xb7: {  	s22 =	sand.u32 $0x300, s18;
	v63 =	vmul.f32 v31, v1;
	s11 =	simm.s32 $0x6;
	v16 =	vor.u32 s24, v6;
	v20 =	vadd.f32 v13, v9;
	[tilespmem:s25+$0x20] =	vst v17;
	v17 =	vld.idx.msk [tilespmem:v62+s15+$0x0], $0xffff  }
0xb8: {  	s1 =	sadd.s32 s22, s14;
	v22 =	vmul.f32 v21, v1;
	s25 =	simm.s32 $0x7;
	v13 =	vld.idx.msk [tilespmem:v18+s15+$0x0], $0xffff;
	v9 =	vadd.f32 v19, v15;
	v18 =	vor.u32 s11, v3  }
0xb9: {  	s24 =	simm.s32 $0x200;
	s20 =	simm.s32 $0x8;
	v21 =	vmul.f32 v60, v0;
	[tilespmem:s1+$0x20] =	vst v61;
	v15 =	vld.idx.msk [tilespmem:v23+s15+$0x0], $0xffff;
	v19 =	vor.u32 s25, v3;
	v20 =	vadd.f32 v63, v20  }
.LBB2_8:
0xba: {  	p2 =	slt.u32 s20, $0xE;
	v23 =	vor.u32 s25, v5;
	v24 =	vld.idx.msk [tilespmem:v12+s15+$0x0], $0xffff;
	v9 =	vadd.f32 v22, v9;
	v12 =	vmul.f32 v8, v0;
	s1 =	sand.u32 $0x800, s24;
	s23 =	sadd.s32 $0x100, s23  }
0xbb: {  	v22 =	vor.u32 s11, v5;
	v25 =	vld.idx.msk [tilespmem:v14+s15+$0x0], $0xffff;
	s13 =	sadd.s32 $0xFFFFFF80, s23;
	s1 =	sadd.s32 s1, s10;
	v14 =	vadd.f32 v21, v20;
	s14 =	sand.u32 $0x380, s23;
	v20 =	vmov v10  }
0xbc: {  	v21 =	vor.u32 s25, v7;
	v8 =	vld.idx.msk [tilespmem:v16+s15+$0x0], $0xffff;
	v9 =	vadd.f32 v12, v9;
	s13 =	sand.u32 $0x300, s13;
	s14 =	sadd.s32 s14, s1  }
.Ltmp4:
0xbd: {  	v12 =	vor.u32 s11, v7;
	v26 =	vmul.f32 v13, v2;
	v10 =	vld.idx.msk [tilespmem:v18+s15+$0x0], $0xffff;
	v18 =	vmul.f32 v11, v4;
	s1 =	sadd.s32 s13, s1;
	[tilespmem:s14+$0x20] =	vst v14;
	(pc) =	sbr.rel @p2 .LBB2_8-.Ltmp4, $4  }
0xbe: {  	v14 =	vor.u32 s25, v6;
	v11 =	vld.idx.msk [tilespmem:v19+s15+$0x0], $0xffff;
	v19 =	vmul.f32 v20, v4;
	v20 =	vmul.f32 v15, v2;
	[tilespmem:s1+$0x20] =	vst v9  }
0xbf: {  	v16 =	vor.u32 s11, v6;
	s11 =	smov.u32 s20;
	v13 =	vld.idx.msk [tilespmem:v23+s15+$0x0], $0xffff;
	v23 =	vadd.f32 v26, v18;
	v26 =	vmul.f32 v17, v1  }
0xc0: {  	s25 =	sadd.s32 $0x1, s20;
	v18 =	vor.u32 s20, v3;
	v15 =	vld.idx.msk [tilespmem:v22+s15+$0x0], $0xffff;
	v9 =	vadd.f32 v20, v19;
	v22 =	vmul.f32 v24, v1  }
0xc1: {  	s24 =	sadd.s32 $0x200, s24;
	s20 =	sadd.s32 $0x2, s20;
	v19 =	vor.u32 s25, v3;
	v17 =	vld.idx.msk [tilespmem:v21+s15+$0x0], $0xffff;
	v20 =	vadd.f32 v26, v23;
	v21 =	vmul.f32 v25, v0  }
0xc2: {  	_ = 	snop  }
0xc3: {  	s1 =	sor.u32 s2, s7  }
0xc4: {  	v3 =	vadd.f32 v22, v9;
	v8 =	vmul.f32 v8, v0;
	v22 =	vld [tilespmem:s1+$0x4000]  }
0xc5: {  	v23 =	vor.u32 s25, v5;
	v5 =	vor.u32 s11, v5;
	v9 =	vadd.f32 v21, v20;
	v20 =	vld [tilespmem:s1+$0x0]  }
0xc6: {  	v12 =	vld.idx.msk [tilespmem:v12+s15+$0x0], $0xffff;
	v10 =	vmul.f32 v10, v4;
	v21 =	vor.u32 s25, v7;
	v7 =	vor.u32 s11, v7  }
0xc7: {  	v11 =	vmul.f32 v11, v4;
	v8 =	vadd.f32 v8, v3;
	v3 =	vld.idx.msk [tilespmem:v14+s15+$0x0], $0xffff;
	v13 =	vmul.f32 v13, v2  }
0xc8: {  	v16 =	vld.idx.msk [tilespmem:v16+s15+$0x0], $0xffff;
	v14 =	vor.u32 s25, v6;
	v6 =	vor.u32 s11, v6;
	v15 =	vmul.f32 v15, v2  }
0xc9: {  	v18 =	vld.idx.msk [tilespmem:v18+s15+$0x0], $0xffff;
	v11 =	vadd.f32 v13, v11;
	v13 =	vmul.f32 v17, v1;
	v17 =	vmax.f32 v22, $0.0e+00  }
0xca: {  	v19 =	vld.idx.msk [tilespmem:v19+s15+$0x0], $0xffff;
	v10 =	vadd.f32 v15, v10;
	v15 =	vmax.f32 v20, $0.0e+00;
	v17 =	vmin.f32 v17, $1.000000000e+00  }
0xcb: {  	v12 =	vmul.f32 v12, v1;
	v20 =	vld.idx.msk [tilespmem:v23+s15+$0x0], $0xffff;
	v15 =	vmin.f32 v15, $1.000000000e+00;
	v17 =	vmul.f32 $3.100000000e+01, v17  }
0xcc: {  	v11 =	vadd.f32 v13, v11;
	v3 =	vmul.f32 v3, v0;
	v13 =	vmul.f32 $3.100000000e+01, v15  }
0xcd: {  	v10 =	vadd.f32 v12, v10;
	v12 =	vmul.f32 v16, v0;
	v15 =	vtrunc.f32 v17  }
0xce: {  	v21 =	vld.idx.msk [tilespmem:v21+s15+$0x0], $0xffff;
	v11 =	vadd.f32 v3, v11;
	v3 =	vtrunc.f32 v13;
	v15 =	vcvt.f32.s32 v15  }
0xcf: {  	v10 =	vadd.f32 v12, v10;
	v12 =	vmul.f32 v19, v4;
	v16 =	vcvt.f32.s32 v3  }
0xd0: {  	v4 =	vmul.f32 v18, v4;
	v20 =	vmul.f32 v20, v2;
	v3 =	vadd.s32 $0x1, v15  }
0xd1: {  	v19 =	vld.idx.msk [tilespmem:v5+s15+$0x0], $0xffff;
	v5 =	vshll.u32 v16, $0x9;
	v18 =	vshll.u32 v15, $0x4;
	vm0 =	vlt.s32 v3, $0x1F  }
0xd2: {  	s11 =	simm.s32 $0x0;
	v22 =	vadd.s32 $0x1, v16;
	v23 =	vnsel vm0, $0x1F, v3;
	v3 =	vadd.s32 v5, v18  }
0xd3: {  	s22 =	simm.s32 $0x1;
	v25 =	vld.idx.msk [tilespmem:v7+s15+$0x0], $0xffff;
	v21 =	vmul.f32 v21, v1;
	vm15 =	vlt.s32 v22, $0x1F;
	v24 =	vor.u32 s11, v3  }
0xd4: {  	s13 =	simm.s32 $0x3;
	v14 =	vld.idx.msk [tilespmem:v14+s15+$0x0], $0xffff;
	v7 =	vnsel vm15, $0x1F, v22;
	v23 =	vshll.u32 v23, $0x4;
	v22 =	vor.u32 s22, v3  }
0xd5: {  	v12 =	vadd.f32 v20, v12;
	v28 =	vor.u32 s13, v3;
	v5 =	vadd.s32 v5, v23  }
0xd6: {  	v2 =	vmul.f32 v19, v2;
	v19 =	vshll.u32 v7, $0x9;
	v26 =	vor.u32 s22, v5  }
0xd7: {  	v20 =	vld.idx.msk [tilespmem:v6+s15+$0x0], $0xffff;
	v16 =	vcvt.s32.f32 v16;
	v7 =	vadd.s32 v18, v19;
	v18 =	vor.u32 s11, v5  }
0xd8: {  	v15 =	vcvt.s32.f32 v15;
	v6 =	vadd.s32 v19, v23;
	v27 =	vor.u32 s22, v7;
	v19 =	vld.idx.msk [tilespmem:v24+s15+$0x0], $0xffff  }
0xd9: {  	v1 =	vmul.f32 v25, v1;
	v14 =	vmul.f32 v14, v0;
	v23 =	vor.u32 s11, v7;
	v22 =	vld.idx.msk [tilespmem:v22+s15+$0x0], $0xffff  }
0xda: {  	v13 =	vsub.f32 v13, v16;
	v15 =	vsub.f32 v17, v15;
	v53 =	vor.u32 s22, v6;
	v57 =	vld.idx.msk [tilespmem:v28+s15+$0x0], $0xffff  }
0xdb: {  	s1 =	simm.s32 $0x2;
	v12 =	vadd.f32 v21, v12;
	v2 =	vadd.f32 v2, v4;
	v16 =	vor.u32 s11, v6;
	v17 =	vld.idx.msk [tilespmem:v26+s15+$0x0], $0xffff  }
0xdc: {  	s14 =	sadd.s32 $0x100, s23;
	v21 =	vor.u32 s1, v3;
	v54 =	vsub.f32 $1.000000000e+00, v13;
	v55 =	vsub.f32 $1.000000000e+00, v15;
	v18 =	vld.idx.msk [tilespmem:v18+s15+$0x0], $0xffff  }
0xdd: {  	s18 =	sand.u32 $0x800, s24;
	s20 =	sadd.s32 $0xFFFFFF80, s14;
	v14 =	vadd.f32 v14, v12;
	v29 =	vadd.f32 v1, v2;
	v30 =	vor.u32 s13, v5;
	v27 =	vld.idx.msk [tilespmem:v27+s15+$0x0], $0xffff  }
0xde: {  	s18 =	sadd.s32 s18, s10;
	s20 =	sand.u32 $0x300, s20;
	v20 =	vmul.f32 v20, v0;
	v56 =	vor.u32 s1, v5;
	v0 =	vmul.f32 v15, v13;
	s22 =	sand.u32 $0x380, s14;
	v23 =	vld.idx.msk [tilespmem:v23+s15+$0x0], $0xffff  }
0xdf: {  	v58 =	vor.u32 s13, v6;
	v4 =	vmul.f32 v55, v54;
	v2 =	vmul.f32 v15, v54;
	s22 =	sadd.s32 s22, s18;
	s18 =	sadd.s32 s20, s18;
	s20 =	sadd.s32 $0x200, s24;
	v24 =	vld.idx.msk [tilespmem:v53+s15+$0x0], $0xffff  }
0xe0: {  	v1 =	vmul.f32 v55, v13;
	v13 =	vor.u32 s13, v7;
	s25 =	sand.u32 $0x800, s20;
	v20 =	vadd.f32 v20, v29;
	v15 =	vld.idx.msk [tilespmem:v16+s15+$0x0], $0xffff  }
0xe1: {  	s14 =	sadd.s32 $0x100, s14;
	s13 =	sadd.s32 s25, s10;
	s25 =	simm.s32 $0x5;
	v16 =	vld.idx.msk [tilespmem:v21+s15+$0x0], $0xffff;
	v21 =	vor.u32 s1, v7;
	v22 =	vmul.f32 v22, v4;
	v17 =	vmul.f32 v17, v2  }
0xe2: {  	s24 =	simm.s32 $0x4;
	s23 =	sand.u32 $0x380, s14;
	s20 =	sadd.s32 $0x200, s20;
	v59 =	vor.u32 s25, v3;
	v30 =	vld.idx.msk [tilespmem:v30+s15+$0x0], $0xffff;
	v19 =	vmul.f32 v19, v4;
	v18 =	vmul.f32 v18, v2  }
0xe3: {  	[tilespmem:s22+$0x20] =	vst v9;
	s20 =	sand.u32 $0x800, s20;
	s22 =	sadd.s32 s23, s13;
	v25 =	vld.idx.msk [tilespmem:v56+s15+$0x0], $0xffff;
	v27 =	vmul.f32 v27, v1;
	v17 =	vadd.f32 v17, v22;
	v22 =	vor.u32 s1, v6;
	s1 =	sadd.s32 $0xFFFFFF80, s14  }
0xe4: {  	[tilespmem:s18+$0x20] =	vst v8;
	s20 =	sadd.s32 s20, s10;
	v60 =	vld.idx.msk [tilespmem:v58+s15+$0x0], $0xffff;
	v23 =	vmul.f32 v23, v1;
	v18 =	vadd.f32 v18, v19;
	v19 =	vor.u32 s24, v3;
	s14 =	sadd.s32 $0x100, s14;
	s1 =	sand.u32 $0x300, s1  }
0xe5: {  	v62 =	vor.u32 s25, v7;
	[tilespmem:s22+$0x20] =	vst v11;
	v31 =	vld.idx.msk [tilespmem:v13+s15+$0x0], $0xffff;
	v13 =	vmul.f32 v24, v0;
	s23 =	sadd.s32 $0xFFFFFF80, s14;
	s14 =	sand.u32 $0x380, s14;
	v17 =	vadd.f32 v27, v17;
	s1 =	sadd.s32 s1, s13  }
0xe6: {  	v21 =	vld.idx.msk [tilespmem:v21+s15+$0x0], $0xffff;
	v15 =	vmul.f32 v15, v0;
	v9 =	vadd.f32 v23, v18;
	v18 =	vor.u32 s25, v5;
	s23 =	sand.u32 $0x300, s23;
	s14 =	sadd.s32 s14, s20;
	[tilespmem:s1+$0x20] =	vst v10  }
0xe7: {  	s11 =	sand.u32 $0x800, s11;
	v12 =	vor.u32 s24, v7;
	v11 =	vld.idx.msk [tilespmem:v59+s15+$0x0], $0xffff;
	v23 =	vor.u32 s24, v5;
	s13 =	sadd.s32 s23, s20;
	s23 =	simm.s32 $0x80;
	[tilespmem:s14+$0x20] =	vst v14;
	v17 =	vadd.f32 v13, v17  }
0xe8: {  	s14 =	sadd.s32 s11, s10;
	v61 =	vadd.f32 v15, v9;
	v9 =	vmul.f32 v57, v4;
	v13 =	vmul.f32 v30, v2;
	s20 =	sand.u32 $0x380, s23;
	v8 =	vld.idx.msk [tilespmem:v22+s15+$0x0], $0xffff  }
0xe9: {  	s18 =	simm.s32 $0x0;
	v14 =	vor.u32 s25, v6;
	v15 =	vmul.f32 v16, v4;
	[tilespmem:s13+$0x20] =	vst v20;
	v10 =	vld.idx.msk [tilespmem:v19+s15+$0x0], $0xffff;
	v19 =	vmul.f32 v25, v2;
	s25 =	sadd.s32 s20, s14  }
0xea: {  	s22 =	sand.u32 $0x300, s18;
	v63 =	vmul.f32 v31, v1;
	s11 =	simm.s32 $0x6;
	v16 =	vor.u32 s24, v6;
	v20 =	vadd.f32 v13, v9;
	[tilespmem:s25+$0x30] =	vst v17;
	v17 =	vld.idx.msk [tilespmem:v62+s15+$0x0], $0xffff  }
0xeb: {  	s1 =	sadd.s32 s22, s14;
	v22 =	vmul.f32 v21, v1;
	s25 =	simm.s32 $0x7;
	v13 =	vld.idx.msk [tilespmem:v18+s15+$0x0], $0xffff;
	v9 =	vadd.f32 v19, v15;
	v18 =	vor.u32 s11, v3  }
0xec: {  	s24 =	simm.s32 $0x200;
	s20 =	simm.s32 $0x8;
	v21 =	vmul.f32 v60, v0;
	[tilespmem:s1+$0x30] =	vst v61;
	v15 =	vld.idx.msk [tilespmem:v23+s15+$0x0], $0xffff;
	v19 =	vor.u32 s25, v3;
	v20 =	vadd.f32 v63, v20  }
.LBB2_10:
0xed: {  	p2 =	slt.u32 s20, $0xE;
	v23 =	vor.u32 s25, v5;
	v24 =	vld.idx.msk [tilespmem:v12+s15+$0x0], $0xffff;
	v9 =	vadd.f32 v22, v9;
	v12 =	vmul.f32 v8, v0;
	s1 =	sand.u32 $0x800, s24;
	s23 =	sadd.s32 $0x100, s23  }
0xee: {  	v22 =	vor.u32 s11, v5;
	v25 =	vld.idx.msk [tilespmem:v14+s15+$0x0], $0xffff;
	s13 =	sadd.s32 $0xFFFFFF80, s23;
	s1 =	sadd.s32 s1, s10;
	v14 =	vadd.f32 v21, v20;
	s14 =	sand.u32 $0x380, s23;
	v20 =	vmov v10  }
0xef: {  	v21 =	vor.u32 s25, v7;
	v8 =	vld.idx.msk [tilespmem:v16+s15+$0x0], $0xffff;
	v9 =	vadd.f32 v12, v9;
	s13 =	sand.u32 $0x300, s13;
	s14 =	sadd.s32 s14, s1  }
.Ltmp5:
0xf0: {  	v12 =	vor.u32 s11, v7;
	v26 =	vmul.f32 v13, v2;
	v10 =	vld.idx.msk [tilespmem:v18+s15+$0x0], $0xffff;
	v18 =	vmul.f32 v11, v4;
	s1 =	sadd.s32 s13, s1;
	[tilespmem:s14+$0x30] =	vst v14;
	(pc) =	sbr.rel @p2 .LBB2_10-.Ltmp5, $4  }
0xf1: {  	v14 =	vor.u32 s25, v6;
	v11 =	vld.idx.msk [tilespmem:v19+s15+$0x0], $0xffff;
	v19 =	vmul.f32 v20, v4;
	v20 =	vmul.f32 v15, v2;
	[tilespmem:s1+$0x30] =	vst v9  }
0xf2: {  	v16 =	vor.u32 s11, v6;
	s11 =	smov.u32 s20;
	v13 =	vld.idx.msk [tilespmem:v23+s15+$0x0], $0xffff;
	v23 =	vadd.f32 v26, v18;
	v26 =	vmul.f32 v17, v1  }
0xf3: {  	s25 =	sadd.s32 $0x1, s20;
	v18 =	vor.u32 s20, v3;
	v15 =	vld.idx.msk [tilespmem:v22+s15+$0x0], $0xffff;
	v9 =	vadd.f32 v20, v19;
	v22 =	vmul.f32 v24, v1  }
0xf4: {  	s24 =	sadd.s32 $0x200, s24;
	s20 =	sadd.s32 $0x2, s20;
	v19 =	vor.u32 s25, v3;
	v17 =	vld.idx.msk [tilespmem:v21+s15+$0x0], $0xffff;
	v20 =	vadd.f32 v26, v23;
	v21 =	vmul.f32 v25, v0  }
0xf5: {  	_ = 	snop  }
0xf6: {  	s1 =	sor.u32 s12, s7  }
0xf7: {  	v3 =	vadd.f32 v22, v9;
	v8 =	vmul.f32 v8, v0;
	v22 =	vld [tilespmem:s1+$0x4000]  }
0xf8: {  	v23 =	vor.u32 s25, v5;
	v5 =	vor.u32 s11, v5;
	v9 =	vadd.f32 v21, v20;
	v20 =	vld [tilespmem:s1+$0x0]  }
0xf9: {  	v12 =	vld.idx.msk [tilespmem:v12+s15+$0x0], $0xffff;
	v10 =	vmul.f32 v10, v4;
	v21 =	vor.u32 s25, v7;
	v7 =	vor.u32 s11, v7  }
0xfa: {  	v11 =	vmul.f32 v11, v4;
	v8 =	vadd.f32 v8, v3;
	v3 =	vld.idx.msk [tilespmem:v14+s15+$0x0], $0xffff;
	v13 =	vmul.f32 v13, v2  }
0xfb: {  	v16 =	vld.idx.msk [tilespmem:v16+s15+$0x0], $0xffff;
	v14 =	vor.u32 s25, v6;
	v6 =	vor.u32 s11, v6;
	v15 =	vmul.f32 v15, v2  }
0xfc: {  	v18 =	vld.idx.msk [tilespmem:v18+s15+$0x0], $0xffff;
	v11 =	vadd.f32 v13, v11;
	v13 =	vmul.f32 v17, v1;
	v17 =	vmax.f32 v22, $0.0e+00  }
0xfd: {  	v19 =	vld.idx.msk [tilespmem:v19+s15+$0x0], $0xffff;
	v10 =	vadd.f32 v15, v10;
	v15 =	vmax.f32 v20, $0.0e+00;
	v17 =	vmin.f32 v17, $1.000000000e+00  }
0xfe: {  	v12 =	vmul.f32 v12, v1;
	v20 =	vld.idx.msk [tilespmem:v23+s15+$0x0], $0xffff;
	v15 =	vmin.f32 v15, $1.000000000e+00;
	v17 =	vmul.f32 $3.100000000e+01, v17  }
0xff: {  	v11 =	vadd.f32 v13, v11;
	v3 =	vmul.f32 v3, v0;
	v13 =	vmul.f32 $3.100000000e+01, v15  }
0x100: {  	v10 =	vadd.f32 v12, v10;
	v12 =	vmul.f32 v16, v0;
	v15 =	vtrunc.f32 v17  }
0x101: {  	v21 =	vld.idx.msk [tilespmem:v21+s15+$0x0], $0xffff;
	v11 =	vadd.f32 v3, v11;
	v3 =	vtrunc.f32 v13;
	v15 =	vcvt.f32.s32 v15  }
0x102: {  	v10 =	vadd.f32 v12, v10;
	v12 =	vmul.f32 v19, v4;
	v16 =	vcvt.f32.s32 v3  }
0x103: {  	v4 =	vmul.f32 v18, v4;
	v20 =	vmul.f32 v20, v2;
	v3 =	vadd.s32 $0x1, v15  }
0x104: {  	v19 =	vld.idx.msk [tilespmem:v5+s15+$0x0], $0xffff;
	v5 =	vshll.u32 v16, $0x9;
	v18 =	vshll.u32 v15, $0x4;
	vm0 =	vlt.s32 v3, $0x1F  }
0x105: {  	s11 =	simm.s32 $0x0;
	v22 =	vadd.s32 $0x1, v16;
	v23 =	vnsel vm0, $0x1F, v3;
	v3 =	vadd.s32 v5, v18  }
0x106: {  	s22 =	simm.s32 $0x1;
	v25 =	vld.idx.msk [tilespmem:v7+s15+$0x0], $0xffff;
	v21 =	vmul.f32 v21, v1;
	vm15 =	vlt.s32 v22, $0x1F;
	v24 =	vor.u32 s11, v3  }
0x107: {  	s13 =	simm.s32 $0x3;
	v14 =	vld.idx.msk [tilespmem:v14+s15+$0x0], $0xffff;
	v7 =	vnsel vm15, $0x1F, v22;
	v23 =	vshll.u32 v23, $0x4;
	v22 =	vor.u32 s22, v3  }
0x108: {  	v12 =	vadd.f32 v20, v12;
	v28 =	vor.u32 s13, v3;
	v5 =	vadd.s32 v5, v23  }
0x109: {  	v2 =	vmul.f32 v19, v2;
	v19 =	vshll.u32 v7, $0x9;
	v26 =	vor.u32 s22, v5  }
0x10a: {  	v20 =	vld.idx.msk [tilespmem:v6+s15+$0x0], $0xffff;
	v16 =	vcvt.s32.f32 v16;
	v7 =	vadd.s32 v18, v19;
	v18 =	vor.u32 s11, v5  }
0x10b: {  	v15 =	vcvt.s32.f32 v15;
	v6 =	vadd.s32 v19, v23;
	v27 =	vor.u32 s22, v7;
	v19 =	vld.idx.msk [tilespmem:v24+s15+$0x0], $0xffff  }
0x10c: {  	v1 =	vmul.f32 v25, v1;
	v14 =	vmul.f32 v14, v0;
	v23 =	vor.u32 s11, v7;
	v22 =	vld.idx.msk [tilespmem:v22+s15+$0x0], $0xffff  }
0x10d: {  	v13 =	vsub.f32 v13, v16;
	v15 =	vsub.f32 v17, v15;
	v53 =	vor.u32 s22, v6;
	v57 =	vld.idx.msk [tilespmem:v28+s15+$0x0], $0xffff  }
0x10e: {  	s1 =	simm.s32 $0x2;
	v12 =	vadd.f32 v21, v12;
	v2 =	vadd.f32 v2, v4;
	v16 =	vor.u32 s11, v6;
	v17 =	vld.idx.msk [tilespmem:v26+s15+$0x0], $0xffff  }
0x10f: {  	s14 =	sadd.s32 $0x100, s23;
	v21 =	vor.u32 s1, v3;
	v54 =	vsub.f32 $1.000000000e+00, v13;
	v55 =	vsub.f32 $1.000000000e+00, v15;
	v18 =	vld.idx.msk [tilespmem:v18+s15+$0x0], $0xffff  }
0x110: {  	s18 =	sand.u32 $0x800, s24;
	s20 =	sadd.s32 $0xFFFFFF80, s14;
	v14 =	vadd.f32 v14, v12;
	v29 =	vadd.f32 v1, v2;
	v30 =	vor.u32 s13, v5;
	v27 =	vld.idx.msk [tilespmem:v27+s15+$0x0], $0xffff  }
0x111: {  	s18 =	sadd.s32 s18, s10;
	s20 =	sand.u32 $0x300, s20;
	v20 =	vmul.f32 v20, v0;
	v56 =	vor.u32 s1, v5;
	v0 =	vmul.f32 v15, v13;
	s22 =	sand.u32 $0x380, s14;
	v23 =	vld.idx.msk [tilespmem:v23+s15+$0x0], $0xffff  }
0x112: {  	v58 =	vor.u32 s13, v6;
	v4 =	vmul.f32 v55, v54;
	v2 =	vmul.f32 v15, v54;
	s22 =	sadd.s32 s22, s18;
	s18 =	sadd.s32 s20, s18;
	s20 =	sadd.s32 $0x200, s24;
	v24 =	vld.idx.msk [tilespmem:v53+s15+$0x0], $0xffff  }
0x113: {  	v1 =	vmul.f32 v55, v13;
	v13 =	vor.u32 s13, v7;
	s25 =	sand.u32 $0x800, s20;
	v20 =	vadd.f32 v20, v29;
	v15 =	vld.idx.msk [tilespmem:v16+s15+$0x0], $0xffff  }
0x114: {  	s14 =	sadd.s32 $0x100, s14;
	s13 =	sadd.s32 s25, s10;
	s25 =	simm.s32 $0x5;
	v16 =	vld.idx.msk [tilespmem:v21+s15+$0x0], $0xffff;
	v21 =	vor.u32 s1, v7;
	v22 =	vmul.f32 v22, v4;
	v17 =	vmul.f32 v17, v2  }
0x115: {  	s24 =	simm.s32 $0x4;
	s23 =	sand.u32 $0x380, s14;
	s20 =	sadd.s32 $0x200, s20;
	v59 =	vor.u32 s25, v3;
	v30 =	vld.idx.msk [tilespmem:v30+s15+$0x0], $0xffff;
	v19 =	vmul.f32 v19, v4;
	v18 =	vmul.f32 v18, v2  }
0x116: {  	[tilespmem:s22+$0x30] =	vst v9;
	s20 =	sand.u32 $0x800, s20;
	s22 =	sadd.s32 s23, s13;
	v25 =	vld.idx.msk [tilespmem:v56+s15+$0x0], $0xffff;
	v27 =	vmul.f32 v27, v1;
	v17 =	vadd.f32 v17, v22;
	v22 =	vor.u32 s1, v6;
	s1 =	sadd.s32 $0xFFFFFF80, s14  }
0x117: {  	[tilespmem:s18+$0x30] =	vst v8;
	s20 =	sadd.s32 s20, s10;
	v60 =	vld.idx.msk [tilespmem:v58+s15+$0x0], $0xffff;
	v23 =	vmul.f32 v23, v1;
	v18 =	vadd.f32 v18, v19;
	v19 =	vor.u32 s24, v3;
	s14 =	sadd.s32 $0x100, s14;
	s1 =	sand.u32 $0x300, s1  }
0x118: {  	v62 =	vor.u32 s25, v7;
	[tilespmem:s22+$0x30] =	vst v11;
	v31 =	vld.idx.msk [tilespmem:v13+s15+$0x0], $0xffff;
	v13 =	vmul.f32 v24, v0;
	s23 =	sadd.s32 $0xFFFFFF80, s14;
	s14 =	sand.u32 $0x380, s14;
	v17 =	vadd.f32 v27, v17;
	s1 =	sadd.s32 s1, s13  }
0x119: {  	v21 =	vld.idx.msk [tilespmem:v21+s15+$0x0], $0xffff;
	v15 =	vmul.f32 v15, v0;
	v9 =	vadd.f32 v23, v18;
	v18 =	vor.u32 s25, v5;
	s23 =	sand.u32 $0x300, s23;
	s14 =	sadd.s32 s14, s20;
	[tilespmem:s1+$0x30] =	vst v10  }
0x11a: {  	s11 =	sand.u32 $0x800, s11;
	v12 =	vor.u32 s24, v7;
	v11 =	vld.idx.msk [tilespmem:v59+s15+$0x0], $0xffff;
	v23 =	vor.u32 s24, v5;
	s13 =	sadd.s32 s23, s20;
	s23 =	simm.s32 $0x80;
	[tilespmem:s14+$0x30] =	vst v14;
	v17 =	vadd.f32 v13, v17  }
0x11b: {  	s14 =	sadd.s32 s11, s10;
	v61 =	vadd.f32 v15, v9;
	v9 =	vmul.f32 v57, v4;
	v13 =	vmul.f32 v30, v2;
	s20 =	sand.u32 $0x380, s23;
	v8 =	vld.idx.msk [tilespmem:v22+s15+$0x0], $0xffff  }
0x11c: {  	s18 =	simm.s32 $0x0;
	v14 =	vor.u32 s25, v6;
	v15 =	vmul.f32 v16, v4;
	[tilespmem:s13+$0x30] =	vst v20;
	v10 =	vld.idx.msk [tilespmem:v19+s15+$0x0], $0xffff;
	v19 =	vmul.f32 v25, v2;
	s25 =	sadd.s32 s20, s14  }
0x11d: {  	s22 =	sand.u32 $0x300, s18;
	v63 =	vmul.f32 v31, v1;
	s11 =	simm.s32 $0x6;
	v16 =	vor.u32 s24, v6;
	v20 =	vadd.f32 v13, v9;
	[tilespmem:s25+$0x40] =	vst v17;
	v17 =	vld.idx.msk [tilespmem:v62+s15+$0x0], $0xffff  }
0x11e: {  	s1 =	sadd.s32 s22, s14;
	v22 =	vmul.f32 v21, v1;
	s25 =	simm.s32 $0x7;
	v13 =	vld.idx.msk [tilespmem:v18+s15+$0x0], $0xffff;
	v9 =	vadd.f32 v19, v15;
	v18 =	vor.u32 s11, v3  }
0x11f: {  	s24 =	simm.s32 $0x200;
	s20 =	simm.s32 $0x8;
	v21 =	vmul.f32 v60, v0;
	[tilespmem:s1+$0x40] =	vst v61;
	v15 =	vld.idx.msk [tilespmem:v23+s15+$0x0], $0xffff;
	v19 =	vor.u32 s25, v3;
	v20 =	vadd.f32 v63, v20  }
.LBB2_12:
0x120: {  	p2 =	slt.u32 s20, $0xE;
	v23 =	vor.u32 s25, v5;
	v24 =	vld.idx.msk [tilespmem:v12+s15+$0x0], $0xffff;
	v9 =	vadd.f32 v22, v9;
	v12 =	vmul.f32 v8, v0;
	s1 =	sand.u32 $0x800, s24;
	s23 =	sadd.s32 $0x100, s23  }
0x121: {  	v22 =	vor.u32 s11, v5;
	v25 =	vld.idx.msk [tilespmem:v14+s15+$0x0], $0xffff;
	s13 =	sadd.s32 $0xFFFFFF80, s23;
	s1 =	sadd.s32 s1, s10;
	v14 =	vadd.f32 v21, v20;
	s14 =	sand.u32 $0x380, s23;
	v20 =	vmov v10  }
0x122: {  	v21 =	vor.u32 s25, v7;
	v8 =	vld.idx.msk [tilespmem:v16+s15+$0x0], $0xffff;
	v9 =	vadd.f32 v12, v9;
	s13 =	sand.u32 $0x300, s13;
	s14 =	sadd.s32 s14, s1  }
.Ltmp6:
0x123: {  	v12 =	vor.u32 s11, v7;
	v26 =	vmul.f32 v13, v2;
	v10 =	vld.idx.msk [tilespmem:v18+s15+$0x0], $0xffff;
	v18 =	vmul.f32 v11, v4;
	s1 =	sadd.s32 s13, s1;
	[tilespmem:s14+$0x40] =	vst v14;
	(pc) =	sbr.rel @p2 .LBB2_12-.Ltmp6, $4  }
0x124: {  	v14 =	vor.u32 s25, v6;
	v11 =	vld.idx.msk [tilespmem:v19+s15+$0x0], $0xffff;
	v19 =	vmul.f32 v20, v4;
	v20 =	vmul.f32 v15, v2;
	[tilespmem:s1+$0x40] =	vst v9  }
0x125: {  	v16 =	vor.u32 s11, v6;
	s11 =	smov.u32 s20;
	v13 =	vld.idx.msk [tilespmem:v23+s15+$0x0], $0xffff;
	v23 =	vadd.f32 v26, v18;
	v26 =	vmul.f32 v17, v1  }
0x126: {  	s25 =	sadd.s32 $0x1, s20;
	v18 =	vor.u32 s20, v3;
	v15 =	vld.idx.msk [tilespmem:v22+s15+$0x0], $0xffff;
	v9 =	vadd.f32 v20, v19;
	v22 =	vmul.f32 v24, v1  }
0x127: {  	s24 =	sadd.s32 $0x200, s24;
	s20 =	sadd.s32 $0x2, s20;
	v19 =	vor.u32 s25, v3;
	v17 =	vld.idx.msk [tilespmem:v21+s15+$0x0], $0xffff;
	v20 =	vadd.f32 v26, v23;
	v21 =	vmul.f32 v25, v0  }
0x128: {  	_ = 	snop  }
0x129: {  	s1 =	sor.u32 s3, s7  }
0x12a: {  	v3 =	vadd.f32 v22, v9;
	v8 =	vmul.f32 v8, v0;
	v22 =	vld [tilespmem:s1+$0x4000]  }
0x12b: {  	v23 =	vor.u32 s25, v5;
	v5 =	vor.u32 s11, v5;
	v9 =	vadd.f32 v21, v20;
	v20 =	vld [tilespmem:s1+$0x0]  }
0x12c: {  	v12 =	vld.idx.msk [tilespmem:v12+s15+$0x0], $0xffff;
	v10 =	vmul.f32 v10, v4;
	v21 =	vor.u32 s25, v7;
	v7 =	vor.u32 s11, v7  }
0x12d: {  	v11 =	vmul.f32 v11, v4;
	v8 =	vadd.f32 v8, v3;
	v3 =	vld.idx.msk [tilespmem:v14+s15+$0x0], $0xffff;
	v13 =	vmul.f32 v13, v2  }
0x12e: {  	v16 =	vld.idx.msk [tilespmem:v16+s15+$0x0], $0xffff;
	v14 =	vor.u32 s25, v6;
	v6 =	vor.u32 s11, v6;
	v15 =	vmul.f32 v15, v2  }
0x12f: {  	v18 =	vld.idx.msk [tilespmem:v18+s15+$0x0], $0xffff;
	v11 =	vadd.f32 v13, v11;
	v13 =	vmul.f32 v17, v1;
	v17 =	vmax.f32 v22, $0.0e+00  }
0x130: {  	v19 =	vld.idx.msk [tilespmem:v19+s15+$0x0], $0xffff;
	v10 =	vadd.f32 v15, v10;
	v15 =	vmax.f32 v20, $0.0e+00;
	v17 =	vmin.f32 v17, $1.000000000e+00  }
0x131: {  	v12 =	vmul.f32 v12, v1;
	v20 =	vld.idx.msk [tilespmem:v23+s15+$0x0], $0xffff;
	v15 =	vmin.f32 v15, $1.000000000e+00;
	v17 =	vmul.f32 $3.100000000e+01, v17  }
0x132: {  	v11 =	vadd.f32 v13, v11;
	v3 =	vmul.f32 v3, v0;
	v13 =	vmul.f32 $3.100000000e+01, v15  }
0x133: {  	v10 =	vadd.f32 v12, v10;
	v12 =	vmul.f32 v16, v0;
	v15 =	vtrunc.f32 v17  }
0x134: {  	v21 =	vld.idx.msk [tilespmem:v21+s15+$0x0], $0xffff;
	v11 =	vadd.f32 v3, v11;
	v3 =	vtrunc.f32 v13;
	v15 =	vcvt.f32.s32 v15  }
0x135: {  	v10 =	vadd.f32 v12, v10;
	v12 =	vmul.f32 v19, v4;
	v16 =	vcvt.f32.s32 v3  }
0x136: {  	v4 =	vmul.f32 v18, v4;
	v20 =	vmul.f32 v20, v2;
	v3 =	vadd.s32 $0x1, v15  }
0x137: {  	v19 =	vld.idx.msk [tilespmem:v5+s15+$0x0], $0xffff;
	v5 =	vshll.u32 v16, $0x9;
	v18 =	vshll.u32 v15, $0x4;
	vm0 =	vlt.s32 v3, $0x1F  }
0x138: {  	s11 =	simm.s32 $0x0;
	v22 =	vadd.s32 $0x1, v16;
	v23 =	vnsel vm0, $0x1F, v3;
	v3 =	vadd.s32 v5, v18  }
0x139: {  	s22 =	simm.s32 $0x1;
	v25 =	vld.idx.msk [tilespmem:v7+s15+$0x0], $0xffff;
	v21 =	vmul.f32 v21, v1;
	vm15 =	vlt.s32 v22, $0x1F;
	v24 =	vor.u32 s11, v3  }
0x13a: {  	s13 =	simm.s32 $0x3;
	v14 =	vld.idx.msk [tilespmem:v14+s15+$0x0], $0xffff;
	v7 =	vnsel vm15, $0x1F, v22;
	v23 =	vshll.u32 v23, $0x4;
	v22 =	vor.u32 s22, v3  }
0x13b: {  	v12 =	vadd.f32 v20, v12;
	v28 =	vor.u32 s13, v3;
	v5 =	vadd.s32 v5, v23  }
0x13c: {  	v2 =	vmul.f32 v19, v2;
	v19 =	vshll.u32 v7, $0x9;
	v26 =	vor.u32 s22, v5  }
0x13d: {  	v20 =	vld.idx.msk [tilespmem:v6+s15+$0x0], $0xffff;
	v16 =	vcvt.s32.f32 v16;
	v7 =	vadd.s32 v18, v19;
	v18 =	vor.u32 s11, v5  }
0x13e: {  	v15 =	vcvt.s32.f32 v15;
	v6 =	vadd.s32 v19, v23;
	v27 =	vor.u32 s22, v7;
	v19 =	vld.idx.msk [tilespmem:v24+s15+$0x0], $0xffff  }
0x13f: {  	v1 =	vmul.f32 v25, v1;
	v14 =	vmul.f32 v14, v0;
	v23 =	vor.u32 s11, v7;
	v22 =	vld.idx.msk [tilespmem:v22+s15+$0x0], $0xffff  }
0x140: {  	v13 =	vsub.f32 v13, v16;
	v15 =	vsub.f32 v17, v15;
	v53 =	vor.u32 s22, v6;
	v57 =	vld.idx.msk [tilespmem:v28+s15+$0x0], $0xffff  }
0x141: {  	s1 =	simm.s32 $0x2;
	v12 =	vadd.f32 v21, v12;
	v2 =	vadd.f32 v2, v4;
	v16 =	vor.u32 s11, v6;
	v17 =	vld.idx.msk [tilespmem:v26+s15+$0x0], $0xffff  }
0x142: {  	s14 =	sadd.s32 $0x100, s23;
	v21 =	vor.u32 s1, v3;
	v54 =	vsub.f32 $1.000000000e+00, v13;
	v55 =	vsub.f32 $1.000000000e+00, v15;
	v18 =	vld.idx.msk [tilespmem:v18+s15+$0x0], $0xffff  }
0x143: {  	s18 =	sand.u32 $0x800, s24;
	s20 =	sadd.s32 $0xFFFFFF80, s14;
	v14 =	vadd.f32 v14, v12;
	v29 =	vadd.f32 v1, v2;
	v30 =	vor.u32 s13, v5;
	v27 =	vld.idx.msk [tilespmem:v27+s15+$0x0], $0xffff  }
0x144: {  	s18 =	sadd.s32 s18, s10;
	s20 =	sand.u32 $0x300, s20;
	v20 =	vmul.f32 v20, v0;
	v56 =	vor.u32 s1, v5;
	v0 =	vmul.f32 v15, v13;
	s22 =	sand.u32 $0x380, s14;
	v23 =	vld.idx.msk [tilespmem:v23+s15+$0x0], $0xffff  }
0x145: {  	v58 =	vor.u32 s13, v6;
	v4 =	vmul.f32 v55, v54;
	v2 =	vmul.f32 v15, v54;
	s22 =	sadd.s32 s22, s18;
	s18 =	sadd.s32 s20, s18;
	s20 =	sadd.s32 $0x200, s24;
	v24 =	vld.idx.msk [tilespmem:v53+s15+$0x0], $0xffff  }
0x146: {  	v1 =	vmul.f32 v55, v13;
	v13 =	vor.u32 s13, v7;
	s25 =	sand.u32 $0x800, s20;
	v20 =	vadd.f32 v20, v29;
	v15 =	vld.idx.msk [tilespmem:v16+s15+$0x0], $0xffff  }
0x147: {  	s14 =	sadd.s32 $0x100, s14;
	s13 =	sadd.s32 s25, s10;
	s25 =	simm.s32 $0x5;
	v16 =	vld.idx.msk [tilespmem:v21+s15+$0x0], $0xffff;
	v21 =	vor.u32 s1, v7;
	v22 =	vmul.f32 v22, v4;
	v17 =	vmul.f32 v17, v2  }
0x148: {  	s24 =	simm.s32 $0x4;
	s23 =	sand.u32 $0x380, s14;
	s20 =	sadd.s32 $0x200, s20;
	v59 =	vor.u32 s25, v3;
	v30 =	vld.idx.msk [tilespmem:v30+s15+$0x0], $0xffff;
	v19 =	vmul.f32 v19, v4;
	v18 =	vmul.f32 v18, v2  }
0x149: {  	[tilespmem:s22+$0x40] =	vst v9;
	s20 =	sand.u32 $0x800, s20;
	s22 =	sadd.s32 s23, s13;
	v25 =	vld.idx.msk [tilespmem:v56+s15+$0x0], $0xffff;
	v27 =	vmul.f32 v27, v1;
	v17 =	vadd.f32 v17, v22;
	v22 =	vor.u32 s1, v6;
	s1 =	sadd.s32 $0xFFFFFF80, s14  }
0x14a: {  	[tilespmem:s18+$0x40] =	vst v8;
	s20 =	sadd.s32 s20, s10;
	v60 =	vld.idx.msk [tilespmem:v58+s15+$0x0], $0xffff;
	v23 =	vmul.f32 v23, v1;
	v18 =	vadd.f32 v18, v19;
	v19 =	vor.u32 s24, v3;
	s14 =	sadd.s32 $0x100, s14;
	s1 =	sand.u32 $0x300, s1  }
0x14b: {  	v62 =	vor.u32 s25, v7;
	[tilespmem:s22+$0x40] =	vst v11;
	v31 =	vld.idx.msk [tilespmem:v13+s15+$0x0], $0xffff;
	v13 =	vmul.f32 v24, v0;
	s23 =	sadd.s32 $0xFFFFFF80, s14;
	s14 =	sand.u32 $0x380, s14;
	v17 =	vadd.f32 v27, v17;
	s1 =	sadd.s32 s1, s13  }
0x14c: {  	v21 =	vld.idx.msk [tilespmem:v21+s15+$0x0], $0xffff;
	v15 =	vmul.f32 v15, v0;
	v9 =	vadd.f32 v23, v18;
	v18 =	vor.u32 s25, v5;
	s23 =	sand.u32 $0x300, s23;
	s14 =	sadd.s32 s14, s20;
	[tilespmem:s1+$0x40] =	vst v10  }
0x14d: {  	s11 =	sand.u32 $0x800, s11;
	v12 =	vor.u32 s24, v7;
	v11 =	vld.idx.msk [tilespmem:v59+s15+$0x0], $0xffff;
	v23 =	vor.u32 s24, v5;
	s13 =	sadd.s32 s23, s20;
	s23 =	simm.s32 $0x80;
	[tilespmem:s14+$0x40] =	vst v14;
	v17 =	vadd.f32 v13, v17  }
0x14e: {  	s14 =	sadd.s32 s11, s10;
	v61 =	vadd.f32 v15, v9;
	v9 =	vmul.f32 v57, v4;
	v13 =	vmul.f32 v30, v2;
	s20 =	sand.u32 $0x380, s23;
	v8 =	vld.idx.msk [tilespmem:v22+s15+$0x0], $0xffff  }
0x14f: {  	s18 =	simm.s32 $0x0;
	v14 =	vor.u32 s25, v6;
	v15 =	vmul.f32 v16, v4;
	[tilespmem:s13+$0x40] =	vst v20;
	v10 =	vld.idx.msk [tilespmem:v19+s15+$0x0], $0xffff;
	v19 =	vmul.f32 v25, v2;
	s25 =	sadd.s32 s20, s14  }
0x150: {  	s22 =	sand.u32 $0x300, s18;
	v63 =	vmul.f32 v31, v1;
	s11 =	simm.s32 $0x6;
	v16 =	vor.u32 s24, v6;
	v20 =	vadd.f32 v13, v9;
	[tilespmem:s25+$0x50] =	vst v17;
	v17 =	vld.idx.msk [tilespmem:v62+s15+$0x0], $0xffff  }
0x151: {  	s1 =	sadd.s32 s22, s14;
	v22 =	vmul.f32 v21, v1;
	s25 =	simm.s32 $0x7;
	v13 =	vld.idx.msk [tilespmem:v18+s15+$0x0], $0xffff;
	v9 =	vadd.f32 v19, v15;
	v18 =	vor.u32 s11, v3  }
0x152: {  	s24 =	simm.s32 $0x200;
	s20 =	simm.s32 $0x8;
	v21 =	vmul.f32 v60, v0;
	[tilespmem:s1+$0x50] =	vst v61;
	v15 =	vld.idx.msk [tilespmem:v23+s15+$0x0], $0xffff;
	v19 =	vor.u32 s25, v3;
	v20 =	vadd.f32 v63, v20  }
.LBB2_14:
0x153: {  	p2 =	slt.u32 s20, $0xE;
	v23 =	vor.u32 s25, v5;
	v24 =	vld.idx.msk [tilespmem:v12+s15+$0x0], $0xffff;
	v9 =	vadd.f32 v22, v9;
	v12 =	vmul.f32 v8, v0;
	s1 =	sand.u32 $0x800, s24;
	s23 =	sadd.s32 $0x100, s23  }
0x154: {  	v22 =	vor.u32 s11, v5;
	v25 =	vld.idx.msk [tilespmem:v14+s15+$0x0], $0xffff;
	s13 =	sadd.s32 $0xFFFFFF80, s23;
	s1 =	sadd.s32 s1, s10;
	v14 =	vadd.f32 v21, v20;
	s14 =	sand.u32 $0x380, s23;
	v20 =	vmov v10  }
0x155: {  	v21 =	vor.u32 s25, v7;
	v8 =	vld.idx.msk [tilespmem:v16+s15+$0x0], $0xffff;
	v9 =	vadd.f32 v12, v9;
	s13 =	sand.u32 $0x300, s13;
	s14 =	sadd.s32 s14, s1  }
.Ltmp7:
0x156: {  	v12 =	vor.u32 s11, v7;
	v26 =	vmul.f32 v13, v2;
	v10 =	vld.idx.msk [tilespmem:v18+s15+$0x0], $0xffff;
	v18 =	vmul.f32 v11, v4;
	s1 =	sadd.s32 s13, s1;
	[tilespmem:s14+$0x50] =	vst v14;
	(pc) =	sbr.rel @p2 .LBB2_14-.Ltmp7, $4  }
0x157: {  	v14 =	vor.u32 s25, v6;
	v11 =	vld.idx.msk [tilespmem:v19+s15+$0x0], $0xffff;
	v19 =	vmul.f32 v20, v4;
	v20 =	vmul.f32 v15, v2;
	[tilespmem:s1+$0x50] =	vst v9  }
0x158: {  	v16 =	vor.u32 s11, v6;
	s11 =	smov.u32 s20;
	v13 =	vld.idx.msk [tilespmem:v23+s15+$0x0], $0xffff;
	v23 =	vadd.f32 v26, v18;
	v26 =	vmul.f32 v17, v1  }
0x159: {  	s25 =	sadd.s32 $0x1, s20;
	v18 =	vor.u32 s20, v3;
	v15 =	vld.idx.msk [tilespmem:v22+s15+$0x0], $0xffff;
	v9 =	vadd.f32 v20, v19;
	v22 =	vmul.f32 v24, v1  }
0x15a: {  	s24 =	sadd.s32 $0x200, s24;
	s20 =	sadd.s32 $0x2, s20;
	v19 =	vor.u32 s25, v3;
	v17 =	vld.idx.msk [tilespmem:v21+s15+$0x0], $0xffff;
	v20 =	vadd.f32 v26, v23;
	v21 =	vmul.f32 v25, v0  }
0x15b: {  	_ = 	snop  }
0x15c: {  	s1 =	sor.u32 s6, s7  }
0x15d: {  	v3 =	vadd.f32 v22, v9;
	v8 =	vmul.f32 v8, v0;
	v22 =	vld [tilespmem:s1+$0x4000]  }
0x15e: {  	v23 =	vor.u32 s25, v5;
	v5 =	vor.u32 s11, v5;
	v9 =	vadd.f32 v21, v20;
	v20 =	vld [tilespmem:s1+$0x0]  }
0x15f: {  	v12 =	vld.idx.msk [tilespmem:v12+s15+$0x0], $0xffff;
	v10 =	vmul.f32 v10, v4;
	v21 =	vor.u32 s25, v7;
	v7 =	vor.u32 s11, v7  }
0x160: {  	v11 =	vmul.f32 v11, v4;
	v8 =	vadd.f32 v8, v3;
	v3 =	vld.idx.msk [tilespmem:v14+s15+$0x0], $0xffff;
	v13 =	vmul.f32 v13, v2  }
0x161: {  	v16 =	vld.idx.msk [tilespmem:v16+s15+$0x0], $0xffff;
	v14 =	vor.u32 s25, v6;
	v6 =	vor.u32 s11, v6;
	v15 =	vmul.f32 v15, v2  }
0x162: {  	v18 =	vld.idx.msk [tilespmem:v18+s15+$0x0], $0xffff;
	v11 =	vadd.f32 v13, v11;
	v13 =	vmul.f32 v17, v1;
	v17 =	vmax.f32 v22, $0.0e+00  }
0x163: {  	v19 =	vld.idx.msk [tilespmem:v19+s15+$0x0], $0xffff;
	v10 =	vadd.f32 v15, v10;
	v15 =	vmax.f32 v20, $0.0e+00;
	v17 =	vmin.f32 v17, $1.000000000e+00  }
0x164: {  	v12 =	vmul.f32 v12, v1;
	v20 =	vld.idx.msk [tilespmem:v23+s15+$0x0], $0xffff;
	v15 =	vmin.f32 v15, $1.000000000e+00;
	v17 =	vmul.f32 $3.100000000e+01, v17  }
0x165: {  	v11 =	vadd.f32 v13, v11;
	v3 =	vmul.f32 v3, v0;
	v13 =	vmul.f32 $3.100000000e+01, v15  }
0x166: {  	v10 =	vadd.f32 v12, v10;
	v12 =	vmul.f32 v16, v0;
	v15 =	vtrunc.f32 v17  }
0x167: {  	v21 =	vld.idx.msk [tilespmem:v21+s15+$0x0], $0xffff;
	v11 =	vadd.f32 v3, v11;
	v3 =	vtrunc.f32 v13;
	v15 =	vcvt.f32.s32 v15  }
0x168: {  	v10 =	vadd.f32 v12, v10;
	v12 =	vmul.f32 v19, v4;
	v16 =	vcvt.f32.s32 v3  }
0x169: {  	v4 =	vmul.f32 v18, v4;
	v20 =	vmul.f32 v20, v2;
	v3 =	vadd.s32 $0x1, v15  }
0x16a: {  	v19 =	vld.idx.msk [tilespmem:v5+s15+$0x0], $0xffff;
	v5 =	vshll.u32 v16, $0x9;
	v18 =	vshll.u32 v15, $0x4;
	vm0 =	vlt.s32 v3, $0x1F  }
0x16b: {  	s11 =	simm.s32 $0x0;
	v22 =	vadd.s32 $0x1, v16;
	v23 =	vnsel vm0, $0x1F, v3;
	v3 =	vadd.s32 v5, v18  }
0x16c: {  	s22 =	simm.s32 $0x1;
	v25 =	vld.idx.msk [tilespmem:v7+s15+$0x0], $0xffff;
	v21 =	vmul.f32 v21, v1;
	vm15 =	vlt.s32 v22, $0x1F;
	v24 =	vor.u32 s11, v3  }
0x16d: {  	s13 =	simm.s32 $0x3;
	v14 =	vld.idx.msk [tilespmem:v14+s15+$0x0], $0xffff;
	v7 =	vnsel vm15, $0x1F, v22;
	v23 =	vshll.u32 v23, $0x4;
	v22 =	vor.u32 s22, v3  }
0x16e: {  	v12 =	vadd.f32 v20, v12;
	v28 =	vor.u32 s13, v3;
	v5 =	vadd.s32 v5, v23  }
0x16f: {  	v2 =	vmul.f32 v19, v2;
	v19 =	vshll.u32 v7, $0x9;
	v26 =	vor.u32 s22, v5  }
0x170: {  	v20 =	vld.idx.msk [tilespmem:v6+s15+$0x0], $0xffff;
	v16 =	vcvt.s32.f32 v16;
	v7 =	vadd.s32 v18, v19;
	v18 =	vor.u32 s11, v5  }
0x171: {  	v15 =	vcvt.s32.f32 v15;
	v6 =	vadd.s32 v19, v23;
	v27 =	vor.u32 s22, v7;
	v19 =	vld.idx.msk [tilespmem:v24+s15+$0x0], $0xffff  }
0x172: {  	v1 =	vmul.f32 v25, v1;
	v14 =	vmul.f32 v14, v0;
	v23 =	vor.u32 s11, v7;
	v22 =	vld.idx.msk [tilespmem:v22+s15+$0x0], $0xffff  }
0x173: {  	v13 =	vsub.f32 v13, v16;
	v15 =	vsub.f32 v17, v15;
	v53 =	vor.u32 s22, v6;
	v57 =	vld.idx.msk [tilespmem:v28+s15+$0x0], $0xffff  }
0x174: {  	s1 =	simm.s32 $0x2;
	v12 =	vadd.f32 v21, v12;
	v2 =	vadd.f32 v2, v4;
	v16 =	vor.u32 s11, v6;
	v17 =	vld.idx.msk [tilespmem:v26+s15+$0x0], $0xffff  }
0x175: {  	s14 =	sadd.s32 $0x100, s23;
	v21 =	vor.u32 s1, v3;
	v54 =	vsub.f32 $1.000000000e+00, v13;
	v55 =	vsub.f32 $1.000000000e+00, v15;
	v18 =	vld.idx.msk [tilespmem:v18+s15+$0x0], $0xffff  }
0x176: {  	s18 =	sand.u32 $0x800, s24;
	s20 =	sadd.s32 $0xFFFFFF80, s14;
	v14 =	vadd.f32 v14, v12;
	v29 =	vadd.f32 v1, v2;
	v30 =	vor.u32 s13, v5;
	v27 =	vld.idx.msk [tilespmem:v27+s15+$0x0], $0xffff  }
0x177: {  	s18 =	sadd.s32 s18, s10;
	s20 =	sand.u32 $0x300, s20;
	v20 =	vmul.f32 v20, v0;
	v56 =	vor.u32 s1, v5;
	v0 =	vmul.f32 v15, v13;
	s22 =	sand.u32 $0x380, s14;
	v23 =	vld.idx.msk [tilespmem:v23+s15+$0x0], $0xffff  }
0x178: {  	v58 =	vor.u32 s13, v6;
	v4 =	vmul.f32 v55, v54;
	v2 =	vmul.f32 v15, v54;
	s22 =	sadd.s32 s22, s18;
	s18 =	sadd.s32 s20, s18;
	s20 =	sadd.s32 $0x200, s24;
	v24 =	vld.idx.msk [tilespmem:v53+s15+$0x0], $0xffff  }
0x179: {  	v1 =	vmul.f32 v55, v13;
	v13 =	vor.u32 s13, v7;
	s25 =	sand.u32 $0x800, s20;
	v20 =	vadd.f32 v20, v29;
	v15 =	vld.idx.msk [tilespmem:v16+s15+$0x0], $0xffff  }
0x17a: {  	s14 =	sadd.s32 $0x100, s14;
	s13 =	sadd.s32 s25, s10;
	s25 =	simm.s32 $0x5;
	v16 =	vld.idx.msk [tilespmem:v21+s15+$0x0], $0xffff;
	v21 =	vor.u32 s1, v7;
	v22 =	vmul.f32 v22, v4;
	v17 =	vmul.f32 v17, v2  }
0x17b: {  	s24 =	simm.s32 $0x4;
	s23 =	sand.u32 $0x380, s14;
	s20 =	sadd.s32 $0x200, s20;
	v59 =	vor.u32 s25, v3;
	v30 =	vld.idx.msk [tilespmem:v30+s15+$0x0], $0xffff;
	v19 =	vmul.f32 v19, v4;
	v18 =	vmul.f32 v18, v2  }
0x17c: {  	[tilespmem:s22+$0x50] =	vst v9;
	s20 =	sand.u32 $0x800, s20;
	s22 =	sadd.s32 s23, s13;
	v25 =	vld.idx.msk [tilespmem:v56+s15+$0x0], $0xffff;
	v27 =	vmul.f32 v27, v1;
	v17 =	vadd.f32 v17, v22;
	v22 =	vor.u32 s1, v6;
	s1 =	sadd.s32 $0xFFFFFF80, s14  }
0x17d: {  	[tilespmem:s18+$0x50] =	vst v8;
	s20 =	sadd.s32 s20, s10;
	v60 =	vld.idx.msk [tilespmem:v58+s15+$0x0], $0xffff;
	v23 =	vmul.f32 v23, v1;
	v18 =	vadd.f32 v18, v19;
	v19 =	vor.u32 s24, v3;
	s14 =	sadd.s32 $0x100, s14;
	s1 =	sand.u32 $0x300, s1  }
0x17e: {  	v62 =	vor.u32 s25, v7;
	[tilespmem:s22+$0x50] =	vst v11;
	v31 =	vld.idx.msk [tilespmem:v13+s15+$0x0], $0xffff;
	v13 =	vmul.f32 v24, v0;
	s23 =	sadd.s32 $0xFFFFFF80, s14;
	s14 =	sand.u32 $0x380, s14;
	v17 =	vadd.f32 v27, v17;
	s1 =	sadd.s32 s1, s13  }
0x17f: {  	v21 =	vld.idx.msk [tilespmem:v21+s15+$0x0], $0xffff;
	v15 =	vmul.f32 v15, v0;
	v9 =	vadd.f32 v23, v18;
	v18 =	vor.u32 s25, v5;
	s23 =	sand.u32 $0x300, s23;
	s14 =	sadd.s32 s14, s20;
	[tilespmem:s1+$0x50] =	vst v10  }
0x180: {  	s11 =	sand.u32 $0x800, s11;
	v12 =	vor.u32 s24, v7;
	v11 =	vld.idx.msk [tilespmem:v59+s15+$0x0], $0xffff;
	v23 =	vor.u32 s24, v5;
	s13 =	sadd.s32 s23, s20;
	s23 =	simm.s32 $0x80;
	[tilespmem:s14+$0x50] =	vst v14;
	v17 =	vadd.f32 v13, v17  }
0x181: {  	s14 =	sadd.s32 s11, s10;
	v61 =	vadd.f32 v15, v9;
	v9 =	vmul.f32 v57, v4;
	v13 =	vmul.f32 v30, v2;
	s20 =	sand.u32 $0x380, s23;
	v8 =	vld.idx.msk [tilespmem:v22+s15+$0x0], $0xffff  }
0x182: {  	s18 =	simm.s32 $0x0;
	v14 =	vor.u32 s25, v6;
	v15 =	vmul.f32 v16, v4;
	[tilespmem:s13+$0x50] =	vst v20;
	v10 =	vld.idx.msk [tilespmem:v19+s15+$0x0], $0xffff;
	v19 =	vmul.f32 v25, v2;
	s25 =	sadd.s32 s20, s14  }
0x183: {  	s22 =	sand.u32 $0x300, s18;
	v63 =	vmul.f32 v31, v1;
	s11 =	simm.s32 $0x6;
	v16 =	vor.u32 s24, v6;
	v20 =	vadd.f32 v13, v9;
	[tilespmem:s25+$0x60] =	vst v17;
	v17 =	vld.idx.msk [tilespmem:v62+s15+$0x0], $0xffff  }
0x184: {  	s1 =	sadd.s32 s22, s14;
	v22 =	vmul.f32 v21, v1;
	s25 =	simm.s32 $0x7;
	v13 =	vld.idx.msk [tilespmem:v18+s15+$0x0], $0xffff;
	v9 =	vadd.f32 v19, v15;
	v18 =	vor.u32 s11, v3  }
0x185: {  	s24 =	simm.s32 $0x200;
	s20 =	simm.s32 $0x8;
	v21 =	vmul.f32 v60, v0;
	[tilespmem:s1+$0x60] =	vst v61;
	v15 =	vld.idx.msk [tilespmem:v23+s15+$0x0], $0xffff;
	v19 =	vor.u32 s25, v3;
	v20 =	vadd.f32 v63, v20  }
.LBB2_16:
0x186: {  	p2 =	slt.u32 s20, $0xE;
	v23 =	vor.u32 s25, v5;
	v24 =	vld.idx.msk [tilespmem:v12+s15+$0x0], $0xffff;
	v9 =	vadd.f32 v22, v9;
	v12 =	vmul.f32 v8, v0;
	s1 =	sand.u32 $0x800, s24;
	s23 =	sadd.s32 $0x100, s23  }
0x187: {  	v22 =	vor.u32 s11, v5;
	v25 =	vld.idx.msk [tilespmem:v14+s15+$0x0], $0xffff;
	s13 =	sadd.s32 $0xFFFFFF80, s23;
	s1 =	sadd.s32 s1, s10;
	v14 =	vadd.f32 v21, v20;
	s14 =	sand.u32 $0x380, s23;
	v20 =	vmov v10  }
0x188: {  	v21 =	vor.u32 s25, v7;
	v8 =	vld.idx.msk [tilespmem:v16+s15+$0x0], $0xffff;
	v9 =	vadd.f32 v12, v9;
	s13 =	sand.u32 $0x300, s13;
	s14 =	sadd.s32 s14, s1  }
.Ltmp8:
0x189: {  	v12 =	vor.u32 s11, v7;
	v26 =	vmul.f32 v13, v2;
	v10 =	vld.idx.msk [tilespmem:v18+s15+$0x0], $0xffff;
	v18 =	vmul.f32 v11, v4;
	s1 =	sadd.s32 s13, s1;
	[tilespmem:s14+$0x60] =	vst v14;
	(pc) =	sbr.rel @p2 .LBB2_16-.Ltmp8, $4  }
0x18a: {  	v14 =	vor.u32 s25, v6;
	v11 =	vld.idx.msk [tilespmem:v19+s15+$0x0], $0xffff;
	v19 =	vmul.f32 v20, v4;
	v20 =	vmul.f32 v15, v2;
	[tilespmem:s1+$0x60] =	vst v9  }
0x18b: {  	v16 =	vor.u32 s11, v6;
	s11 =	smov.u32 s20;
	v13 =	vld.idx.msk [tilespmem:v23+s15+$0x0], $0xffff;
	v23 =	vadd.f32 v26, v18;
	v26 =	vmul.f32 v17, v1  }
0x18c: {  	s25 =	sadd.s32 $0x1, s20;
	v18 =	vor.u32 s20, v3;
	v15 =	vld.idx.msk [tilespmem:v22+s15+$0x0], $0xffff;
	v9 =	vadd.f32 v20, v19;
	v22 =	vmul.f32 v24, v1  }
0x18d: {  	s24 =	sadd.s32 $0x200, s24;
	s20 =	sadd.s32 $0x2, s20;
	v19 =	vor.u32 s25, v3;
	v17 =	vld.idx.msk [tilespmem:v21+s15+$0x0], $0xffff;
	v20 =	vadd.f32 v26, v23;
	v21 =	vmul.f32 v25, v0  }
0x18e: {  	_ =	sdelay $0x3  }
0x18f: {  	s1 =	sor.u32 s8, s7;
	v12 =	vld.idx.msk [tilespmem:v12+s15+$0x0], $0xffff  }
0x190: {  	v3 =	vadd.f32 v22, v9;
	v22 =	vld [tilespmem:s1+$0x4000]  }
0x191: {  	v8 =	vmul.f32 v8, v0;
	v23 =	vor.u32 s25, v5;
	v9 =	vadd.f32 v21, v20;
	v20 =	vld [tilespmem:s1+$0x0]  }
0x192: {  	v5 =	vor.u32 s11, v5;
	v16 =	vld.idx.msk [tilespmem:v16+s15+$0x0], $0xffff;
	v10 =	vmul.f32 v10, v4;
	v11 =	vmul.f32 v11, v4  }
0x193: {  	v8 =	vadd.f32 v8, v3;
	v3 =	vld.idx.msk [tilespmem:v14+s15+$0x0], $0xffff;
	v13 =	vmul.f32 v13, v2;
	v15 =	vmul.f32 v15, v2  }
0x194: {  	v24 =	vor.u32 s11, v6;
	v21 =	vor.u32 s25, v7;
	v14 =	vor.u32 s25, v6;
	v6 =	vld.idx.msk [tilespmem:v18+s15+$0x0], $0xffff  }
0x195: {  	v18 =	vld.idx.msk [tilespmem:v19+s15+$0x0], $0xffff;
	v11 =	vadd.f32 v13, v11;
	v13 =	vmul.f32 v17, v1;
	v10 =	vadd.f32 v15, v10  }
0x196: {  	v12 =	vmul.f32 v12, v1;
	v17 =	vmax.f32 v22, $0.0e+00;
	v15 =	vmax.f32 v20, $0.0e+00  }
0x197: {  	v7 =	vor.u32 s11, v7;
	v19 =	vld.idx.msk [tilespmem:v23+s15+$0x0], $0xffff;
	v17 =	vmin.f32 v17, $1.000000000e+00;
	v15 =	vmin.f32 v15, $1.000000000e+00  }
0x198: {  	v5 =	vld.idx.msk [tilespmem:v5+s15+$0x0], $0xffff;
	v3 =	vmul.f32 v3, v0;
	v10 =	vadd.f32 v12, v10;
	v12 =	vmul.f32 v16, v0  }
0x199: {  	v24 =	vld.idx.msk [tilespmem:v24+s15+$0x0], $0xffff;
	v11 =	vadd.f32 v13, v11;
	v17 =	vmul.f32 $3.100000000e+01, v17;
	v13 =	vmul.f32 $3.100000000e+01, v15  }
0x19a: {  	v10 =	vadd.f32 v12, v10;
	v12 =	vmul.f32 v18, v4  }
0x19b: {  	v11 =	vadd.f32 v3, v11;
	v15 =	vtrunc.f32 v17;
	v3 =	vtrunc.f32 v13  }
0x19c: {  	v20 =	vld.idx.msk [tilespmem:v21+s15+$0x0], $0xffff;
	v18 =	vmul.f32 v19, v2;
	v15 =	vcvt.f32.s32 v15  }
0x19d: {  	v19 =	vmul.f32 v6, v4;
	v16 =	vcvt.f32.s32 v3  }
0x19e: {  	v25 =	vld.idx.msk [tilespmem:v7+s15+$0x0], $0xffff;
	v2 =	vmul.f32 v5, v2;
	v24 =	vmul.f32 v24, v0;
	v3 =	vadd.s32 $0x1, v15  }
0x19f: {  	v4 =	vshll.u32 v16, $0x9;
	v6 =	vshll.u32 v15, $0x4;
	vm0 =	vlt.s32 v3, $0x1F  }
0x1a0: {  	s7 =	simm.s32 $0x0;
	v21 =	vadd.s32 $0x1, v16;
	v22 =	vnsel vm0, $0x1F, v3;
	v3 =	vadd.s32 v4, v6  }
0x1a1: {  	s22 =	simm.s32 $0x1;
	v20 =	vmul.f32 v20, v1;
	vm15 =	vlt.s32 v21, $0x1F;
	v23 =	vor.u32 s7, v3  }
0x1a2: {  	s25 =	simm.s32 $0x3;
	v7 =	vnsel vm15, $0x1F, v21;
	v22 =	vshll.u32 v22, $0x4;
	v21 =	vor.u32 s22, v3  }
0x1a3: {  	v14 =	vld.idx.msk [tilespmem:v14+s15+$0x0], $0xffff;
	v1 =	vmul.f32 v25, v1;
	v57 =	vor.u32 s25, v3;
	v4 =	vadd.s32 v4, v22  }
0x1a4: {  	v12 =	vadd.f32 v18, v12;
	v5 =	vshll.u32 v7, $0x9;
	v26 =	vor.u32 s22, v4  }
0x1a5: {  	v15 =	vcvt.s32.f32 v15;
	v6 =	vadd.s32 v6, v5;
	v18 =	vor.u32 s7, v4  }
0x1a6: {  	v16 =	vcvt.s32.f32 v16;
	v7 =	vadd.s32 v5, v22;
	v27 =	vor.u32 s22, v6;
	v22 =	vld.idx.msk [tilespmem:v23+s15+$0x0], $0xffff  }
0x1a7: {  	v2 =	vadd.f32 v2, v19;
	v15 =	vsub.f32 v17, v15;
	v5 =	vor.u32 s7, v6;
	v19 =	vld.idx.msk [tilespmem:v21+s15+$0x0], $0xffff  }
0x1a8: {  	v14 =	vmul.f32 v14, v0;
	v13 =	vsub.f32 v13, v16;
	v16 =	vor.u32 s7, v7;
	v58 =	vld.idx.msk [tilespmem:v57+s15+$0x0], $0xffff  }
0x1a9: {  	s1 =	simm.s32 $0x2;
	v12 =	vadd.f32 v20, v12;
	v56 =	vsub.f32 $1.000000000e+00, v15;
	v21 =	vor.u32 s22, v7;
	v17 =	vld.idx.msk [tilespmem:v26+s15+$0x0], $0xffff  }
0x1aa: {  	s13 =	sadd.s32 $0x100, s23;
	s14 =	sand.u32 $0x800, s24;
	v28 =	vadd.f32 v1, v2;
	v20 =	vor.u32 s1, v3;
	v0 =	vmul.f32 v15, v13;
	v18 =	vld.idx.msk [tilespmem:v18+s15+$0x0], $0xffff  }
0x1ab: {  	s18 =	sadd.s32 $0xFFFFFF80, s13;
	s14 =	sadd.s32 s14, s10;
	s20 =	sand.u32 $0x380, s13;
	v1 =	vmul.f32 v56, v13;
	v23 =	vsub.f32 $1.000000000e+00, v13;
	v13 =	vor.u32 s25, v6;
	v27 =	vld.idx.msk [tilespmem:v27+s15+$0x0], $0xffff  }
0x1ac: {  	s18 =	sand.u32 $0x300, s18;
	s20 =	sadd.s32 s20, s14;
	v12 =	vadd.f32 v14, v12;
	v29 =	vor.u32 s25, v4;
	v30 =	vld.idx.msk [tilespmem:v5+s15+$0x0], $0xffff  }
0x1ad: {  	s14 =	sadd.s32 s18, s14;
	s18 =	sadd.s32 $0x200, s24;
	s24 =	simm.s32 $0x4;
	v2 =	vmul.f32 v56, v23;
	v5 =	vmul.f32 v15, v23;
	v23 =	vor.u32 s1, v4;
	v15 =	vld.idx.msk [tilespmem:v16+s15+$0x0], $0xffff  }
0x1ae: {  	v24 =	vadd.f32 v24, v28;
	v59 =	vor.u32 s25, v7;
	v61 =	vor.u32 s24, v4;
	s22 =	sand.u32 $0x800, s18;
	v21 =	vld.idx.msk [tilespmem:v21+s15+$0x0], $0xffff  }
0x1af: {  	s11 =	sadd.s32 s22, s10;
	s22 =	simm.s32 $0x5;
	v16 =	vld.idx.msk [tilespmem:v20+s15+$0x0], $0xffff;
	v20 =	vor.u32 s1, v6;
	v19 =	vmul.f32 v19, v2;
	v17 =	vmul.f32 v17, v5  }
0x1b0: {  	v62 =	vor.u32 s22, v6;
	v22 =	vmul.f32 v22, v2;
	v13 =	vld.idx.msk [tilespmem:v13+s15+$0x0], $0xffff;
	v18 =	vmul.f32 v18, v5  }
0x1b1: {  	s13 =	sadd.s32 $0x100, s13;
	s7 =	sand.u32 $0x800, s7;
	v29 =	vld.idx.msk [tilespmem:v29+s15+$0x0], $0xffff;
	v27 =	vmul.f32 v27, v1;
	v17 =	vadd.f32 v17, v19;
	v19 =	vor.u32 s1, v7  }
0x1b2: {  	s23 =	sadd.s32 $0xFFFFFF80, s13;
	[tilespmem:s20+$0x60] =	vst v9;
	s7 =	sadd.s32 s7, s10;
	s25 =	sand.u32 $0x380, s13;
	v23 =	vld.idx.msk [tilespmem:v23+s15+$0x0], $0xffff;
	v30 =	vmul.f32 v30, v1;
	v18 =	vadd.f32 v18, v22;
	v22 =	vor.u32 s24, v3  }
0x1b3: {  	[tilespmem:s14+$0x60] =	vst v8;
	s18 =	sadd.s32 $0x200, s18;
	v60 =	vor.u32 s22, v3;
	s25 =	sadd.s32 s25, s11;
	v26 =	vld.idx.msk [tilespmem:v59+s15+$0x0], $0xffff;
	v15 =	vmul.f32 v15, v0;
	s1 =	sand.u32 $0x300, s23;
	v21 =	vmul.f32 v21, v0  }
0x1b4: {  	s13 =	sadd.s32 $0x100, s13;
	s18 =	sand.u32 $0x800, s18;
	[tilespmem:s25+$0x60] =	vst v11;
	v20 =	vld.idx.msk [tilespmem:v20+s15+$0x0], $0xffff;
	s1 =	sadd.s32 s1, s11;
	v17 =	vadd.f32 v27, v17;
	v9 =	vadd.f32 v30, v18;
	v18 =	vor.u32 s22, v4  }
0x1b5: {  	v14 =	vor.u32 s24, v6;
	s18 =	sadd.s32 s18, s10;
	v11 =	vmul.f32 v58, v2;
	s23 =	sadd.s32 $0xFFFFFF80, s13;
	s13 =	sand.u32 $0x380, s13;
	v63 =	vmul.f32 v13, v1;
	v13 =	vld.idx.msk [tilespmem:v62+s15+$0x0], $0xffff;
	[tilespmem:s1+$0x60] =	vst v10  }
0x1b6: {  	s25 =	sand.u32 $0x300, s23;
	s13 =	sadd.s32 s13, s18;
	s11 =	simm.s32 $0x80;
	v17 =	vadd.f32 v21, v17;
	v21 =	vadd.f32 v15, v9;
	v9 =	vld.idx.msk [tilespmem:v19+s15+$0x0], $0xffff;
	v19 =	vmul.f32 v29, v5  }
0x1b7: {  	s14 =	sadd.s32 s25, s18;
	[tilespmem:s13+$0x60] =	vst v12;
	s18 =	simm.s32 $0x0;
	s20 =	sand.u32 $0x380, s11;
	v12 =	vmul.f32 v16, v2;
	v15 =	vor.u32 s22, v7;
	v8 =	vld.idx.msk [tilespmem:v22+s15+$0x0], $0xffff;
	v22 =	vmul.f32 v23, v5  }
0x1b8: {  	s23 =	simm.s32 $0x6;
	v10 =	vld.idx.msk [tilespmem:v60+s15+$0x0], $0xffff;
	v16 =	vor.u32 s24, v7;
	[tilespmem:s14+$0x60] =	vst v24;
	s25 =	sadd.s32 s20, s7;
	s22 =	sand.u32 $0x300, s18;
	v23 =	vadd.f32 v19, v11  }
0x1b9: {  	s24 =	simm.s32 $0x7;
	s1 =	sadd.s32 s22, s7;
	[tilespmem:s25+$0x70] =	vst v17;
	v17 =	vor.u32 s23, v3;
	v11 =	vld.idx.msk [tilespmem:v18+s15+$0x0], $0xffff;
	v19 =	vadd.f32 v22, v12;
	v22 =	vmul.f32 v20, v1  }
0x1ba: {  	s20 =	simm.s32 $0x8;
	s7 =	simm.s32 $0x200;
	[tilespmem:s1+$0x70] =	vst v21;
	v21 =	vmul.f32 v26, v0;
	v12 =	vld.idx.msk [tilespmem:v61+s15+$0x0], $0xffff;
	v18 =	vor.u32 s24, v3;
	v20 =	vadd.f32 v63, v23  }
.LBB2_18:
0x1bb: {  	p2 =	slt.u32 s20, $0xE;
	v23 =	vor.u32 s24, v4;
	v24 =	vld.idx.msk [tilespmem:v14+s15+$0x0], $0xffff;
	v14 =	vadd.f32 v22, v19;
	v19 =	vmul.f32 v9, v0;
	s1 =	sand.u32 $0x800, s7;
	s11 =	sadd.s32 $0x100, s11  }
0x1bc: {  	v22 =	vor.u32 s23, v4;
	v25 =	vld.idx.msk [tilespmem:v15+s15+$0x0], $0xffff;
	s13 =	sadd.s32 $0xFFFFFF80, s11;
	s1 =	sadd.s32 s1, s10;
	v15 =	vadd.f32 v21, v20;
	s14 =	sand.u32 $0x380, s11;
	v20 =	vmov v8  }
0x1bd: {  	v21 =	vor.u32 s24, v6;
	v9 =	vld.idx.msk [tilespmem:v16+s15+$0x0], $0xffff;
	v16 =	vadd.f32 v19, v14;
	s13 =	sand.u32 $0x300, s13;
	s14 =	sadd.s32 s14, s1  }
.Ltmp9:
0x1be: {  	v14 =	vor.u32 s23, v6;
	v19 =	vmul.f32 v11, v5;
	v8 =	vld.idx.msk [tilespmem:v17+s15+$0x0], $0xffff;
	v17 =	vmul.f32 v10, v2;
	s1 =	sadd.s32 s13, s1;
	[tilespmem:s14+$0x70] =	vst v15;
	(pc) =	sbr.rel @p2 .LBB2_18-.Ltmp9, $4  }
0x1bf: {  	v15 =	vor.u32 s24, v7;
	v10 =	vld.idx.msk [tilespmem:v18+s15+$0x0], $0xffff;
	v18 =	vmul.f32 v20, v2;
	v20 =	vmul.f32 v12, v5;
	[tilespmem:s1+$0x70] =	vst v16  }
0x1c0: {  	v16 =	vor.u32 s23, v7;
	v26 =	vmul.f32 v13, v1;
	s23 =	smov.u32 s20;
	v11 =	vld.idx.msk [tilespmem:v23+s15+$0x0], $0xffff;
	v23 =	vadd.f32 v19, v17  }
0x1c1: {  	s24 =	sadd.s32 $0x1, s20;
	v17 =	vor.u32 s20, v3;
	v12 =	vld.idx.msk [tilespmem:v22+s15+$0x0], $0xffff;
	v19 =	vadd.f32 v20, v18;
	v22 =	vmul.f32 v24, v1  }
0x1c2: {  	s7 =	sadd.s32 $0x200, s7;
	s20 =	sadd.s32 $0x2, s20;
	v18 =	vor.u32 s24, v3;
	v13 =	vld.idx.msk [tilespmem:v21+s15+$0x0], $0xffff;
	v20 =	vadd.f32 v26, v23;
	v21 =	vmul.f32 v25, v0  }
0x1c3: {  	_ =	sdelay $0x3  }
0x1c4: {  	v3 =	vor.u32 s24, v4;
	v14 =	vld.idx.msk [tilespmem:v14+s15+$0x0], $0xffff  }
0x1c5: {  	v47 =	vor.u32 s23, v4;
	v15 =	vld.idx.msk [tilespmem:v15+s15+$0x0], $0xffff  }
0x1c6: {  	v23 =	vor.u32 s24, v6;
	v16 =	vld.idx.msk [tilespmem:v16+s15+$0x0], $0xffff  }
0x1c7: {  	v17 =	vld.idx.msk [tilespmem:v17+s15+$0x0], $0xffff;
	v48 =	vor.u32 s23, v6  }
0x1c8: {  	v18 =	vld.idx.msk [tilespmem:v18+s15+$0x0], $0xffff;
	v24 =	vor.u32 s24, v7  }
0x1c9: {  	v49 =	vor.u32 s23, v7;
	v9 =	vmul.f32 v9, v0;
	v3 =	vld.idx.msk [tilespmem:v3+s15+$0x0], $0xffff  }
0x1ca: {  	v8 =	vmul.f32 v8, v2;
	v10 =	vmul.f32 v10, v2;
	v4 =	vld.idx.msk [tilespmem:v47+s15+$0x0], $0xffff  }
0x1cb: {  	v19 =	vadd.f32 v22, v19;
	v11 =	vmul.f32 v11, v5;
	v12 =	vmul.f32 v12, v5;
	v50 =	vld.idx.msk [tilespmem:v23+s15+$0x0], $0xffff  }
0x1cc: {  	v20 =	vadd.f32 v21, v20;
	v13 =	vmul.f32 v13, v1;
	v6 =	vld.idx.msk [tilespmem:v48+s15+$0x0], $0xffff;
	v51 =	vmul.f32 v14, v1  }
0x1cd: {  	s1 =	sand.u32 $0x800, s7;
	s11 =	sadd.s32 $0x100, s11;
	s24 =	sadd.s32 $0x200, s7;
	v9 =	vadd.f32 v9, v19;
	v52 =	vmul.f32 v15, v0;
	v53 =	vld.idx.msk [tilespmem:v24+s15+$0x0], $0xffff;
	v54 =	vmul.f32 v18, v2  }
0x1ce: {  	s13 =	sadd.s32 $0xFFFFFF80, s11;
	s1 =	sadd.s32 s1, s10;
	s14 =	sand.u32 $0x380, s11;
	v10 =	vadd.f32 v11, v10;
	v7 =	vld.idx.msk [tilespmem:v49+s15+$0x0], $0xffff;
	v55 =	vmul.f32 v17, v2;
	v3 =	vmul.f32 v3, v5  }
0x1cf: {  	s25 =	sand.u32 $0x800, s24;
	s11 =	sadd.s32 $0x100, s11;
	s7 =	sadd.s32 $0x200, s24;
	v8 =	vadd.f32 v12, v8;
	v58 =	vmul.f32 v16, v0;
	v4 =	vmul.f32 v4, v5  }
0x1d0: {  	s13 =	sand.u32 $0x300, s13;
	s14 =	sadd.s32 s14, s1;
	s18 =	sadd.s32 $0xFFFFFF80, s11;
	v10 =	vadd.f32 v13, v10;
	v57 =	vmul.f32 v50, v1;
	v3 =	vadd.f32 v3, v54  }
0x1d1: {  	s20 =	sand.u32 $0x380, s11;
	s7 =	sand.u32 $0x800, s7;
	s11 =	sadd.s32 $0x100, s11;
	v56 =	vadd.f32 v51, v8;
	v59 =	vmul.f32 v6, v1;
	v2 =	vadd.f32 v4, v55  }
0x1d2: {  	s1 =	sadd.s32 s13, s1;
	s13 =	sadd.s32 s25, s10;
	[tilespmem:s14+$0x70] =	vst v20;
	s18 =	sand.u32 $0x300, s18;
	v60 =	vadd.f32 v52, v10;
	v61 =	vmul.f32 v53, v0;
	v3 =	vadd.f32 v57, v3  }
.Ltmp10:
0x1d3: {  	s23 =	sadd.s32 $0xFFFFFF80, s11;
	s20 =	sadd.s32 s20, s13;
	[tilespmem:s1+$0x70] =	vst v9;
	v5 =	vadd.f32 v58, v56;
	v62 =	vmul.f32 v7, v0;
	v1 =	vadd.f32 v59, v2;
	(pc) =	sbr.rel @p1 .LBB2_3-.Ltmp10, $4  }
0x1d4: {  	s7 =	sadd.s32 s7, s10;
	s24 =	sand.u32 $0x380, s11;
	s22 =	sadd.s32 s18, s13;
	[tilespmem:s20+$0x70] =	vst v60;
	v63 =	vadd.f32 v61, v3  }
0x1d5: {  	s25 =	sand.u32 $0x300, s23;
	s10 =	sadd.s32 s24, s7;
	[tilespmem:s22+$0x70] =	vst v5;
	v0 =	vadd.f32 v62, v1  }
0x1d6: {  	s1 =	sadd.s32 s25, s7;
	[tilespmem:s10+$0x70] =	vst v63  }
0x1d7: {  	p2 =	por $0x0, $0x0;
	[tilespmem:s1+$0x70] =	vst v0;
	s10 =	simm.s32 $0x8  }
0x1d8: {  	s0 =	sshll.u32 s29, $0x8;
	s1 =	simm.s32 $0x800;
	s2 =	simm.s32 $0x400000  }
0x1d9: {  	s3 =	simm.s32 $0x10000;
	p1 =	seq.s32 s26, $0x1F;
	s0 =	sadd.s32 s19, s0  }
0x1da: {  	[hbm4b:s0+s1] =	stream.strided.scatter [tilespmem:s3], [sflag:$0x3], $0x1000, s2, s1, $0x38;
	[tilespmem:$0x12000] =	vst v63  }
0x1db: {  	s0 =	sadd.s32 @!p1 $0x2, s29  }
0x1dc: {  	s31 =	smov.u32 s19;
	s25 =	sor.u32 $0x1, s28;
	s1 =	sshll.u32 @!p1 s0, $0x4  }
0x1dd: {  	s9 =	simm.s32 $0x0;
	s0 =	sshll.u32 @!p1 s0, $0xB;
	s1 =	sand.u32 @!p1 $0x60, s1  }
0x1de: {  	s2 =	simm.s32 @!p1 $0x400;
	s0 =	sand.u32 @!p1 $0xFFFC000, s0;
	s1 =	sadd.s32 @!p1 s4, s1  }
0x1df: {  	s3 =	simm.s32 @!p1 $0x8000;
	s0 =	sadd.s32 @!p1 s0, s1;
	s1 =	simm.s32 @!p1 $0x80  }
0x1e0: {  	[tilespmem:s3], [sflag:$0x1] =	stream.strided.gather @!p1 [hbm4b:s0+s1], $0x4000, s2, s1, $0x38;
	[tilespmem:$0x12000] =	vst v63  }
0x1e1: {  	p2 =	por $0x1, $0x1;
	s10 =	simm.s32 $0x0;
	_ =	swait.ge [sflag:s21], $0x4000  }
0x1e2: {  	s28 =	sor.u32 s5, s25;
	s29 =	sshll.u32 s25, $0x8;
	[sflag:s21] =	ssyncset.done $0x0  }
0x1e3: {  	s30 =	sor.u32 $0x10, s29;
	s0 =	simm.s32 @!p0 $0x4;
	[sflag:s21] =	ssyncadd.s32 $0xFFFFC000  }
0x1e4: {  	s12 =	sor.u32 $0x40, s29;
	s6 =	sor.u32 $0x60, s29;
	_ =	swait.ge @!p0 [sflag:s0], $0x1000  }
0x1e5: {  	s8 =	sor.u32 $0x70, s29;
	s2 =	sor.u32 $0x30, s29;
	[sflag:s0] =	ssyncset.done @!p0 $0x0  }
0x1e6: {  	s3 =	sor.u32 $0x50, s29;
	[sflag:s0] =	ssyncadd.s32 @!p0 $0xFFFFF000;
	s0 =	sor.u32 $0x20, s29  }
.LBB2_21:
0x1e7: {  	s7 =	sshll.u32 s10, $0x4  }
0x1e8: {  	s1 =	sor.u32 s29, s7  }
0x1e9: {  	v0 =	vld [tilespmem:s1+$0x4000]  }
0x1ea: {  	v1 =	vld [tilespmem:s1+$0x0];
	_ =	sdelay $0x4  }
0x1eb: {  	v0 =	vmax.f32 v0, $0.0e+00;
	v1 =	vmax.f32 v1, $0.0e+00  }
0x1ec: {  	v0 =	vmin.f32 v0, $1.000000000e+00;
	v1 =	vmin.f32 v1, $1.000000000e+00  }
0x1ed: {  	v0 =	vmul.f32 $3.100000000e+01, v0;
	v1 =	vmul.f32 $3.100000000e+01, v1;
	_ =	sdelay $0x1  }
0x1ee: {  	v2 =	vtrunc.f32 v0;
	v3 =	vtrunc.f32 v1  }
0x1ef: {  	v2 =	vcvt.f32.s32 v2;
	v3 =	vcvt.f32.s32 v3;
	_ =	sdelay $0x1  }
0x1f0: {  	v4 =	vadd.s32 $0x1, v2;
	v5 =	vshll.u32 v3, $0x9;
	v8 =	vshll.u32 v2, $0x4  }
0x1f1: {  	vm0 =	vlt.s32 v4, $0x1F;
	v7 =	vadd.s32 v5, v8  }
0x1f2: {  	s23 =	simm.s32 $0x1;
	v6 =	vadd.s32 $0x1, v3;
	v4 =	vnsel vm0, $0x1F, v4;
	v9 =	vor.u32 s9, v7  }
0x1f3: {  	s24 =	simm.s32 $0x2;
	vm15 =	vlt.s32 v6, $0x1F;
	v11 =	vor.u32 s23, v7;
	v4 =	vshll.u32 v4, $0x4  }
0x1f4: {  	v10 =	vnsel vm15, $0x1F, v6;
	v17 =	vor.u32 s24, v7;
	v6 =	vadd.s32 v5, v4  }
0x1f5: {  	v10 =	vshll.u32 v10, $0x9;
	v12 =	vor.u32 s23, v6  }
0x1f6: {  	v5 =	vadd.s32 v8, v10;
	v8 =	vor.u32 s9, v6  }
0x1f7: {  	v3 =	vcvt.s32.f32 v3;
	v2 =	vcvt.s32.f32 v2;
	v13 =	vor.u32 s23, v5;
	v9 =	vld.idx.msk [tilespmem:v9+s16+$0x0], $0xffff  }
0x1f8: {  	v4 =	vadd.s32 v10, v4;
	v10 =	vor.u32 s9, v5;
	v11 =	vld.idx.msk [tilespmem:v11+s16+$0x0], $0xffff  }
0x1f9: {  	v15 =	vsub.f32 v1, v3;
	v0 =	vsub.f32 v0, v2;
	v14 =	vor.u32 s23, v4;
	v17 =	vld.idx.msk [tilespmem:v17+s16+$0x0], $0xffff  }
0x1fa: {  	s11 =	simm.s32 $0x3;
	v16 =	vor.u32 s9, v4;
	v12 =	vld.idx.msk [tilespmem:v12+s16+$0x0], $0xffff  }
0x1fb: {  	v19 =	vor.u32 s11, v7;
	v1 =	vsub.f32 $1.000000000e+00, v15;
	v18 =	vsub.f32 $1.000000000e+00, v0;
	v8 =	vld.idx.msk [tilespmem:v8+s16+$0x0], $0xffff  }
0x1fc: {  	v20 =	vor.u32 s11, v6;
	v13 =	vld.idx.msk [tilespmem:v13+s16+$0x0], $0xffff  }
0x1fd: {  	v21 =	vor.u32 s24, v6;
	v3 =	vmul.f32 v18, v1;
	v2 =	vmul.f32 v0, v1;
	v10 =	vld.idx.msk [tilespmem:v10+s16+$0x0], $0xffff  }
0x1fe: {  	v22 =	vor.u32 s11, v4;
	v1 =	vmul.f32 v18, v15;
	v0 =	vmul.f32 v0, v15;
	v14 =	vld.idx.msk [tilespmem:v14+s16+$0x0], $0xffff  }
0x1ff: {  	v15 =	vor.u32 s11, v5;
	v16 =	vld.idx.msk [tilespmem:v16+s16+$0x0], $0xffff;
	v11 =	vmul.f32 v11, v3;
	v12 =	vmul.f32 v12, v2  }
0x200: {  	v18 =	vor.u32 s24, v5;
	v19 =	vld.idx.msk [tilespmem:v19+s16+$0x0], $0xffff;
	v9 =	vmul.f32 v9, v3;
	v8 =	vmul.f32 v8, v2  }
0x201: {  	s13 =	simm.s32 $0x4;
	v23 =	vor.u32 s24, v4;
	v20 =	vld.idx.msk [tilespmem:v20+s16+$0x0], $0xffff;
	v11 =	vadd.f32 v12, v11;
	v12 =	vmul.f32 v13, v1  }
0x202: {  	s25 =	simm.s32 $0x5;
	v21 =	vld.idx.msk [tilespmem:v21+s16+$0x0], $0xffff;
	v13 =	vor.u32 s13, v7;
	v8 =	vadd.f32 v8, v9;
	v9 =	vmul.f32 v10, v1  }
0x203: {  	v24 =	vor.u32 s25, v7;
	v27 =	vor.u32 s13, v6;
	v28 =	vld.idx.msk [tilespmem:v22+s16+$0x0], $0xffff;
	v10 =	vadd.f32 v12, v11  }
0x204: {  	v25 =	vld.idx.msk [tilespmem:v15+s16+$0x0], $0xffff;
	v11 =	vmul.f32 v14, v0;
	v9 =	vadd.f32 v9, v8;
	v14 =	vmul.f32 v16, v0  }
0x205: {  	s20 =	sshll.u32 s10, $0x7;
	v26 =	vld.idx.msk [tilespmem:v18+s16+$0x0], $0xffff;
	v12 =	vor.u32 s25, v6  }
0x206: {  	s10 =	sand.u32 $0x3FFFFF80, s20;
	v29 =	vor.u32 s25, v5;
	v8 =	vld.idx.msk [tilespmem:v23+s16+$0x0], $0xffff;
	v18 =	vadd.f32 v11, v10;
	v23 =	vadd.f32 v14, v9  }
0x207: {  	s22 =	sand.u32 $0x800, s9;
	s10 =	sadd.s32 $0x11000, s10;
	s23 =	simm.s32 $0x80;
	v9 =	vmul.f32 v19, v3;
	v14 =	vmul.f32 v20, v2;
	v10 =	vld.idx.msk [tilespmem:v13+s16+$0x0], $0xffff;
	v13 =	vor.u32 s13, v5  }
0x208: {  	s14 =	simm.s32 $0x0;
	s18 =	sadd.s32 s22, s10;
	s20 =	sand.u32 $0x380, s23;
	v15 =	vor.u32 s25, v4;
	v17 =	vmul.f32 v17, v3;
	v11 =	vld.idx.msk [tilespmem:v24+s16+$0x0], $0xffff;
	v19 =	vmul.f32 v21, v2  }
0x209: {  	s11 =	simm.s32 $0x6;
	s24 =	sand.u32 $0x300, s14;
	s25 =	sadd.s32 s20, s18;
	v16 =	vor.u32 s13, v4;
	v21 =	vmul.f32 v25, v1;
	v20 =	vadd.f32 v14, v9;
	v14 =	vld.idx.msk [tilespmem:v27+s16+$0x0], $0xffff  }
0x20a: {  	s1 =	sadd.s32 s24, s18;
	v22 =	vmul.f32 v26, v1;
	[tilespmem:s25+$0x0] =	vst v18;
	v9 =	vadd.f32 v19, v17;
	v18 =	vor.u32 s11, v7;
	s25 =	simm.s32 $0x7;
	v12 =	vld.idx.msk [tilespmem:v12+s16+$0x0], $0xffff  }
0x20b: {  	p0 =	por p2, p2;
	s24 =	simm.s32 $0x200;
	s20 =	simm.s32 $0x8;
	[tilespmem:s1+$0x0] =	vst v23;
	v17 =	vld.idx.msk [tilespmem:v29+s16+$0x0], $0xffff;
	v19 =	vor.u32 s25, v7;
	v20 =	vadd.f32 v21, v20;
	v21 =	vmul.f32 v28, v0  }
.LBB2_22:
0x20c: {  	p2 =	slt.u32 s20, $0xE;
	v23 =	vor.u32 s25, v6;
	v24 =	vld.idx.msk [tilespmem:v13+s16+$0x0], $0xffff;
	v9 =	vadd.f32 v22, v9;
	v13 =	vmul.f32 v8, v0;
	s1 =	sand.u32 $0x800, s24;
	s23 =	sadd.s32 $0x100, s23  }
0x20d: {  	v22 =	vor.u32 s11, v6;
	v25 =	vld.idx.msk [tilespmem:v15+s16+$0x0], $0xffff;
	s13 =	sadd.s32 $0xFFFFFF80, s23;
	s1 =	sadd.s32 s1, s10;
	v15 =	vadd.f32 v21, v20;
	s14 =	sand.u32 $0x380, s23;
	v20 =	vmov v10  }
0x20e: {  	v21 =	vor.u32 s25, v5;
	v8 =	vld.idx.msk [tilespmem:v16+s16+$0x0], $0xffff;
	v9 =	vadd.f32 v13, v9;
	s13 =	sand.u32 $0x300, s13;
	s14 =	sadd.s32 s14, s1  }
.Ltmp11:
0x20f: {  	v13 =	vor.u32 s11, v5;
	v26 =	vmul.f32 v12, v2;
	v10 =	vld.idx.msk [tilespmem:v18+s16+$0x0], $0xffff;
	v18 =	vmul.f32 v11, v3;
	s1 =	sadd.s32 s13, s1;
	[tilespmem:s14+$0x0] =	vst v15;
	(pc) =	sbr.rel @p2 .LBB2_22-.Ltmp11, $4  }
0x210: {  	v15 =	vor.u32 s25, v4;
	v11 =	vld.idx.msk [tilespmem:v19+s16+$0x0], $0xffff;
	v19 =	vmul.f32 v20, v3;
	v20 =	vmul.f32 v14, v2;
	[tilespmem:s1+$0x0] =	vst v9  }
0x211: {  	v16 =	vor.u32 s11, v4;
	s11 =	smov.u32 s20;
	v12 =	vld.idx.msk [tilespmem:v23+s16+$0x0], $0xffff;
	v23 =	vadd.f32 v26, v18;
	v26 =	vmul.f32 v17, v1  }
0x212: {  	s25 =	sadd.s32 $0x1, s20;
	v18 =	vor.u32 s20, v7;
	v14 =	vld.idx.msk [tilespmem:v22+s16+$0x0], $0xffff;
	v9 =	vadd.f32 v20, v19;
	v22 =	vmul.f32 v24, v1  }
0x213: {  	s24 =	sadd.s32 $0x200, s24;
	s20 =	sadd.s32 $0x2, s20;
	v19 =	vor.u32 s25, v7;
	v17 =	vld.idx.msk [tilespmem:v21+s16+$0x0], $0xffff;
	v20 =	vadd.f32 v26, v23;
	v21 =	vmul.f32 v25, v0  }
0x214: {  	_ = 	snop  }
0x215: {  	s1 =	sor.u32 s30, s7  }
0x216: {  	v7 =	vadd.f32 v22, v9;
	v8 =	vmul.f32 v8, v0;
	v22 =	vld [tilespmem:s1+$0x4000]  }
0x217: {  	v23 =	vor.u32 s25, v6;
	v6 =	vor.u32 s11, v6;
	v9 =	vadd.f32 v21, v20;
	v20 =	vld [tilespmem:s1+$0x0]  }
0x218: {  	v13 =	vld.idx.msk [tilespmem:v13+s16+$0x0], $0xffff;
	v10 =	vmul.f32 v10, v3;
	v21 =	vor.u32 s25, v5;
	v5 =	vor.u32 s11, v5  }
0x219: {  	v11 =	vmul.f32 v11, v3;
	v8 =	vadd.f32 v8, v7;
	v7 =	vld.idx.msk [tilespmem:v15+s16+$0x0], $0xffff;
	v12 =	vmul.f32 v12, v2  }
0x21a: {  	v16 =	vld.idx.msk [tilespmem:v16+s16+$0x0], $0xffff;
	v15 =	vor.u32 s25, v4;
	v4 =	vor.u32 s11, v4;
	v14 =	vmul.f32 v14, v2  }
0x21b: {  	v18 =	vld.idx.msk [tilespmem:v18+s16+$0x0], $0xffff;
	v11 =	vadd.f32 v12, v11;
	v12 =	vmul.f32 v17, v1;
	v17 =	vmax.f32 v22, $0.0e+00  }
0x21c: {  	v19 =	vld.idx.msk [tilespmem:v19+s16+$0x0], $0xffff;
	v10 =	vadd.f32 v14, v10;
	v14 =	vmax.f32 v20, $0.0e+00;
	v17 =	vmin.f32 v17, $1.000000000e+00  }
0x21d: {  	v13 =	vmul.f32 v13, v1;
	v20 =	vld.idx.msk [tilespmem:v23+s16+$0x0], $0xffff;
	v14 =	vmin.f32 v14, $1.000000000e+00;
	v17 =	vmul.f32 $3.100000000e+01, v17  }
0x21e: {  	v11 =	vadd.f32 v12, v11;
	v7 =	vmul.f32 v7, v0;
	v12 =	vmul.f32 $3.100000000e+01, v14  }
0x21f: {  	v10 =	vadd.f32 v13, v10;
	v13 =	vmul.f32 v16, v0;
	v14 =	vtrunc.f32 v17  }
0x220: {  	v11 =	vadd.f32 v7, v11;
	v7 =	vtrunc.f32 v12;
	v14 =	vcvt.f32.s32 v14  }
0x221: {  	v18 =	vmul.f32 v18, v3;
	v10 =	vadd.f32 v13, v10;
	v16 =	vcvt.f32.s32 v7  }
0x222: {  	v6 =	vld.idx.msk [tilespmem:v6+s16+$0x0], $0xffff;
	v13 =	vmul.f32 v19, v3;
	v7 =	vmul.f32 v20, v2;
	v3 =	vadd.s32 $0x1, v14  }
0x223: {  	v19 =	vshll.u32 v16, $0x9;
	v20 =	vshll.u32 v14, $0x4;
	vm0 =	vlt.s32 v3, $0x1F  }
0x224: {  	s11 =	simm.s32 $0x0;
	v21 =	vld.idx.msk [tilespmem:v21+s16+$0x0], $0xffff;
	v22 =	vadd.s32 $0x1, v16;
	v23 =	vnsel vm0, $0x1F, v3;
	v3 =	vadd.s32 v19, v20  }
0x225: {  	s22 =	simm.s32 $0x1;
	vm15 =	vlt.s32 v22, $0x1F;
	v23 =	vshll.u32 v23, $0x4;
	v24 =	vor.u32 s11, v3  }
0x226: {  	v25 =	vld.idx.msk [tilespmem:v5+s16+$0x0], $0xffff;
	v22 =	vnsel vm15, $0x1F, v22;
	v5 =	vadd.s32 v19, v23;
	v19 =	vor.u32 s22, v3  }
0x227: {  	v2 =	vmul.f32 v6, v2;
	v6 =	vshll.u32 v22, $0x9;
	v22 =	vor.u32 s22, v5  }
0x228: {  	v15 =	vld.idx.msk [tilespmem:v15+s16+$0x0], $0xffff;
	v13 =	vadd.f32 v7, v13;
	v7 =	vadd.s32 v20, v6;
	v20 =	vor.u32 s11, v5  }
0x229: {  	v4 =	vld.idx.msk [tilespmem:v4+s16+$0x0], $0xffff;
	v21 =	vmul.f32 v21, v1;
	v16 =	vcvt.s32.f32 v16;
	v26 =	vor.u32 s22, v7  }
0x22a: {  	s13 =	simm.s32 $0x3;
	v14 =	vcvt.s32.f32 v14;
	v6 =	vadd.s32 v6, v23;
	v55 =	vor.u32 s11, v7;
	v23 =	vld.idx.msk [tilespmem:v24+s16+$0x0], $0xffff  }
0x22b: {  	v1 =	vmul.f32 v25, v1;
	v2 =	vadd.f32 v2, v18;
	v27 =	vor.u32 s13, v3;
	v18 =	vld.idx.msk [tilespmem:v19+s16+$0x0], $0xffff  }
0x22c: {  	v12 =	vsub.f32 v12, v16;
	v14 =	vsub.f32 v17, v14;
	v16 =	vor.u32 s11, v6;
	v17 =	vld.idx.msk [tilespmem:v22+s16+$0x0], $0xffff  }
0x22d: {  	s1 =	simm.s32 $0x2;
	v15 =	vmul.f32 v15, v0;
	v13 =	vadd.f32 v21, v13;
	v19 =	vor.u32 s22, v6;
	v20 =	vld.idx.msk [tilespmem:v20+s16+$0x0], $0xffff  }
0x22e: {  	s14 =	sadd.s32 $0x100, s23;
	v21 =	vor.u32 s1, v3;
	v56 =	vsub.f32 $1.000000000e+00, v14;
	v22 =	vsub.f32 $1.000000000e+00, v12;
	v26 =	vld.idx.msk [tilespmem:v26+s16+$0x0], $0xffff  }
0x22f: {  	s18 =	sand.u32 $0x800, s24;
	s20 =	sadd.s32 $0xFFFFFF80, s14;
	v29 =	vmul.f32 v4, v0;
	v28 =	vadd.f32 v1, v2;
	v30 =	vor.u32 s13, v5;
	v24 =	vld.idx.msk [tilespmem:v55+s16+$0x0], $0xffff  }
0x230: {  	s18 =	sadd.s32 s18, s10;
	s20 =	sand.u32 $0x300, s20;
	v0 =	vmul.f32 v14, v12;
	v58 =	vor.u32 s13, v6;
	v57 =	vld.idx.msk [tilespmem:v27+s16+$0x0], $0xffff;
	s22 =	sand.u32 $0x380, s14;
	v4 =	vmul.f32 v56, v22  }
0x231: {  	v1 =	vmul.f32 v56, v12;
	s22 =	sadd.s32 s22, s18;
	s18 =	sadd.s32 s20, s18;
	s20 =	sadd.s32 $0x200, s24;
	v2 =	vmul.f32 v14, v22;
	v22 =	vor.u32 s1, v5;
	v14 =	vld.idx.msk [tilespmem:v16+s16+$0x0], $0xffff  }
0x232: {  	v12 =	vor.u32 s13, v7;
	s25 =	sand.u32 $0x800, s20;
	v19 =	vld.idx.msk [tilespmem:v19+s16+$0x0], $0xffff;
	v18 =	vmul.f32 v18, v4;
	v23 =	vmul.f32 v23, v4  }
0x233: {  	v16 =	vld.idx.msk [tilespmem:v21+s16+$0x0], $0xffff;
	v21 =	vor.u32 s1, v7;
	s13 =	sadd.s32 s25, s10;
	s25 =	simm.s32 $0x5;
	v17 =	vmul.f32 v17, v2;
	v20 =	vmul.f32 v20, v2  }
0x234: {  	s11 =	sand.u32 $0x800, s11;
	s14 =	sadd.s32 $0x100, s14;
	v30 =	vld.idx.msk [tilespmem:v30+s16+$0x0], $0xffff;
	s20 =	sadd.s32 $0x200, s20;
	v59 =	vor.u32 s25, v3;
	v26 =	vmul.f32 v26, v1;
	v24 =	vmul.f32 v24, v1  }
0x235: {  	s24 =	simm.s32 $0x4;
	s23 =	sand.u32 $0x380, s14;
	v60 =	vld.idx.msk [tilespmem:v58+s16+$0x0], $0xffff;
	s20 =	sand.u32 $0x800, s20;
	v17 =	vadd.f32 v17, v18;
	v18 =	vor.u32 s1, v6;
	v20 =	vadd.f32 v20, v23  }
0x236: {  	[tilespmem:s22+$0x0] =	vst v9;
	s22 =	sadd.s32 s23, s13;
	v62 =	vor.u32 s25, v7;
	s1 =	sadd.s32 $0xFFFFFF80, s14;
	v23 =	vor.u32 s24, v3;
	v22 =	vld.idx.msk [tilespmem:v22+s16+$0x0], $0xffff;
	s14 =	sadd.s32 $0x100, s14;
	v14 =	vmul.f32 v14, v0  }
0x237: {  	s20 =	sadd.s32 s20, s10;
	v31 =	vld.idx.msk [tilespmem:v12+s16+$0x0], $0xffff;
	s1 =	sand.u32 $0x300, s1;
	s23 =	sadd.s32 $0xFFFFFF80, s14;
	v17 =	vadd.f32 v26, v17;
	v12 =	vmul.f32 v19, v0;
	v9 =	vadd.f32 v24, v20  }
0x238: {  	v13 =	vadd.f32 v15, v13;
	v15 =	vadd.f32 v29, v28;
	[tilespmem:s18+$0x0] =	vst v8;
	s14 =	sand.u32 $0x380, s14;
	v19 =	vor.u32 s25, v5;
	v20 =	vld.idx.msk [tilespmem:v21+s16+$0x0], $0xffff;
	s1 =	sadd.s32 s1, s13;
	s23 =	sand.u32 $0x300, s23  }
0x239: {  	[tilespmem:s22+$0x0] =	vst v11;
	v11 =	vld.idx.msk [tilespmem:v59+s16+$0x0], $0xffff;
	v21 =	vor.u32 s24, v5;
	s14 =	sadd.s32 s14, s20;
	s13 =	sadd.s32 s23, s20;
	s23 =	simm.s32 $0x80;
	v17 =	vadd.f32 v12, v17;
	v61 =	vadd.f32 v14, v9  }
0x23a: {  	[tilespmem:s14+$0x0] =	vst v13;
	s14 =	sadd.s32 s11, s10;
	v12 =	vor.u32 s24, v7;
	v9 =	vmul.f32 v57, v4;
	s20 =	sand.u32 $0x380, s23;
	v8 =	vld.idx.msk [tilespmem:v18+s16+$0x0], $0xffff;
	v18 =	vmul.f32 v30, v2  }
0x23b: {  	s18 =	simm.s32 $0x0;
	[tilespmem:s1+$0x0] =	vst v10;
	v14 =	vor.u32 s25, v6;
	v10 =	vld.idx.msk [tilespmem:v23+s16+$0x0], $0xffff;
	v23 =	vmul.f32 v16, v4;
	v22 =	vmul.f32 v22, v2;
	s25 =	sadd.s32 s20, s14  }
0x23c: {  	s22 =	sand.u32 $0x300, s18;
	s11 =	simm.s32 $0x6;
	v63 =	vmul.f32 v31, v1;
	v16 =	vor.u32 s24, v6;
	[tilespmem:s25+$0x10] =	vst v17;
	v17 =	vld.idx.msk [tilespmem:v62+s16+$0x0], $0xffff;
	v25 =	vadd.f32 v18, v9  }
0x23d: {  	[tilespmem:s13+$0x0] =	vst v15;
	s1 =	sadd.s32 s22, s14;
	s25 =	simm.s32 $0x7;
	v13 =	vld.idx.msk [tilespmem:v19+s16+$0x0], $0xffff;
	v9 =	vadd.f32 v22, v23;
	v18 =	vor.u32 s11, v3;
	v22 =	vmul.f32 v20, v1  }
0x23e: {  	s20 =	simm.s32 $0x8;
	s24 =	simm.s32 $0x200;
	[tilespmem:s1+$0x10] =	vst v61;
	v15 =	vld.idx.msk [tilespmem:v21+s16+$0x0], $0xffff;
	v19 =	vor.u32 s25, v3;
	v21 =	vmul.f32 v60, v0;
	v20 =	vadd.f32 v63, v25  }
.LBB2_24:
0x23f: {  	p2 =	slt.u32 s20, $0xE;
	v23 =	vor.u32 s25, v5;
	v24 =	vld.idx.msk [tilespmem:v12+s16+$0x0], $0xffff;
	v9 =	vadd.f32 v22, v9;
	v12 =	vmul.f32 v8, v0;
	s1 =	sand.u32 $0x800, s24;
	s23 =	sadd.s32 $0x100, s23  }
0x240: {  	v22 =	vor.u32 s11, v5;
	v25 =	vld.idx.msk [tilespmem:v14+s16+$0x0], $0xffff;
	s13 =	sadd.s32 $0xFFFFFF80, s23;
	s1 =	sadd.s32 s1, s10;
	v14 =	vadd.f32 v21, v20;
	s14 =	sand.u32 $0x380, s23;
	v20 =	vmov v10  }
0x241: {  	v21 =	vor.u32 s25, v7;
	v8 =	vld.idx.msk [tilespmem:v16+s16+$0x0], $0xffff;
	v9 =	vadd.f32 v12, v9;
	s13 =	sand.u32 $0x300, s13;
	s14 =	sadd.s32 s14, s1  }
.Ltmp12:
0x242: {  	v12 =	vor.u32 s11, v7;
	v26 =	vmul.f32 v13, v2;
	v10 =	vld.idx.msk [tilespmem:v18+s16+$0x0], $0xffff;
	v18 =	vmul.f32 v11, v4;
	s1 =	sadd.s32 s13, s1;
	[tilespmem:s14+$0x10] =	vst v14;
	(pc) =	sbr.rel @p2 .LBB2_24-.Ltmp12, $4  }
0x243: {  	v14 =	vor.u32 s25, v6;
	v11 =	vld.idx.msk [tilespmem:v19+s16+$0x0], $0xffff;
	v19 =	vmul.f32 v20, v4;
	v20 =	vmul.f32 v15, v2;
	[tilespmem:s1+$0x10] =	vst v9  }
0x244: {  	v16 =	vor.u32 s11, v6;
	s11 =	smov.u32 s20;
	v13 =	vld.idx.msk [tilespmem:v23+s16+$0x0], $0xffff;
	v23 =	vadd.f32 v26, v18;
	v26 =	vmul.f32 v17, v1  }
0x245: {  	s25 =	sadd.s32 $0x1, s20;
	v18 =	vor.u32 s20, v3;
	v15 =	vld.idx.msk [tilespmem:v22+s16+$0x0], $0xffff;
	v9 =	vadd.f32 v20, v19;
	v22 =	vmul.f32 v24, v1  }
0x246: {  	s24 =	sadd.s32 $0x200, s24;
	s20 =	sadd.s32 $0x2, s20;
	v19 =	vor.u32 s25, v3;
	v17 =	vld.idx.msk [tilespmem:v21+s16+$0x0], $0xffff;
	v20 =	vadd.f32 v26, v23;
	v21 =	vmul.f32 v25, v0  }
0x247: {  	_ = 	snop  }
0x248: {  	s1 =	sor.u32 s0, s7  }
0x249: {  	v3 =	vadd.f32 v22, v9;
	v8 =	vmul.f32 v8, v0;
	v22 =	vld [tilespmem:s1+$0x4000]  }
0x24a: {  	v23 =	vor.u32 s25, v5;
	v5 =	vor.u32 s11, v5;
	v9 =	vadd.f32 v21, v20;
	v20 =	vld [tilespmem:s1+$0x0]  }
0x24b: {  	v12 =	vld.idx.msk [tilespmem:v12+s16+$0x0], $0xffff;
	v10 =	vmul.f32 v10, v4;
	v21 =	vor.u32 s25, v7;
	v7 =	vor.u32 s11, v7  }
0x24c: {  	v11 =	vmul.f32 v11, v4;
	v8 =	vadd.f32 v8, v3;
	v3 =	vld.idx.msk [tilespmem:v14+s16+$0x0], $0xffff;
	v13 =	vmul.f32 v13, v2  }
0x24d: {  	v16 =	vld.idx.msk [tilespmem:v16+s16+$0x0], $0xffff;
	v14 =	vor.u32 s25, v6;
	v6 =	vor.u32 s11, v6;
	v15 =	vmul.f32 v15, v2  }
0x24e: {  	v18 =	vld.idx.msk [tilespmem:v18+s16+$0x0], $0xffff;
	v11 =	vadd.f32 v13, v11;
	v13 =	vmul.f32 v17, v1;
	v17 =	vmax.f32 v22, $0.0e+00  }
0x24f: {  	v19 =	vld.idx.msk [tilespmem:v19+s16+$0x0], $0xffff;
	v10 =	vadd.f32 v15, v10;
	v15 =	vmax.f32 v20, $0.0e+00;
	v17 =	vmin.f32 v17, $1.000000000e+00  }
0x250: {  	v12 =	vmul.f32 v12, v1;
	v20 =	vld.idx.msk [tilespmem:v23+s16+$0x0], $0xffff;
	v15 =	vmin.f32 v15, $1.000000000e+00;
	v17 =	vmul.f32 $3.100000000e+01, v17  }
0x251: {  	v11 =	vadd.f32 v13, v11;
	v3 =	vmul.f32 v3, v0;
	v13 =	vmul.f32 $3.100000000e+01, v15  }
0x252: {  	v10 =	vadd.f32 v12, v10;
	v12 =	vmul.f32 v16, v0;
	v15 =	vtrunc.f32 v17  }
0x253: {  	v21 =	vld.idx.msk [tilespmem:v21+s16+$0x0], $0xffff;
	v11 =	vadd.f32 v3, v11;
	v3 =	vtrunc.f32 v13;
	v15 =	vcvt.f32.s32 v15  }
0x254: {  	v10 =	vadd.f32 v12, v10;
	v12 =	vmul.f32 v19, v4;
	v16 =	vcvt.f32.s32 v3  }
0x255: {  	v4 =	vmul.f32 v18, v4;
	v20 =	vmul.f32 v20, v2;
	v3 =	vadd.s32 $0x1, v15  }
0x256: {  	v19 =	vld.idx.msk [tilespmem:v5+s16+$0x0], $0xffff;
	v5 =	vshll.u32 v16, $0x9;
	v18 =	vshll.u32 v15, $0x4;
	vm0 =	vlt.s32 v3, $0x1F  }
0x257: {  	s11 =	simm.s32 $0x0;
	v22 =	vadd.s32 $0x1, v16;
	v23 =	vnsel vm0, $0x1F, v3;
	v3 =	vadd.s32 v5, v18  }
0x258: {  	s22 =	simm.s32 $0x1;
	v25 =	vld.idx.msk [tilespmem:v7+s16+$0x0], $0xffff;
	v21 =	vmul.f32 v21, v1;
	vm15 =	vlt.s32 v22, $0x1F;
	v24 =	vor.u32 s11, v3  }
0x259: {  	s13 =	simm.s32 $0x3;
	v14 =	vld.idx.msk [tilespmem:v14+s16+$0x0], $0xffff;
	v7 =	vnsel vm15, $0x1F, v22;
	v23 =	vshll.u32 v23, $0x4;
	v22 =	vor.u32 s22, v3  }
0x25a: {  	v12 =	vadd.f32 v20, v12;
	v28 =	vor.u32 s13, v3;
	v5 =	vadd.s32 v5, v23  }
0x25b: {  	v2 =	vmul.f32 v19, v2;
	v19 =	vshll.u32 v7, $0x9;
	v26 =	vor.u32 s22, v5  }
0x25c: {  	v20 =	vld.idx.msk [tilespmem:v6+s16+$0x0], $0xffff;
	v16 =	vcvt.s32.f32 v16;
	v7 =	vadd.s32 v18, v19;
	v18 =	vor.u32 s11, v5  }
0x25d: {  	v15 =	vcvt.s32.f32 v15;
	v6 =	vadd.s32 v19, v23;
	v27 =	vor.u32 s22, v7;
	v19 =	vld.idx.msk [tilespmem:v24+s16+$0x0], $0xffff  }
0x25e: {  	v1 =	vmul.f32 v25, v1;
	v14 =	vmul.f32 v14, v0;
	v23 =	vor.u32 s11, v7;
	v22 =	vld.idx.msk [tilespmem:v22+s16+$0x0], $0xffff  }
0x25f: {  	v13 =	vsub.f32 v13, v16;
	v15 =	vsub.f32 v17, v15;
	v53 =	vor.u32 s22, v6;
	v57 =	vld.idx.msk [tilespmem:v28+s16+$0x0], $0xffff  }
0x260: {  	s1 =	simm.s32 $0x2;
	v12 =	vadd.f32 v21, v12;
	v2 =	vadd.f32 v2, v4;
	v16 =	vor.u32 s11, v6;
	v17 =	vld.idx.msk [tilespmem:v26+s16+$0x0], $0xffff  }
0x261: {  	s14 =	sadd.s32 $0x100, s23;
	v21 =	vor.u32 s1, v3;
	v54 =	vsub.f32 $1.000000000e+00, v13;
	v55 =	vsub.f32 $1.000000000e+00, v15;
	v18 =	vld.idx.msk [tilespmem:v18+s16+$0x0], $0xffff  }
0x262: {  	s18 =	sand.u32 $0x800, s24;
	s20 =	sadd.s32 $0xFFFFFF80, s14;
	v14 =	vadd.f32 v14, v12;
	v29 =	vadd.f32 v1, v2;
	v30 =	vor.u32 s13, v5;
	v27 =	vld.idx.msk [tilespmem:v27+s16+$0x0], $0xffff  }
0x263: {  	s18 =	sadd.s32 s18, s10;
	s20 =	sand.u32 $0x300, s20;
	v20 =	vmul.f32 v20, v0;
	v56 =	vor.u32 s1, v5;
	v0 =	vmul.f32 v15, v13;
	s22 =	sand.u32 $0x380, s14;
	v23 =	vld.idx.msk [tilespmem:v23+s16+$0x0], $0xffff  }
0x264: {  	v58 =	vor.u32 s13, v6;
	v4 =	vmul.f32 v55, v54;
	v2 =	vmul.f32 v15, v54;
	s22 =	sadd.s32 s22, s18;
	s18 =	sadd.s32 s20, s18;
	s20 =	sadd.s32 $0x200, s24;
	v24 =	vld.idx.msk [tilespmem:v53+s16+$0x0], $0xffff  }
0x265: {  	v1 =	vmul.f32 v55, v13;
	v13 =	vor.u32 s13, v7;
	s25 =	sand.u32 $0x800, s20;
	v20 =	vadd.f32 v20, v29;
	v15 =	vld.idx.msk [tilespmem:v16+s16+$0x0], $0xffff  }
0x266: {  	s14 =	sadd.s32 $0x100, s14;
	s13 =	sadd.s32 s25, s10;
	s25 =	simm.s32 $0x5;
	v16 =	vld.idx.msk [tilespmem:v21+s16+$0x0], $0xffff;
	v21 =	vor.u32 s1, v7;
	v22 =	vmul.f32 v22, v4;
	v17 =	vmul.f32 v17, v2  }
0x267: {  	s24 =	simm.s32 $0x4;
	s23 =	sand.u32 $0x380, s14;
	s20 =	sadd.s32 $0x200, s20;
	v59 =	vor.u32 s25, v3;
	v30 =	vld.idx.msk [tilespmem:v30+s16+$0x0], $0xffff;
	v19 =	vmul.f32 v19, v4;
	v18 =	vmul.f32 v18, v2  }
0x268: {  	[tilespmem:s22+$0x10] =	vst v9;
	s20 =	sand.u32 $0x800, s20;
	s22 =	sadd.s32 s23, s13;
	v25 =	vld.idx.msk [tilespmem:v56+s16+$0x0], $0xffff;
	v27 =	vmul.f32 v27, v1;
	v17 =	vadd.f32 v17, v22;
	v22 =	vor.u32 s1, v6;
	s1 =	sadd.s32 $0xFFFFFF80, s14  }
0x269: {  	[tilespmem:s18+$0x10] =	vst v8;
	s20 =	sadd.s32 s20, s10;
	v60 =	vld.idx.msk [tilespmem:v58+s16+$0x0], $0xffff;
	v23 =	vmul.f32 v23, v1;
	v18 =	vadd.f32 v18, v19;
	v19 =	vor.u32 s24, v3;
	s14 =	sadd.s32 $0x100, s14;
	s1 =	sand.u32 $0x300, s1  }
0x26a: {  	v62 =	vor.u32 s25, v7;
	[tilespmem:s22+$0x10] =	vst v11;
	v31 =	vld.idx.msk [tilespmem:v13+s16+$0x0], $0xffff;
	v13 =	vmul.f32 v24, v0;
	s23 =	sadd.s32 $0xFFFFFF80, s14;
	s14 =	sand.u32 $0x380, s14;
	v17 =	vadd.f32 v27, v17;
	s1 =	sadd.s32 s1, s13  }
0x26b: {  	v21 =	vld.idx.msk [tilespmem:v21+s16+$0x0], $0xffff;
	v15 =	vmul.f32 v15, v0;
	v9 =	vadd.f32 v23, v18;
	v18 =	vor.u32 s25, v5;
	s23 =	sand.u32 $0x300, s23;
	s14 =	sadd.s32 s14, s20;
	[tilespmem:s1+$0x10] =	vst v10  }
0x26c: {  	s11 =	sand.u32 $0x800, s11;
	v12 =	vor.u32 s24, v7;
	v11 =	vld.idx.msk [tilespmem:v59+s16+$0x0], $0xffff;
	v23 =	vor.u32 s24, v5;
	s13 =	sadd.s32 s23, s20;
	s23 =	simm.s32 $0x80;
	[tilespmem:s14+$0x10] =	vst v14;
	v17 =	vadd.f32 v13, v17  }
0x26d: {  	s14 =	sadd.s32 s11, s10;
	v61 =	vadd.f32 v15, v9;
	v9 =	vmul.f32 v57, v4;
	v13 =	vmul.f32 v30, v2;
	s20 =	sand.u32 $0x380, s23;
	v8 =	vld.idx.msk [tilespmem:v22+s16+$0x0], $0xffff  }
0x26e: {  	s18 =	simm.s32 $0x0;
	v14 =	vor.u32 s25, v6;
	v15 =	vmul.f32 v16, v4;
	[tilespmem:s13+$0x10] =	vst v20;
	v10 =	vld.idx.msk [tilespmem:v19+s16+$0x0], $0xffff;
	v19 =	vmul.f32 v25, v2;
	s25 =	sadd.s32 s20, s14  }
0x26f: {  	s22 =	sand.u32 $0x300, s18;
	v63 =	vmul.f32 v31, v1;
	s11 =	simm.s32 $0x6;
	v16 =	vor.u32 s24, v6;
	v20 =	vadd.f32 v13, v9;
	[tilespmem:s25+$0x20] =	vst v17;
	v17 =	vld.idx.msk [tilespmem:v62+s16+$0x0], $0xffff  }
0x270: {  	s1 =	sadd.s32 s22, s14;
	v22 =	vmul.f32 v21, v1;
	s25 =	simm.s32 $0x7;
	v13 =	vld.idx.msk [tilespmem:v18+s16+$0x0], $0xffff;
	v9 =	vadd.f32 v19, v15;
	v18 =	vor.u32 s11, v3  }
0x271: {  	s24 =	simm.s32 $0x200;
	s20 =	simm.s32 $0x8;
	v21 =	vmul.f32 v60, v0;
	[tilespmem:s1+$0x20] =	vst v61;
	v15 =	vld.idx.msk [tilespmem:v23+s16+$0x0], $0xffff;
	v19 =	vor.u32 s25, v3;
	v20 =	vadd.f32 v63, v20  }
.LBB2_26:
0x272: {  	p2 =	slt.u32 s20, $0xE;
	v23 =	vor.u32 s25, v5;
	v24 =	vld.idx.msk [tilespmem:v12+s16+$0x0], $0xffff;
	v9 =	vadd.f32 v22, v9;
	v12 =	vmul.f32 v8, v0;
	s1 =	sand.u32 $0x800, s24;
	s23 =	sadd.s32 $0x100, s23  }
0x273: {  	v22 =	vor.u32 s11, v5;
	v25 =	vld.idx.msk [tilespmem:v14+s16+$0x0], $0xffff;
	s13 =	sadd.s32 $0xFFFFFF80, s23;
	s1 =	sadd.s32 s1, s10;
	v14 =	vadd.f32 v21, v20;
	s14 =	sand.u32 $0x380, s23;
	v20 =	vmov v10  }
0x274: {  	v21 =	vor.u32 s25, v7;
	v8 =	vld.idx.msk [tilespmem:v16+s16+$0x0], $0xffff;
	v9 =	vadd.f32 v12, v9;
	s13 =	sand.u32 $0x300, s13;
	s14 =	sadd.s32 s14, s1  }
.Ltmp13:
0x275: {  	v12 =	vor.u32 s11, v7;
	v26 =	vmul.f32 v13, v2;
	v10 =	vld.idx.msk [tilespmem:v18+s16+$0x0], $0xffff;
	v18 =	vmul.f32 v11, v4;
	s1 =	sadd.s32 s13, s1;
	[tilespmem:s14+$0x20] =	vst v14;
	(pc) =	sbr.rel @p2 .LBB2_26-.Ltmp13, $4  }
0x276: {  	v14 =	vor.u32 s25, v6;
	v11 =	vld.idx.msk [tilespmem:v19+s16+$0x0], $0xffff;
	v19 =	vmul.f32 v20, v4;
	v20 =	vmul.f32 v15, v2;
	[tilespmem:s1+$0x20] =	vst v9  }
0x277: {  	v16 =	vor.u32 s11, v6;
	s11 =	smov.u32 s20;
	v13 =	vld.idx.msk [tilespmem:v23+s16+$0x0], $0xffff;
	v23 =	vadd.f32 v26, v18;
	v26 =	vmul.f32 v17, v1  }
0x278: {  	s25 =	sadd.s32 $0x1, s20;
	v18 =	vor.u32 s20, v3;
	v15 =	vld.idx.msk [tilespmem:v22+s16+$0x0], $0xffff;
	v9 =	vadd.f32 v20, v19;
	v22 =	vmul.f32 v24, v1  }
0x279: {  	s24 =	sadd.s32 $0x200, s24;
	s20 =	sadd.s32 $0x2, s20;
	v19 =	vor.u32 s25, v3;
	v17 =	vld.idx.msk [tilespmem:v21+s16+$0x0], $0xffff;
	v20 =	vadd.f32 v26, v23;
	v21 =	vmul.f32 v25, v0  }
0x27a: {  	_ = 	snop  }
0x27b: {  	s1 =	sor.u32 s2, s7  }
0x27c: {  	v3 =	vadd.f32 v22, v9;
	v8 =	vmul.f32 v8, v0;
	v22 =	vld [tilespmem:s1+$0x4000]  }
0x27d: {  	v23 =	vor.u32 s25, v5;
	v5 =	vor.u32 s11, v5;
	v9 =	vadd.f32 v21, v20;
	v20 =	vld [tilespmem:s1+$0x0]  }
0x27e: {  	v12 =	vld.idx.msk [tilespmem:v12+s16+$0x0], $0xffff;
	v10 =	vmul.f32 v10, v4;
	v21 =	vor.u32 s25, v7;
	v7 =	vor.u32 s11, v7  }
0x27f: {  	v11 =	vmul.f32 v11, v4;
	v8 =	vadd.f32 v8, v3;
	v3 =	vld.idx.msk [tilespmem:v14+s16+$0x0], $0xffff;
	v13 =	vmul.f32 v13, v2  }
0x280: {  	v16 =	vld.idx.msk [tilespmem:v16+s16+$0x0], $0xffff;
	v14 =	vor.u32 s25, v6;
	v6 =	vor.u32 s11, v6;
	v15 =	vmul.f32 v15, v2  }
0x281: {  	v18 =	vld.idx.msk [tilespmem:v18+s16+$0x0], $0xffff;
	v11 =	vadd.f32 v13, v11;
	v13 =	vmul.f32 v17, v1;
	v17 =	vmax.f32 v22, $0.0e+00  }
0x282: {  	v19 =	vld.idx.msk [tilespmem:v19+s16+$0x0], $0xffff;
	v10 =	vadd.f32 v15, v10;
	v15 =	vmax.f32 v20, $0.0e+00;
	v17 =	vmin.f32 v17, $1.000000000e+00  }
0x283: {  	v12 =	vmul.f32 v12, v1;
	v20 =	vld.idx.msk [tilespmem:v23+s16+$0x0], $0xffff;
	v15 =	vmin.f32 v15, $1.000000000e+00;
	v17 =	vmul.f32 $3.100000000e+01, v17  }
0x284: {  	v11 =	vadd.f32 v13, v11;
	v3 =	vmul.f32 v3, v0;
	v13 =	vmul.f32 $3.100000000e+01, v15  }
0x285: {  	v10 =	vadd.f32 v12, v10;
	v12 =	vmul.f32 v16, v0;
	v15 =	vtrunc.f32 v17  }
0x286: {  	v21 =	vld.idx.msk [tilespmem:v21+s16+$0x0], $0xffff;
	v11 =	vadd.f32 v3, v11;
	v3 =	vtrunc.f32 v13;
	v15 =	vcvt.f32.s32 v15  }
0x287: {  	v10 =	vadd.f32 v12, v10;
	v12 =	vmul.f32 v19, v4;
	v16 =	vcvt.f32.s32 v3  }
0x288: {  	v4 =	vmul.f32 v18, v4;
	v20 =	vmul.f32 v20, v2;
	v3 =	vadd.s32 $0x1, v15  }
0x289: {  	v19 =	vld.idx.msk [tilespmem:v5+s16+$0x0], $0xffff;
	v5 =	vshll.u32 v16, $0x9;
	v18 =	vshll.u32 v15, $0x4;
	vm0 =	vlt.s32 v3, $0x1F  }
0x28a: {  	s11 =	simm.s32 $0x0;
	v22 =	vadd.s32 $0x1, v16;
	v23 =	vnsel vm0, $0x1F, v3;
	v3 =	vadd.s32 v5, v18  }
0x28b: {  	s22 =	simm.s32 $0x1;
	v25 =	vld.idx.msk [tilespmem:v7+s16+$0x0], $0xffff;
	v21 =	vmul.f32 v21, v1;
	vm15 =	vlt.s32 v22, $0x1F;
	v24 =	vor.u32 s11, v3  }
0x28c: {  	s13 =	simm.s32 $0x3;
	v14 =	vld.idx.msk [tilespmem:v14+s16+$0x0], $0xffff;
	v7 =	vnsel vm15, $0x1F, v22;
	v23 =	vshll.u32 v23, $0x4;
	v22 =	vor.u32 s22, v3  }
0x28d: {  	v12 =	vadd.f32 v20, v12;
	v28 =	vor.u32 s13, v3;
	v5 =	vadd.s32 v5, v23  }
0x28e: {  	v2 =	vmul.f32 v19, v2;
	v19 =	vshll.u32 v7, $0x9;
	v26 =	vor.u32 s22, v5  }
0x28f: {  	v20 =	vld.idx.msk [tilespmem:v6+s16+$0x0], $0xffff;
	v16 =	vcvt.s32.f32 v16;
	v7 =	vadd.s32 v18, v19;
	v18 =	vor.u32 s11, v5  }
0x290: {  	v15 =	vcvt.s32.f32 v15;
	v6 =	vadd.s32 v19, v23;
	v27 =	vor.u32 s22, v7;
	v19 =	vld.idx.msk [tilespmem:v24+s16+$0x0], $0xffff  }
0x291: {  	v1 =	vmul.f32 v25, v1;
	v14 =	vmul.f32 v14, v0;
	v23 =	vor.u32 s11, v7;
	v22 =	vld.idx.msk [tilespmem:v22+s16+$0x0], $0xffff  }
0x292: {  	v13 =	vsub.f32 v13, v16;
	v15 =	vsub.f32 v17, v15;
	v53 =	vor.u32 s22, v6;
	v57 =	vld.idx.msk [tilespmem:v28+s16+$0x0], $0xffff  }
0x293: {  	s1 =	simm.s32 $0x2;
	v12 =	vadd.f32 v21, v12;
	v2 =	vadd.f32 v2, v4;
	v16 =	vor.u32 s11, v6;
	v17 =	vld.idx.msk [tilespmem:v26+s16+$0x0], $0xffff  }
0x294: {  	s14 =	sadd.s32 $0x100, s23;
	v21 =	vor.u32 s1, v3;
	v54 =	vsub.f32 $1.000000000e+00, v13;
	v55 =	vsub.f32 $1.000000000e+00, v15;
	v18 =	vld.idx.msk [tilespmem:v18+s16+$0x0], $0xffff  }
0x295: {  	s18 =	sand.u32 $0x800, s24;
	s20 =	sadd.s32 $0xFFFFFF80, s14;
	v14 =	vadd.f32 v14, v12;
	v29 =	vadd.f32 v1, v2;
	v30 =	vor.u32 s13, v5;
	v27 =	vld.idx.msk [tilespmem:v27+s16+$0x0], $0xffff  }
0x296: {  	s18 =	sadd.s32 s18, s10;
	s20 =	sand.u32 $0x300, s20;
	v20 =	vmul.f32 v20, v0;
	v56 =	vor.u32 s1, v5;
	v0 =	vmul.f32 v15, v13;
	s22 =	sand.u32 $0x380, s14;
	v23 =	vld.idx.msk [tilespmem:v23+s16+$0x0], $0xffff  }
0x297: {  	v58 =	vor.u32 s13, v6;
	v4 =	vmul.f32 v55, v54;
	v2 =	vmul.f32 v15, v54;
	s22 =	sadd.s32 s22, s18;
	s18 =	sadd.s32 s20, s18;
	s20 =	sadd.s32 $0x200, s24;
	v24 =	vld.idx.msk [tilespmem:v53+s16+$0x0], $0xffff  }
0x298: {  	v1 =	vmul.f32 v55, v13;
	v13 =	vor.u32 s13, v7;
	s25 =	sand.u32 $0x800, s20;
	v20 =	vadd.f32 v20, v29;
	v15 =	vld.idx.msk [tilespmem:v16+s16+$0x0], $0xffff  }
0x299: {  	s14 =	sadd.s32 $0x100, s14;
	s13 =	sadd.s32 s25, s10;
	s25 =	simm.s32 $0x5;
	v16 =	vld.idx.msk [tilespmem:v21+s16+$0x0], $0xffff;
	v21 =	vor.u32 s1, v7;
	v22 =	vmul.f32 v22, v4;
	v17 =	vmul.f32 v17, v2  }
0x29a: {  	s24 =	simm.s32 $0x4;
	s23 =	sand.u32 $0x380, s14;
	s20 =	sadd.s32 $0x200, s20;
	v59 =	vor.u32 s25, v3;
	v30 =	vld.idx.msk [tilespmem:v30+s16+$0x0], $0xffff;
	v19 =	vmul.f32 v19, v4;
	v18 =	vmul.f32 v18, v2  }
0x29b: {  	[tilespmem:s22+$0x20] =	vst v9;
	s20 =	sand.u32 $0x800, s20;
	s22 =	sadd.s32 s23, s13;
	v25 =	vld.idx.msk [tilespmem:v56+s16+$0x0], $0xffff;
	v27 =	vmul.f32 v27, v1;
	v17 =	vadd.f32 v17, v22;
	v22 =	vor.u32 s1, v6;
	s1 =	sadd.s32 $0xFFFFFF80, s14  }
0x29c: {  	[tilespmem:s18+$0x20] =	vst v8;
	s20 =	sadd.s32 s20, s10;
	v60 =	vld.idx.msk [tilespmem:v58+s16+$0x0], $0xffff;
	v23 =	vmul.f32 v23, v1;
	v18 =	vadd.f32 v18, v19;
	v19 =	vor.u32 s24, v3;
	s14 =	sadd.s32 $0x100, s14;
	s1 =	sand.u32 $0x300, s1  }
0x29d: {  	v62 =	vor.u32 s25, v7;
	[tilespmem:s22+$0x20] =	vst v11;
	v31 =	vld.idx.msk [tilespmem:v13+s16+$0x0], $0xffff;
	v13 =	vmul.f32 v24, v0;
	s23 =	sadd.s32 $0xFFFFFF80, s14;
	s14 =	sand.u32 $0x380, s14;
	v17 =	vadd.f32 v27, v17;
	s1 =	sadd.s32 s1, s13  }
0x29e: {  	v21 =	vld.idx.msk [tilespmem:v21+s16+$0x0], $0xffff;
	v15 =	vmul.f32 v15, v0;
	v9 =	vadd.f32 v23, v18;
	v18 =	vor.u32 s25, v5;
	s23 =	sand.u32 $0x300, s23;
	s14 =	sadd.s32 s14, s20;
	[tilespmem:s1+$0x20] =	vst v10  }
0x29f: {  	s11 =	sand.u32 $0x800, s11;
	v12 =	vor.u32 s24, v7;
	v11 =	vld.idx.msk [tilespmem:v59+s16+$0x0], $0xffff;
	v23 =	vor.u32 s24, v5;
	s13 =	sadd.s32 s23, s20;
	s23 =	simm.s32 $0x80;
	[tilespmem:s14+$0x20] =	vst v14;
	v17 =	vadd.f32 v13, v17  }
0x2a0: {  	s14 =	sadd.s32 s11, s10;
	v61 =	vadd.f32 v15, v9;
	v9 =	vmul.f32 v57, v4;
	v13 =	vmul.f32 v30, v2;
	s20 =	sand.u32 $0x380, s23;
	v8 =	vld.idx.msk [tilespmem:v22+s16+$0x0], $0xffff  }
0x2a1: {  	s18 =	simm.s32 $0x0;
	v14 =	vor.u32 s25, v6;
	v15 =	vmul.f32 v16, v4;
	[tilespmem:s13+$0x20] =	vst v20;
	v10 =	vld.idx.msk [tilespmem:v19+s16+$0x0], $0xffff;
	v19 =	vmul.f32 v25, v2;
	s25 =	sadd.s32 s20, s14  }
0x2a2: {  	s22 =	sand.u32 $0x300, s18;
	v63 =	vmul.f32 v31, v1;
	s11 =	simm.s32 $0x6;
	v16 =	vor.u32 s24, v6;
	v20 =	vadd.f32 v13, v9;
	[tilespmem:s25+$0x30] =	vst v17;
	v17 =	vld.idx.msk [tilespmem:v62+s16+$0x0], $0xffff  }
0x2a3: {  	s1 =	sadd.s32 s22, s14;
	v22 =	vmul.f32 v21, v1;
	s25 =	simm.s32 $0x7;
	v13 =	vld.idx.msk [tilespmem:v18+s16+$0x0], $0xffff;
	v9 =	vadd.f32 v19, v15;
	v18 =	vor.u32 s11, v3  }
0x2a4: {  	s24 =	simm.s32 $0x200;
	s20 =	simm.s32 $0x8;
	v21 =	vmul.f32 v60, v0;
	[tilespmem:s1+$0x30] =	vst v61;
	v15 =	vld.idx.msk [tilespmem:v23+s16+$0x0], $0xffff;
	v19 =	vor.u32 s25, v3;
	v20 =	vadd.f32 v63, v20  }
.LBB2_28:
0x2a5: {  	p2 =	slt.u32 s20, $0xE;
	v23 =	vor.u32 s25, v5;
	v24 =	vld.idx.msk [tilespmem:v12+s16+$0x0], $0xffff;
	v9 =	vadd.f32 v22, v9;
	v12 =	vmul.f32 v8, v0;
	s1 =	sand.u32 $0x800, s24;
	s23 =	sadd.s32 $0x100, s23  }
0x2a6: {  	v22 =	vor.u32 s11, v5;
	v25 =	vld.idx.msk [tilespmem:v14+s16+$0x0], $0xffff;
	s13 =	sadd.s32 $0xFFFFFF80, s23;
	s1 =	sadd.s32 s1, s10;
	v14 =	vadd.f32 v21, v20;
	s14 =	sand.u32 $0x380, s23;
	v20 =	vmov v10  }
0x2a7: {  	v21 =	vor.u32 s25, v7;
	v8 =	vld.idx.msk [tilespmem:v16+s16+$0x0], $0xffff;
	v9 =	vadd.f32 v12, v9;
	s13 =	sand.u32 $0x300, s13;
	s14 =	sadd.s32 s14, s1  }
.Ltmp14:
0x2a8: {  	v12 =	vor.u32 s11, v7;
	v26 =	vmul.f32 v13, v2;
	v10 =	vld.idx.msk [tilespmem:v18+s16+$0x0], $0xffff;
	v18 =	vmul.f32 v11, v4;
	s1 =	sadd.s32 s13, s1;
	[tilespmem:s14+$0x30] =	vst v14;
	(pc) =	sbr.rel @p2 .LBB2_28-.Ltmp14, $4  }
0x2a9: {  	v14 =	vor.u32 s25, v6;
	v11 =	vld.idx.msk [tilespmem:v19+s16+$0x0], $0xffff;
	v19 =	vmul.f32 v20, v4;
	v20 =	vmul.f32 v15, v2;
	[tilespmem:s1+$0x30] =	vst v9  }
0x2aa: {  	v16 =	vor.u32 s11, v6;
	s11 =	smov.u32 s20;
	v13 =	vld.idx.msk [tilespmem:v23+s16+$0x0], $0xffff;
	v23 =	vadd.f32 v26, v18;
	v26 =	vmul.f32 v17, v1  }
0x2ab: {  	s25 =	sadd.s32 $0x1, s20;
	v18 =	vor.u32 s20, v3;
	v15 =	vld.idx.msk [tilespmem:v22+s16+$0x0], $0xffff;
	v9 =	vadd.f32 v20, v19;
	v22 =	vmul.f32 v24, v1  }
0x2ac: {  	s24 =	sadd.s32 $0x200, s24;
	s20 =	sadd.s32 $0x2, s20;
	v19 =	vor.u32 s25, v3;
	v17 =	vld.idx.msk [tilespmem:v21+s16+$0x0], $0xffff;
	v20 =	vadd.f32 v26, v23;
	v21 =	vmul.f32 v25, v0  }
0x2ad: {  	_ = 	snop  }
0x2ae: {  	s1 =	sor.u32 s12, s7  }
0x2af: {  	v3 =	vadd.f32 v22, v9;
	v8 =	vmul.f32 v8, v0;
	v22 =	vld [tilespmem:s1+$0x4000]  }
0x2b0: {  	v23 =	vor.u32 s25, v5;
	v5 =	vor.u32 s11, v5;
	v9 =	vadd.f32 v21, v20;
	v20 =	vld [tilespmem:s1+$0x0]  }
0x2b1: {  	v12 =	vld.idx.msk [tilespmem:v12+s16+$0x0], $0xffff;
	v10 =	vmul.f32 v10, v4;
	v21 =	vor.u32 s25, v7;
	v7 =	vor.u32 s11, v7  }
0x2b2: {  	v11 =	vmul.f32 v11, v4;
	v8 =	vadd.f32 v8, v3;
	v3 =	vld.idx.msk [tilespmem:v14+s16+$0x0], $0xffff;
	v13 =	vmul.f32 v13, v2  }
0x2b3: {  	v16 =	vld.idx.msk [tilespmem:v16+s16+$0x0], $0xffff;
	v14 =	vor.u32 s25, v6;
	v6 =	vor.u32 s11, v6;
	v15 =	vmul.f32 v15, v2  }
0x2b4: {  	v18 =	vld.idx.msk [tilespmem:v18+s16+$0x0], $0xffff;
	v11 =	vadd.f32 v13, v11;
	v13 =	vmul.f32 v17, v1;
	v17 =	vmax.f32 v22, $0.0e+00  }
0x2b5: {  	v19 =	vld.idx.msk [tilespmem:v19+s16+$0x0], $0xffff;
	v10 =	vadd.f32 v15, v10;
	v15 =	vmax.f32 v20, $0.0e+00;
	v17 =	vmin.f32 v17, $1.000000000e+00  }
0x2b6: {  	v12 =	vmul.f32 v12, v1;
	v20 =	vld.idx.msk [tilespmem:v23+s16+$0x0], $0xffff;
	v15 =	vmin.f32 v15, $1.000000000e+00;
	v17 =	vmul.f32 $3.100000000e+01, v17  }
0x2b7: {  	v11 =	vadd.f32 v13, v11;
	v3 =	vmul.f32 v3, v0;
	v13 =	vmul.f32 $3.100000000e+01, v15  }
0x2b8: {  	v10 =	vadd.f32 v12, v10;
	v12 =	vmul.f32 v16, v0;
	v15 =	vtrunc.f32 v17  }
0x2b9: {  	v21 =	vld.idx.msk [tilespmem:v21+s16+$0x0], $0xffff;
	v11 =	vadd.f32 v3, v11;
	v3 =	vtrunc.f32 v13;
	v15 =	vcvt.f32.s32 v15  }
0x2ba: {  	v10 =	vadd.f32 v12, v10;
	v12 =	vmul.f32 v19, v4;
	v16 =	vcvt.f32.s32 v3  }
0x2bb: {  	v4 =	vmul.f32 v18, v4;
	v20 =	vmul.f32 v20, v2;
	v3 =	vadd.s32 $0x1, v15  }
0x2bc: {  	v19 =	vld.idx.msk [tilespmem:v5+s16+$0x0], $0xffff;
	v5 =	vshll.u32 v16, $0x9;
	v18 =	vshll.u32 v15, $0x4;
	vm0 =	vlt.s32 v3, $0x1F  }
0x2bd: {  	s11 =	simm.s32 $0x0;
	v22 =	vadd.s32 $0x1, v16;
	v23 =	vnsel vm0, $0x1F, v3;
	v3 =	vadd.s32 v5, v18  }
0x2be: {  	s22 =	simm.s32 $0x1;
	v25 =	vld.idx.msk [tilespmem:v7+s16+$0x0], $0xffff;
	v21 =	vmul.f32 v21, v1;
	vm15 =	vlt.s32 v22, $0x1F;
	v24 =	vor.u32 s11, v3  }
0x2bf: {  	s13 =	simm.s32 $0x3;
	v14 =	vld.idx.msk [tilespmem:v14+s16+$0x0], $0xffff;
	v7 =	vnsel vm15, $0x1F, v22;
	v23 =	vshll.u32 v23, $0x4;
	v22 =	vor.u32 s22, v3  }
0x2c0: {  	v12 =	vadd.f32 v20, v12;
	v28 =	vor.u32 s13, v3;
	v5 =	vadd.s32 v5, v23  }
0x2c1: {  	v2 =	vmul.f32 v19, v2;
	v19 =	vshll.u32 v7, $0x9;
	v26 =	vor.u32 s22, v5  }
0x2c2: {  	v20 =	vld.idx.msk [tilespmem:v6+s16+$0x0], $0xffff;
	v16 =	vcvt.s32.f32 v16;
	v7 =	vadd.s32 v18, v19;
	v18 =	vor.u32 s11, v5  }
0x2c3: {  	v15 =	vcvt.s32.f32 v15;
	v6 =	vadd.s32 v19, v23;
	v27 =	vor.u32 s22, v7;
	v19 =	vld.idx.msk [tilespmem:v24+s16+$0x0], $0xffff  }
0x2c4: {  	v1 =	vmul.f32 v25, v1;
	v14 =	vmul.f32 v14, v0;
	v23 =	vor.u32 s11, v7;
	v22 =	vld.idx.msk [tilespmem:v22+s16+$0x0], $0xffff  }
0x2c5: {  	v13 =	vsub.f32 v13, v16;
	v15 =	vsub.f32 v17, v15;
	v53 =	vor.u32 s22, v6;
	v57 =	vld.idx.msk [tilespmem:v28+s16+$0x0], $0xffff  }
0x2c6: {  	s1 =	simm.s32 $0x2;
	v12 =	vadd.f32 v21, v12;
	v2 =	vadd.f32 v2, v4;
	v16 =	vor.u32 s11, v6;
	v17 =	vld.idx.msk [tilespmem:v26+s16+$0x0], $0xffff  }
0x2c7: {  	s14 =	sadd.s32 $0x100, s23;
	v21 =	vor.u32 s1, v3;
	v54 =	vsub.f32 $1.000000000e+00, v13;
	v55 =	vsub.f32 $1.000000000e+00, v15;
	v18 =	vld.idx.msk [tilespmem:v18+s16+$0x0], $0xffff  }
0x2c8: {  	s18 =	sand.u32 $0x800, s24;
	s20 =	sadd.s32 $0xFFFFFF80, s14;
	v14 =	vadd.f32 v14, v12;
	v29 =	vadd.f32 v1, v2;
	v30 =	vor.u32 s13, v5;
	v27 =	vld.idx.msk [tilespmem:v27+s16+$0x0], $0xffff  }
0x2c9: {  	s18 =	sadd.s32 s18, s10;
	s20 =	sand.u32 $0x300, s20;
	v20 =	vmul.f32 v20, v0;
	v56 =	vor.u32 s1, v5;
	v0 =	vmul.f32 v15, v13;
	s22 =	sand.u32 $0x380, s14;
	v23 =	vld.idx.msk [tilespmem:v23+s16+$0x0], $0xffff  }
0x2ca: {  	v58 =	vor.u32 s13, v6;
	v4 =	vmul.f32 v55, v54;
	v2 =	vmul.f32 v15, v54;
	s22 =	sadd.s32 s22, s18;
	s18 =	sadd.s32 s20, s18;
	s20 =	sadd.s32 $0x200, s24;
	v24 =	vld.idx.msk [tilespmem:v53+s16+$0x0], $0xffff  }
0x2cb: {  	v1 =	vmul.f32 v55, v13;
	v13 =	vor.u32 s13, v7;
	s25 =	sand.u32 $0x800, s20;
	v20 =	vadd.f32 v20, v29;
	v15 =	vld.idx.msk [tilespmem:v16+s16+$0x0], $0xffff  }
0x2cc: {  	s14 =	sadd.s32 $0x100, s14;
	s13 =	sadd.s32 s25, s10;
	s25 =	simm.s32 $0x5;
	v16 =	vld.idx.msk [tilespmem:v21+s16+$0x0], $0xffff;
	v21 =	vor.u32 s1, v7;
	v22 =	vmul.f32 v22, v4;
	v17 =	vmul.f32 v17, v2  }
0x2cd: {  	s24 =	simm.s32 $0x4;
	s23 =	sand.u32 $0x380, s14;
	s20 =	sadd.s32 $0x200, s20;
	v59 =	vor.u32 s25, v3;
	v30 =	vld.idx.msk [tilespmem:v30+s16+$0x0], $0xffff;
	v19 =	vmul.f32 v19, v4;
	v18 =	vmul.f32 v18, v2  }
0x2ce: {  	[tilespmem:s22+$0x30] =	vst v9;
	s20 =	sand.u32 $0x800, s20;
	s22 =	sadd.s32 s23, s13;
	v25 =	vld.idx.msk [tilespmem:v56+s16+$0x0], $0xffff;
	v27 =	vmul.f32 v27, v1;
	v17 =	vadd.f32 v17, v22;
	v22 =	vor.u32 s1, v6;
	s1 =	sadd.s32 $0xFFFFFF80, s14  }
0x2cf: {  	[tilespmem:s18+$0x30] =	vst v8;
	s20 =	sadd.s32 s20, s10;
	v60 =	vld.idx.msk [tilespmem:v58+s16+$0x0], $0xffff;
	v23 =	vmul.f32 v23, v1;
	v18 =	vadd.f32 v18, v19;
	v19 =	vor.u32 s24, v3;
	s14 =	sadd.s32 $0x100, s14;
	s1 =	sand.u32 $0x300, s1  }
0x2d0: {  	v62 =	vor.u32 s25, v7;
	[tilespmem:s22+$0x30] =	vst v11;
	v31 =	vld.idx.msk [tilespmem:v13+s16+$0x0], $0xffff;
	v13 =	vmul.f32 v24, v0;
	s23 =	sadd.s32 $0xFFFFFF80, s14;
	s14 =	sand.u32 $0x380, s14;
	v17 =	vadd.f32 v27, v17;
	s1 =	sadd.s32 s1, s13  }
0x2d1: {  	v21 =	vld.idx.msk [tilespmem:v21+s16+$0x0], $0xffff;
	v15 =	vmul.f32 v15, v0;
	v9 =	vadd.f32 v23, v18;
	v18 =	vor.u32 s25, v5;
	s23 =	sand.u32 $0x300, s23;
	s14 =	sadd.s32 s14, s20;
	[tilespmem:s1+$0x30] =	vst v10  }
0x2d2: {  	s11 =	sand.u32 $0x800, s11;
	v12 =	vor.u32 s24, v7;
	v11 =	vld.idx.msk [tilespmem:v59+s16+$0x0], $0xffff;
	v23 =	vor.u32 s24, v5;
	s13 =	sadd.s32 s23, s20;
	s23 =	simm.s32 $0x80;
	[tilespmem:s14+$0x30] =	vst v14;
	v17 =	vadd.f32 v13, v17  }
0x2d3: {  	s14 =	sadd.s32 s11, s10;
	v61 =	vadd.f32 v15, v9;
	v9 =	vmul.f32 v57, v4;
	v13 =	vmul.f32 v30, v2;
	s20 =	sand.u32 $0x380, s23;
	v8 =	vld.idx.msk [tilespmem:v22+s16+$0x0], $0xffff  }
0x2d4: {  	s18 =	simm.s32 $0x0;
	v14 =	vor.u32 s25, v6;
	v15 =	vmul.f32 v16, v4;
	[tilespmem:s13+$0x30] =	vst v20;
	v10 =	vld.idx.msk [tilespmem:v19+s16+$0x0], $0xffff;
	v19 =	vmul.f32 v25, v2;
	s25 =	sadd.s32 s20, s14  }
0x2d5: {  	s22 =	sand.u32 $0x300, s18;
	v63 =	vmul.f32 v31, v1;
	s11 =	simm.s32 $0x6;
	v16 =	vor.u32 s24, v6;
	v20 =	vadd.f32 v13, v9;
	[tilespmem:s25+$0x40] =	vst v17;
	v17 =	vld.idx.msk [tilespmem:v62+s16+$0x0], $0xffff  }
0x2d6: {  	s1 =	sadd.s32 s22, s14;
	v22 =	vmul.f32 v21, v1;
	s25 =	simm.s32 $0x7;
	v13 =	vld.idx.msk [tilespmem:v18+s16+$0x0], $0xffff;
	v9 =	vadd.f32 v19, v15;
	v18 =	vor.u32 s11, v3  }
0x2d7: {  	s24 =	simm.s32 $0x200;
	s20 =	simm.s32 $0x8;
	v21 =	vmul.f32 v60, v0;
	[tilespmem:s1+$0x40] =	vst v61;
	v15 =	vld.idx.msk [tilespmem:v23+s16+$0x0], $0xffff;
	v19 =	vor.u32 s25, v3;
	v20 =	vadd.f32 v63, v20  }
.LBB2_30:
0x2d8: {  	p2 =	slt.u32 s20, $0xE;
	v23 =	vor.u32 s25, v5;
	v24 =	vld.idx.msk [tilespmem:v12+s16+$0x0], $0xffff;
	v9 =	vadd.f32 v22, v9;
	v12 =	vmul.f32 v8, v0;
	s1 =	sand.u32 $0x800, s24;
	s23 =	sadd.s32 $0x100, s23  }
0x2d9: {  	v22 =	vor.u32 s11, v5;
	v25 =	vld.idx.msk [tilespmem:v14+s16+$0x0], $0xffff;
	s13 =	sadd.s32 $0xFFFFFF80, s23;
	s1 =	sadd.s32 s1, s10;
	v14 =	vadd.f32 v21, v20;
	s14 =	sand.u32 $0x380, s23;
	v20 =	vmov v10  }
0x2da: {  	v21 =	vor.u32 s25, v7;
	v8 =	vld.idx.msk [tilespmem:v16+s16+$0x0], $0xffff;
	v9 =	vadd.f32 v12, v9;
	s13 =	sand.u32 $0x300, s13;
	s14 =	sadd.s32 s14, s1  }
.Ltmp15:
0x2db: {  	v12 =	vor.u32 s11, v7;
	v26 =	vmul.f32 v13, v2;
	v10 =	vld.idx.msk [tilespmem:v18+s16+$0x0], $0xffff;
	v18 =	vmul.f32 v11, v4;
	s1 =	sadd.s32 s13, s1;
	[tilespmem:s14+$0x40] =	vst v14;
	(pc) =	sbr.rel @p2 .LBB2_30-.Ltmp15, $4  }
0x2dc: {  	v14 =	vor.u32 s25, v6;
	v11 =	vld.idx.msk [tilespmem:v19+s16+$0x0], $0xffff;
	v19 =	vmul.f32 v20, v4;
	v20 =	vmul.f32 v15, v2;
	[tilespmem:s1+$0x40] =	vst v9  }
0x2dd: {  	v16 =	vor.u32 s11, v6;
	s11 =	smov.u32 s20;
	v13 =	vld.idx.msk [tilespmem:v23+s16+$0x0], $0xffff;
	v23 =	vadd.f32 v26, v18;
	v26 =	vmul.f32 v17, v1  }
0x2de: {  	s25 =	sadd.s32 $0x1, s20;
	v18 =	vor.u32 s20, v3;
	v15 =	vld.idx.msk [tilespmem:v22+s16+$0x0], $0xffff;
	v9 =	vadd.f32 v20, v19;
	v22 =	vmul.f32 v24, v1  }
0x2df: {  	s24 =	sadd.s32 $0x200, s24;
	s20 =	sadd.s32 $0x2, s20;
	v19 =	vor.u32 s25, v3;
	v17 =	vld.idx.msk [tilespmem:v21+s16+$0x0], $0xffff;
	v20 =	vadd.f32 v26, v23;
	v21 =	vmul.f32 v25, v0  }
0x2e0: {  	_ = 	snop  }
0x2e1: {  	s1 =	sor.u32 s3, s7  }
0x2e2: {  	v3 =	vadd.f32 v22, v9;
	v8 =	vmul.f32 v8, v0;
	v22 =	vld [tilespmem:s1+$0x4000]  }
0x2e3: {  	v23 =	vor.u32 s25, v5;
	v5 =	vor.u32 s11, v5;
	v9 =	vadd.f32 v21, v20;
	v20 =	vld [tilespmem:s1+$0x0]  }
0x2e4: {  	v12 =	vld.idx.msk [tilespmem:v12+s16+$0x0], $0xffff;
	v10 =	vmul.f32 v10, v4;
	v21 =	vor.u32 s25, v7;
	v7 =	vor.u32 s11, v7  }
0x2e5: {  	v11 =	vmul.f32 v11, v4;
	v8 =	vadd.f32 v8, v3;
	v3 =	vld.idx.msk [tilespmem:v14+s16+$0x0], $0xffff;
	v13 =	vmul.f32 v13, v2  }
0x2e6: {  	v16 =	vld.idx.msk [tilespmem:v16+s16+$0x0], $0xffff;
	v14 =	vor.u32 s25, v6;
	v6 =	vor.u32 s11, v6;
	v15 =	vmul.f32 v15, v2  }
0x2e7: {  	v18 =	vld.idx.msk [tilespmem:v18+s16+$0x0], $0xffff;
	v11 =	vadd.f32 v13, v11;
	v13 =	vmul.f32 v17, v1;
	v17 =	vmax.f32 v22, $0.0e+00  }
0x2e8: {  	v19 =	vld.idx.msk [tilespmem:v19+s16+$0x0], $0xffff;
	v10 =	vadd.f32 v15, v10;
	v15 =	vmax.f32 v20, $0.0e+00;
	v17 =	vmin.f32 v17, $1.000000000e+00  }
0x2e9: {  	v12 =	vmul.f32 v12, v1;
	v20 =	vld.idx.msk [tilespmem:v23+s16+$0x0], $0xffff;
	v15 =	vmin.f32 v15, $1.000000000e+00;
	v17 =	vmul.f32 $3.100000000e+01, v17  }
0x2ea: {  	v11 =	vadd.f32 v13, v11;
	v3 =	vmul.f32 v3, v0;
	v13 =	vmul.f32 $3.100000000e+01, v15  }
0x2eb: {  	v10 =	vadd.f32 v12, v10;
	v12 =	vmul.f32 v16, v0;
	v15 =	vtrunc.f32 v17  }
0x2ec: {  	v21 =	vld.idx.msk [tilespmem:v21+s16+$0x0], $0xffff;
	v11 =	vadd.f32 v3, v11;
	v3 =	vtrunc.f32 v13;
	v15 =	vcvt.f32.s32 v15  }
0x2ed: {  	v10 =	vadd.f32 v12, v10;
	v12 =	vmul.f32 v19, v4;
	v16 =	vcvt.f32.s32 v3  }
0x2ee: {  	v4 =	vmul.f32 v18, v4;
	v20 =	vmul.f32 v20, v2;
	v3 =	vadd.s32 $0x1, v15  }
0x2ef: {  	v19 =	vld.idx.msk [tilespmem:v5+s16+$0x0], $0xffff;
	v5 =	vshll.u32 v16, $0x9;
	v18 =	vshll.u32 v15, $0x4;
	vm0 =	vlt.s32 v3, $0x1F  }
0x2f0: {  	s11 =	simm.s32 $0x0;
	v22 =	vadd.s32 $0x1, v16;
	v23 =	vnsel vm0, $0x1F, v3;
	v3 =	vadd.s32 v5, v18  }
0x2f1: {  	s22 =	simm.s32 $0x1;
	v25 =	vld.idx.msk [tilespmem:v7+s16+$0x0], $0xffff;
	v21 =	vmul.f32 v21, v1;
	vm15 =	vlt.s32 v22, $0x1F;
	v24 =	vor.u32 s11, v3  }
0x2f2: {  	s13 =	simm.s32 $0x3;
	v14 =	vld.idx.msk [tilespmem:v14+s16+$0x0], $0xffff;
	v7 =	vnsel vm15, $0x1F, v22;
	v23 =	vshll.u32 v23, $0x4;
	v22 =	vor.u32 s22, v3  }
0x2f3: {  	v12 =	vadd.f32 v20, v12;
	v28 =	vor.u32 s13, v3;
	v5 =	vadd.s32 v5, v23  }
0x2f4: {  	v2 =	vmul.f32 v19, v2;
	v19 =	vshll.u32 v7, $0x9;
	v26 =	vor.u32 s22, v5  }
0x2f5: {  	v20 =	vld.idx.msk [tilespmem:v6+s16+$0x0], $0xffff;
	v16 =	vcvt.s32.f32 v16;
	v7 =	vadd.s32 v18, v19;
	v18 =	vor.u32 s11, v5  }
0x2f6: {  	v15 =	vcvt.s32.f32 v15;
	v6 =	vadd.s32 v19, v23;
	v27 =	vor.u32 s22, v7;
	v19 =	vld.idx.msk [tilespmem:v24+s16+$0x0], $0xffff  }
0x2f7: {  	v1 =	vmul.f32 v25, v1;
	v14 =	vmul.f32 v14, v0;
	v23 =	vor.u32 s11, v7;
	v22 =	vld.idx.msk [tilespmem:v22+s16+$0x0], $0xffff  }
0x2f8: {  	v13 =	vsub.f32 v13, v16;
	v15 =	vsub.f32 v17, v15;
	v53 =	vor.u32 s22, v6;
	v57 =	vld.idx.msk [tilespmem:v28+s16+$0x0], $0xffff  }
0x2f9: {  	s1 =	simm.s32 $0x2;
	v12 =	vadd.f32 v21, v12;
	v2 =	vadd.f32 v2, v4;
	v16 =	vor.u32 s11, v6;
	v17 =	vld.idx.msk [tilespmem:v26+s16+$0x0], $0xffff  }
0x2fa: {  	s14 =	sadd.s32 $0x100, s23;
	v21 =	vor.u32 s1, v3;
	v54 =	vsub.f32 $1.000000000e+00, v13;
	v55 =	vsub.f32 $1.000000000e+00, v15;
	v18 =	vld.idx.msk [tilespmem:v18+s16+$0x0], $0xffff  }
0x2fb: {  	s18 =	sand.u32 $0x800, s24;
	s20 =	sadd.s32 $0xFFFFFF80, s14;
	v14 =	vadd.f32 v14, v12;
	v29 =	vadd.f32 v1, v2;
	v30 =	vor.u32 s13, v5;
	v27 =	vld.idx.msk [tilespmem:v27+s16+$0x0], $0xffff  }
0x2fc: {  	s18 =	sadd.s32 s18, s10;
	s20 =	sand.u32 $0x300, s20;
	v20 =	vmul.f32 v20, v0;
	v56 =	vor.u32 s1, v5;
	v0 =	vmul.f32 v15, v13;
	s22 =	sand.u32 $0x380, s14;
	v23 =	vld.idx.msk [tilespmem:v23+s16+$0x0], $0xffff  }
0x2fd: {  	v58 =	vor.u32 s13, v6;
	v4 =	vmul.f32 v55, v54;
	v2 =	vmul.f32 v15, v54;
	s22 =	sadd.s32 s22, s18;
	s18 =	sadd.s32 s20, s18;
	s20 =	sadd.s32 $0x200, s24;
	v24 =	vld.idx.msk [tilespmem:v53+s16+$0x0], $0xffff  }
0x2fe: {  	v1 =	vmul.f32 v55, v13;
	v13 =	vor.u32 s13, v7;
	s25 =	sand.u32 $0x800, s20;
	v20 =	vadd.f32 v20, v29;
	v15 =	vld.idx.msk [tilespmem:v16+s16+$0x0], $0xffff  }
0x2ff: {  	s14 =	sadd.s32 $0x100, s14;
	s13 =	sadd.s32 s25, s10;
	s25 =	simm.s32 $0x5;
	v16 =	vld.idx.msk [tilespmem:v21+s16+$0x0], $0xffff;
	v21 =	vor.u32 s1, v7;
	v22 =	vmul.f32 v22, v4;
	v17 =	vmul.f32 v17, v2  }
0x300: {  	s24 =	simm.s32 $0x4;
	s23 =	sand.u32 $0x380, s14;
	s20 =	sadd.s32 $0x200, s20;
	v59 =	vor.u32 s25, v3;
	v30 =	vld.idx.msk [tilespmem:v30+s16+$0x0], $0xffff;
	v19 =	vmul.f32 v19, v4;
	v18 =	vmul.f32 v18, v2  }
0x301: {  	[tilespmem:s22+$0x40] =	vst v9;
	s20 =	sand.u32 $0x800, s20;
	s22 =	sadd.s32 s23, s13;
	v25 =	vld.idx.msk [tilespmem:v56+s16+$0x0], $0xffff;
	v27 =	vmul.f32 v27, v1;
	v17 =	vadd.f32 v17, v22;
	v22 =	vor.u32 s1, v6;
	s1 =	sadd.s32 $0xFFFFFF80, s14  }
0x302: {  	[tilespmem:s18+$0x40] =	vst v8;
	s20 =	sadd.s32 s20, s10;
	v60 =	vld.idx.msk [tilespmem:v58+s16+$0x0], $0xffff;
	v23 =	vmul.f32 v23, v1;
	v18 =	vadd.f32 v18, v19;
	v19 =	vor.u32 s24, v3;
	s14 =	sadd.s32 $0x100, s14;
	s1 =	sand.u32 $0x300, s1  }
0x303: {  	v62 =	vor.u32 s25, v7;
	[tilespmem:s22+$0x40] =	vst v11;
	v31 =	vld.idx.msk [tilespmem:v13+s16+$0x0], $0xffff;
	v13 =	vmul.f32 v24, v0;
	s23 =	sadd.s32 $0xFFFFFF80, s14;
	s14 =	sand.u32 $0x380, s14;
	v17 =	vadd.f32 v27, v17;
	s1 =	sadd.s32 s1, s13  }
0x304: {  	v21 =	vld.idx.msk [tilespmem:v21+s16+$0x0], $0xffff;
	v15 =	vmul.f32 v15, v0;
	v9 =	vadd.f32 v23, v18;
	v18 =	vor.u32 s25, v5;
	s23 =	sand.u32 $0x300, s23;
	s14 =	sadd.s32 s14, s20;
	[tilespmem:s1+$0x40] =	vst v10  }
0x305: {  	s11 =	sand.u32 $0x800, s11;
	v12 =	vor.u32 s24, v7;
	v11 =	vld.idx.msk [tilespmem:v59+s16+$0x0], $0xffff;
	v23 =	vor.u32 s24, v5;
	s13 =	sadd.s32 s23, s20;
	s23 =	simm.s32 $0x80;
	[tilespmem:s14+$0x40] =	vst v14;
	v17 =	vadd.f32 v13, v17  }
0x306: {  	s14 =	sadd.s32 s11, s10;
	v61 =	vadd.f32 v15, v9;
	v9 =	vmul.f32 v57, v4;
	v13 =	vmul.f32 v30, v2;
	s20 =	sand.u32 $0x380, s23;
	v8 =	vld.idx.msk [tilespmem:v22+s16+$0x0], $0xffff  }
0x307: {  	s18 =	simm.s32 $0x0;
	v14 =	vor.u32 s25, v6;
	v15 =	vmul.f32 v16, v4;
	[tilespmem:s13+$0x40] =	vst v20;
	v10 =	vld.idx.msk [tilespmem:v19+s16+$0x0], $0xffff;
	v19 =	vmul.f32 v25, v2;
	s25 =	sadd.s32 s20, s14  }
0x308: {  	s22 =	sand.u32 $0x300, s18;
	v63 =	vmul.f32 v31, v1;
	s11 =	simm.s32 $0x6;
	v16 =	vor.u32 s24, v6;
	v20 =	vadd.f32 v13, v9;
	[tilespmem:s25+$0x50] =	vst v17;
	v17 =	vld.idx.msk [tilespmem:v62+s16+$0x0], $0xffff  }
0x309: {  	s1 =	sadd.s32 s22, s14;
	v22 =	vmul.f32 v21, v1;
	s25 =	simm.s32 $0x7;
	v13 =	vld.idx.msk [tilespmem:v18+s16+$0x0], $0xffff;
	v9 =	vadd.f32 v19, v15;
	v18 =	vor.u32 s11, v3  }
0x30a: {  	s24 =	simm.s32 $0x200;
	s20 =	simm.s32 $0x8;
	v21 =	vmul.f32 v60, v0;
	[tilespmem:s1+$0x50] =	vst v61;
	v15 =	vld.idx.msk [tilespmem:v23+s16+$0x0], $0xffff;
	v19 =	vor.u32 s25, v3;
	v20 =	vadd.f32 v63, v20  }
.LBB2_32:
0x30b: {  	p2 =	slt.u32 s20, $0xE;
	v23 =	vor.u32 s25, v5;
	v24 =	vld.idx.msk [tilespmem:v12+s16+$0x0], $0xffff;
	v9 =	vadd.f32 v22, v9;
	v12 =	vmul.f32 v8, v0;
	s1 =	sand.u32 $0x800, s24;
	s23 =	sadd.s32 $0x100, s23  }
0x30c: {  	v22 =	vor.u32 s11, v5;
	v25 =	vld.idx.msk [tilespmem:v14+s16+$0x0], $0xffff;
	s13 =	sadd.s32 $0xFFFFFF80, s23;
	s1 =	sadd.s32 s1, s10;
	v14 =	vadd.f32 v21, v20;
	s14 =	sand.u32 $0x380, s23;
	v20 =	vmov v10  }
0x30d: {  	v21 =	vor.u32 s25, v7;
	v8 =	vld.idx.msk [tilespmem:v16+s16+$0x0], $0xffff;
	v9 =	vadd.f32 v12, v9;
	s13 =	sand.u32 $0x300, s13;
	s14 =	sadd.s32 s14, s1  }
.Ltmp16:
0x30e: {  	v12 =	vor.u32 s11, v7;
	v26 =	vmul.f32 v13, v2;
	v10 =	vld.idx.msk [tilespmem:v18+s16+$0x0], $0xffff;
	v18 =	vmul.f32 v11, v4;
	s1 =	sadd.s32 s13, s1;
	[tilespmem:s14+$0x50] =	vst v14;
	(pc) =	sbr.rel @p2 .LBB2_32-.Ltmp16, $4  }
0x30f: {  	v14 =	vor.u32 s25, v6;
	v11 =	vld.idx.msk [tilespmem:v19+s16+$0x0], $0xffff;
	v19 =	vmul.f32 v20, v4;
	v20 =	vmul.f32 v15, v2;
	[tilespmem:s1+$0x50] =	vst v9  }
0x310: {  	v16 =	vor.u32 s11, v6;
	s11 =	smov.u32 s20;
	v13 =	vld.idx.msk [tilespmem:v23+s16+$0x0], $0xffff;
	v23 =	vadd.f32 v26, v18;
	v26 =	vmul.f32 v17, v1  }
0x311: {  	s25 =	sadd.s32 $0x1, s20;
	v18 =	vor.u32 s20, v3;
	v15 =	vld.idx.msk [tilespmem:v22+s16+$0x0], $0xffff;
	v9 =	vadd.f32 v20, v19;
	v22 =	vmul.f32 v24, v1  }
0x312: {  	s24 =	sadd.s32 $0x200, s24;
	s20 =	sadd.s32 $0x2, s20;
	v19 =	vor.u32 s25, v3;
	v17 =	vld.idx.msk [tilespmem:v21+s16+$0x0], $0xffff;
	v20 =	vadd.f32 v26, v23;
	v21 =	vmul.f32 v25, v0  }
0x313: {  	_ = 	snop  }
0x314: {  	s1 =	sor.u32 s6, s7  }
0x315: {  	v3 =	vadd.f32 v22, v9;
	v8 =	vmul.f32 v8, v0;
	v22 =	vld [tilespmem:s1+$0x4000]  }
0x316: {  	v23 =	vor.u32 s25, v5;
	v5 =	vor.u32 s11, v5;
	v9 =	vadd.f32 v21, v20;
	v20 =	vld [tilespmem:s1+$0x0]  }
0x317: {  	v12 =	vld.idx.msk [tilespmem:v12+s16+$0x0], $0xffff;
	v10 =	vmul.f32 v10, v4;
	v21 =	vor.u32 s25, v7;
	v7 =	vor.u32 s11, v7  }
0x318: {  	v11 =	vmul.f32 v11, v4;
	v8 =	vadd.f32 v8, v3;
	v3 =	vld.idx.msk [tilespmem:v14+s16+$0x0], $0xffff;
	v13 =	vmul.f32 v13, v2  }
0x319: {  	v16 =	vld.idx.msk [tilespmem:v16+s16+$0x0], $0xffff;
	v14 =	vor.u32 s25, v6;
	v6 =	vor.u32 s11, v6;
	v15 =	vmul.f32 v15, v2  }
0x31a: {  	v18 =	vld.idx.msk [tilespmem:v18+s16+$0x0], $0xffff;
	v11 =	vadd.f32 v13, v11;
	v13 =	vmul.f32 v17, v1;
	v17 =	vmax.f32 v22, $0.0e+00  }
0x31b: {  	v19 =	vld.idx.msk [tilespmem:v19+s16+$0x0], $0xffff;
	v10 =	vadd.f32 v15, v10;
	v15 =	vmax.f32 v20, $0.0e+00;
	v17 =	vmin.f32 v17, $1.000000000e+00  }
0x31c: {  	v12 =	vmul.f32 v12, v1;
	v20 =	vld.idx.msk [tilespmem:v23+s16+$0x0], $0xffff;
	v15 =	vmin.f32 v15, $1.000000000e+00;
	v17 =	vmul.f32 $3.100000000e+01, v17  }
0x31d: {  	v11 =	vadd.f32 v13, v11;
	v3 =	vmul.f32 v3, v0;
	v13 =	vmul.f32 $3.100000000e+01, v15  }
0x31e: {  	v10 =	vadd.f32 v12, v10;
	v12 =	vmul.f32 v16, v0;
	v15 =	vtrunc.f32 v17  }
0x31f: {  	v21 =	vld.idx.msk [tilespmem:v21+s16+$0x0], $0xffff;
	v11 =	vadd.f32 v3, v11;
	v3 =	vtrunc.f32 v13;
	v15 =	vcvt.f32.s32 v15  }
0x320: {  	v10 =	vadd.f32 v12, v10;
	v12 =	vmul.f32 v19, v4;
	v16 =	vcvt.f32.s32 v3  }
0x321: {  	v4 =	vmul.f32 v18, v4;
	v20 =	vmul.f32 v20, v2;
	v3 =	vadd.s32 $0x1, v15  }
0x322: {  	v19 =	vld.idx.msk [tilespmem:v5+s16+$0x0], $0xffff;
	v5 =	vshll.u32 v16, $0x9;
	v18 =	vshll.u32 v15, $0x4;
	vm0 =	vlt.s32 v3, $0x1F  }
0x323: {  	s11 =	simm.s32 $0x0;
	v22 =	vadd.s32 $0x1, v16;
	v23 =	vnsel vm0, $0x1F, v3;
	v3 =	vadd.s32 v5, v18  }
0x324: {  	s22 =	simm.s32 $0x1;
	v25 =	vld.idx.msk [tilespmem:v7+s16+$0x0], $0xffff;
	v21 =	vmul.f32 v21, v1;
	vm15 =	vlt.s32 v22, $0x1F;
	v24 =	vor.u32 s11, v3  }
0x325: {  	s13 =	simm.s32 $0x3;
	v14 =	vld.idx.msk [tilespmem:v14+s16+$0x0], $0xffff;
	v7 =	vnsel vm15, $0x1F, v22;
	v23 =	vshll.u32 v23, $0x4;
	v22 =	vor.u32 s22, v3  }
0x326: {  	v12 =	vadd.f32 v20, v12;
	v28 =	vor.u32 s13, v3;
	v5 =	vadd.s32 v5, v23  }
0x327: {  	v2 =	vmul.f32 v19, v2;
	v19 =	vshll.u32 v7, $0x9;
	v26 =	vor.u32 s22, v5  }
0x328: {  	v20 =	vld.idx.msk [tilespmem:v6+s16+$0x0], $0xffff;
	v16 =	vcvt.s32.f32 v16;
	v7 =	vadd.s32 v18, v19;
	v18 =	vor.u32 s11, v5  }
0x329: {  	v15 =	vcvt.s32.f32 v15;
	v6 =	vadd.s32 v19, v23;
	v27 =	vor.u32 s22, v7;
	v19 =	vld.idx.msk [tilespmem:v24+s16+$0x0], $0xffff  }
0x32a: {  	v1 =	vmul.f32 v25, v1;
	v14 =	vmul.f32 v14, v0;
	v23 =	vor.u32 s11, v7;
	v22 =	vld.idx.msk [tilespmem:v22+s16+$0x0], $0xffff  }
0x32b: {  	v13 =	vsub.f32 v13, v16;
	v15 =	vsub.f32 v17, v15;
	v53 =	vor.u32 s22, v6;
	v57 =	vld.idx.msk [tilespmem:v28+s16+$0x0], $0xffff  }
0x32c: {  	s1 =	simm.s32 $0x2;
	v12 =	vadd.f32 v21, v12;
	v2 =	vadd.f32 v2, v4;
	v16 =	vor.u32 s11, v6;
	v17 =	vld.idx.msk [tilespmem:v26+s16+$0x0], $0xffff  }
0x32d: {  	s14 =	sadd.s32 $0x100, s23;
	v21 =	vor.u32 s1, v3;
	v54 =	vsub.f32 $1.000000000e+00, v13;
	v55 =	vsub.f32 $1.000000000e+00, v15;
	v18 =	vld.idx.msk [tilespmem:v18+s16+$0x0], $0xffff  }
0x32e: {  	s18 =	sand.u32 $0x800, s24;
	s20 =	sadd.s32 $0xFFFFFF80, s14;
	v14 =	vadd.f32 v14, v12;
	v29 =	vadd.f32 v1, v2;
	v30 =	vor.u32 s13, v5;
	v27 =	vld.idx.msk [tilespmem:v27+s16+$0x0], $0xffff  }
0x32f: {  	s18 =	sadd.s32 s18, s10;
	s20 =	sand.u32 $0x300, s20;
	v20 =	vmul.f32 v20, v0;
	v56 =	vor.u32 s1, v5;
	v0 =	vmul.f32 v15, v13;
	s22 =	sand.u32 $0x380, s14;
	v23 =	vld.idx.msk [tilespmem:v23+s16+$0x0], $0xffff  }
0x330: {  	v58 =	vor.u32 s13, v6;
	v4 =	vmul.f32 v55, v54;
	v2 =	vmul.f32 v15, v54;
	s22 =	sadd.s32 s22, s18;
	s18 =	sadd.s32 s20, s18;
	s20 =	sadd.s32 $0x200, s24;
	v24 =	vld.idx.msk [tilespmem:v53+s16+$0x0], $0xffff  }
0x331: {  	v1 =	vmul.f32 v55, v13;
	v13 =	vor.u32 s13, v7;
	s25 =	sand.u32 $0x800, s20;
	v20 =	vadd.f32 v20, v29;
	v15 =	vld.idx.msk [tilespmem:v16+s16+$0x0], $0xffff  }
0x332: {  	s14 =	sadd.s32 $0x100, s14;
	s13 =	sadd.s32 s25, s10;
	s25 =	simm.s32 $0x5;
	v16 =	vld.idx.msk [tilespmem:v21+s16+$0x0], $0xffff;
	v21 =	vor.u32 s1, v7;
	v22 =	vmul.f32 v22, v4;
	v17 =	vmul.f32 v17, v2  }
0x333: {  	s24 =	simm.s32 $0x4;
	s23 =	sand.u32 $0x380, s14;
	s20 =	sadd.s32 $0x200, s20;
	v59 =	vor.u32 s25, v3;
	v30 =	vld.idx.msk [tilespmem:v30+s16+$0x0], $0xffff;
	v19 =	vmul.f32 v19, v4;
	v18 =	vmul.f32 v18, v2  }
0x334: {  	[tilespmem:s22+$0x50] =	vst v9;
	s20 =	sand.u32 $0x800, s20;
	s22 =	sadd.s32 s23, s13;
	v25 =	vld.idx.msk [tilespmem:v56+s16+$0x0], $0xffff;
	v27 =	vmul.f32 v27, v1;
	v17 =	vadd.f32 v17, v22;
	v22 =	vor.u32 s1, v6;
	s1 =	sadd.s32 $0xFFFFFF80, s14  }
0x335: {  	[tilespmem:s18+$0x50] =	vst v8;
	s20 =	sadd.s32 s20, s10;
	v60 =	vld.idx.msk [tilespmem:v58+s16+$0x0], $0xffff;
	v23 =	vmul.f32 v23, v1;
	v18 =	vadd.f32 v18, v19;
	v19 =	vor.u32 s24, v3;
	s14 =	sadd.s32 $0x100, s14;
	s1 =	sand.u32 $0x300, s1  }
0x336: {  	v62 =	vor.u32 s25, v7;
	[tilespmem:s22+$0x50] =	vst v11;
	v31 =	vld.idx.msk [tilespmem:v13+s16+$0x0], $0xffff;
	v13 =	vmul.f32 v24, v0;
	s23 =	sadd.s32 $0xFFFFFF80, s14;
	s14 =	sand.u32 $0x380, s14;
	v17 =	vadd.f32 v27, v17;
	s1 =	sadd.s32 s1, s13  }
0x337: {  	v21 =	vld.idx.msk [tilespmem:v21+s16+$0x0], $0xffff;
	v15 =	vmul.f32 v15, v0;
	v9 =	vadd.f32 v23, v18;
	v18 =	vor.u32 s25, v5;
	s23 =	sand.u32 $0x300, s23;
	s14 =	sadd.s32 s14, s20;
	[tilespmem:s1+$0x50] =	vst v10  }
0x338: {  	s11 =	sand.u32 $0x800, s11;
	v12 =	vor.u32 s24, v7;
	v11 =	vld.idx.msk [tilespmem:v59+s16+$0x0], $0xffff;
	v23 =	vor.u32 s24, v5;
	s13 =	sadd.s32 s23, s20;
	s23 =	simm.s32 $0x80;
	[tilespmem:s14+$0x50] =	vst v14;
	v17 =	vadd.f32 v13, v17  }
0x339: {  	s14 =	sadd.s32 s11, s10;
	v61 =	vadd.f32 v15, v9;
	v9 =	vmul.f32 v57, v4;
	v13 =	vmul.f32 v30, v2;
	s20 =	sand.u32 $0x380, s23;
	v8 =	vld.idx.msk [tilespmem:v22+s16+$0x0], $0xffff  }
0x33a: {  	s18 =	simm.s32 $0x0;
	v14 =	vor.u32 s25, v6;
	v15 =	vmul.f32 v16, v4;
	[tilespmem:s13+$0x50] =	vst v20;
	v10 =	vld.idx.msk [tilespmem:v19+s16+$0x0], $0xffff;
	v19 =	vmul.f32 v25, v2;
	s25 =	sadd.s32 s20, s14  }
0x33b: {  	s22 =	sand.u32 $0x300, s18;
	v63 =	vmul.f32 v31, v1;
	s11 =	simm.s32 $0x6;
	v16 =	vor.u32 s24, v6;
	v20 =	vadd.f32 v13, v9;
	[tilespmem:s25+$0x60] =	vst v17;
	v17 =	vld.idx.msk [tilespmem:v62+s16+$0x0], $0xffff  }
0x33c: {  	s1 =	sadd.s32 s22, s14;
	v22 =	vmul.f32 v21, v1;
	s25 =	simm.s32 $0x7;
	v13 =	vld.idx.msk [tilespmem:v18+s16+$0x0], $0xffff;
	v9 =	vadd.f32 v19, v15;
	v18 =	vor.u32 s11, v3  }
0x33d: {  	s24 =	simm.s32 $0x200;
	s20 =	simm.s32 $0x8;
	v21 =	vmul.f32 v60, v0;
	[tilespmem:s1+$0x60] =	vst v61;
	v15 =	vld.idx.msk [tilespmem:v23+s16+$0x0], $0xffff;
	v19 =	vor.u32 s25, v3;
	v20 =	vadd.f32 v63, v20  }
.LBB2_34:
0x33e: {  	p2 =	slt.u32 s20, $0xE;
	v23 =	vor.u32 s25, v5;
	v24 =	vld.idx.msk [tilespmem:v12+s16+$0x0], $0xffff;
	v9 =	vadd.f32 v22, v9;
	v12 =	vmul.f32 v8, v0;
	s1 =	sand.u32 $0x800, s24;
	s23 =	sadd.s32 $0x100, s23  }
0x33f: {  	v22 =	vor.u32 s11, v5;
	v25 =	vld.idx.msk [tilespmem:v14+s16+$0x0], $0xffff;
	s13 =	sadd.s32 $0xFFFFFF80, s23;
	s1 =	sadd.s32 s1, s10;
	v14 =	vadd.f32 v21, v20;
	s14 =	sand.u32 $0x380, s23;
	v20 =	vmov v10  }
0x340: {  	v21 =	vor.u32 s25, v7;
	v8 =	vld.idx.msk [tilespmem:v16+s16+$0x0], $0xffff;
	v9 =	vadd.f32 v12, v9;
	s13 =	sand.u32 $0x300, s13;
	s14 =	sadd.s32 s14, s1  }
.Ltmp17:
0x341: {  	v12 =	vor.u32 s11, v7;
	v26 =	vmul.f32 v13, v2;
	v10 =	vld.idx.msk [tilespmem:v18+s16+$0x0], $0xffff;
	v18 =	vmul.f32 v11, v4;
	s1 =	sadd.s32 s13, s1;
	[tilespmem:s14+$0x60] =	vst v14;
	(pc) =	sbr.rel @p2 .LBB2_34-.Ltmp17, $4  }
0x342: {  	v14 =	vor.u32 s25, v6;
	v11 =	vld.idx.msk [tilespmem:v19+s16+$0x0], $0xffff;
	v19 =	vmul.f32 v20, v4;
	v20 =	vmul.f32 v15, v2;
	[tilespmem:s1+$0x60] =	vst v9  }
0x343: {  	v16 =	vor.u32 s11, v6;
	s11 =	smov.u32 s20;
	v13 =	vld.idx.msk [tilespmem:v23+s16+$0x0], $0xffff;
	v23 =	vadd.f32 v26, v18;
	v26 =	vmul.f32 v17, v1  }
0x344: {  	s25 =	sadd.s32 $0x1, s20;
	v18 =	vor.u32 s20, v3;
	v15 =	vld.idx.msk [tilespmem:v22+s16+$0x0], $0xffff;
	v9 =	vadd.f32 v20, v19;
	v22 =	vmul.f32 v24, v1  }
0x345: {  	s24 =	sadd.s32 $0x200, s24;
	s20 =	sadd.s32 $0x2, s20;
	v19 =	vor.u32 s25, v3;
	v17 =	vld.idx.msk [tilespmem:v21+s16+$0x0], $0xffff;
	v20 =	vadd.f32 v26, v23;
	v21 =	vmul.f32 v25, v0  }
0x346: {  	_ =	sdelay $0x3  }
0x347: {  	s1 =	sor.u32 s8, s7;
	v12 =	vld.idx.msk [tilespmem:v12+s16+$0x0], $0xffff  }
0x348: {  	v3 =	vadd.f32 v22, v9;
	v22 =	vld [tilespmem:s1+$0x4000]  }
0x349: {  	v8 =	vmul.f32 v8, v0;
	v23 =	vor.u32 s25, v5;
	v9 =	vadd.f32 v21, v20;
	v20 =	vld [tilespmem:s1+$0x0]  }
0x34a: {  	v5 =	vor.u32 s11, v5;
	v16 =	vld.idx.msk [tilespmem:v16+s16+$0x0], $0xffff;
	v10 =	vmul.f32 v10, v4;
	v11 =	vmul.f32 v11, v4  }
0x34b: {  	v8 =	vadd.f32 v8, v3;
	v3 =	vld.idx.msk [tilespmem:v14+s16+$0x0], $0xffff;
	v13 =	vmul.f32 v13, v2;
	v15 =	vmul.f32 v15, v2  }
0x34c: {  	v24 =	vor.u32 s11, v6;
	v21 =	vor.u32 s25, v7;
	v14 =	vor.u32 s25, v6;
	v6 =	vld.idx.msk [tilespmem:v18+s16+$0x0], $0xffff  }
0x34d: {  	v18 =	vld.idx.msk [tilespmem:v19+s16+$0x0], $0xffff;
	v11 =	vadd.f32 v13, v11;
	v13 =	vmul.f32 v17, v1;
	v10 =	vadd.f32 v15, v10  }
0x34e: {  	v12 =	vmul.f32 v12, v1;
	v17 =	vmax.f32 v22, $0.0e+00;
	v15 =	vmax.f32 v20, $0.0e+00  }
0x34f: {  	v7 =	vor.u32 s11, v7;
	v19 =	vld.idx.msk [tilespmem:v23+s16+$0x0], $0xffff;
	v17 =	vmin.f32 v17, $1.000000000e+00;
	v15 =	vmin.f32 v15, $1.000000000e+00  }
0x350: {  	v5 =	vld.idx.msk [tilespmem:v5+s16+$0x0], $0xffff;
	v3 =	vmul.f32 v3, v0;
	v10 =	vadd.f32 v12, v10;
	v12 =	vmul.f32 v16, v0  }
0x351: {  	v24 =	vld.idx.msk [tilespmem:v24+s16+$0x0], $0xffff;
	v11 =	vadd.f32 v13, v11;
	v17 =	vmul.f32 $3.100000000e+01, v17;
	v13 =	vmul.f32 $3.100000000e+01, v15  }
0x352: {  	v10 =	vadd.f32 v12, v10;
	v12 =	vmul.f32 v18, v4  }
0x353: {  	v11 =	vadd.f32 v3, v11;
	v15 =	vtrunc.f32 v17;
	v3 =	vtrunc.f32 v13  }
0x354: {  	v20 =	vld.idx.msk [tilespmem:v21+s16+$0x0], $0xffff;
	v18 =	vmul.f32 v19, v2;
	v15 =	vcvt.f32.s32 v15  }
0x355: {  	v19 =	vmul.f32 v6, v4;
	v16 =	vcvt.f32.s32 v3  }
0x356: {  	v25 =	vld.idx.msk [tilespmem:v7+s16+$0x0], $0xffff;
	v2 =	vmul.f32 v5, v2;
	v24 =	vmul.f32 v24, v0;
	v3 =	vadd.s32 $0x1, v15  }
0x357: {  	v4 =	vshll.u32 v16, $0x9;
	v6 =	vshll.u32 v15, $0x4;
	vm0 =	vlt.s32 v3, $0x1F  }
0x358: {  	s7 =	simm.s32 $0x0;
	v21 =	vadd.s32 $0x1, v16;
	v22 =	vnsel vm0, $0x1F, v3;
	v3 =	vadd.s32 v4, v6  }
0x359: {  	s22 =	simm.s32 $0x1;
	v20 =	vmul.f32 v20, v1;
	vm15 =	vlt.s32 v21, $0x1F;
	v23 =	vor.u32 s7, v3  }
0x35a: {  	s25 =	simm.s32 $0x3;
	v7 =	vnsel vm15, $0x1F, v21;
	v22 =	vshll.u32 v22, $0x4;
	v21 =	vor.u32 s22, v3  }
0x35b: {  	v14 =	vld.idx.msk [tilespmem:v14+s16+$0x0], $0xffff;
	v1 =	vmul.f32 v25, v1;
	v57 =	vor.u32 s25, v3;
	v4 =	vadd.s32 v4, v22  }
0x35c: {  	v12 =	vadd.f32 v18, v12;
	v5 =	vshll.u32 v7, $0x9;
	v26 =	vor.u32 s22, v4  }
0x35d: {  	v15 =	vcvt.s32.f32 v15;
	v6 =	vadd.s32 v6, v5;
	v18 =	vor.u32 s7, v4  }
0x35e: {  	v16 =	vcvt.s32.f32 v16;
	v7 =	vadd.s32 v5, v22;
	v27 =	vor.u32 s22, v6;
	v22 =	vld.idx.msk [tilespmem:v23+s16+$0x0], $0xffff  }
0x35f: {  	v2 =	vadd.f32 v2, v19;
	v15 =	vsub.f32 v17, v15;
	v5 =	vor.u32 s7, v6;
	v19 =	vld.idx.msk [tilespmem:v21+s16+$0x0], $0xffff  }
0x360: {  	v14 =	vmul.f32 v14, v0;
	v13 =	vsub.f32 v13, v16;
	v16 =	vor.u32 s7, v7;
	v58 =	vld.idx.msk [tilespmem:v57+s16+$0x0], $0xffff  }
0x361: {  	s1 =	simm.s32 $0x2;
	v12 =	vadd.f32 v20, v12;
	v56 =	vsub.f32 $1.000000000e+00, v15;
	v21 =	vor.u32 s22, v7;
	v17 =	vld.idx.msk [tilespmem:v26+s16+$0x0], $0xffff  }
0x362: {  	s13 =	sadd.s32 $0x100, s23;
	s14 =	sand.u32 $0x800, s24;
	v28 =	vadd.f32 v1, v2;
	v20 =	vor.u32 s1, v3;
	v0 =	vmul.f32 v15, v13;
	v18 =	vld.idx.msk [tilespmem:v18+s16+$0x0], $0xffff  }
0x363: {  	s18 =	sadd.s32 $0xFFFFFF80, s13;
	s14 =	sadd.s32 s14, s10;
	s20 =	sand.u32 $0x380, s13;
	v1 =	vmul.f32 v56, v13;
	v23 =	vsub.f32 $1.000000000e+00, v13;
	v13 =	vor.u32 s25, v6;
	v27 =	vld.idx.msk [tilespmem:v27+s16+$0x0], $0xffff  }
0x364: {  	s18 =	sand.u32 $0x300, s18;
	s20 =	sadd.s32 s20, s14;
	v12 =	vadd.f32 v14, v12;
	v29 =	vor.u32 s25, v4;
	v30 =	vld.idx.msk [tilespmem:v5+s16+$0x0], $0xffff  }
0x365: {  	s14 =	sadd.s32 s18, s14;
	s18 =	sadd.s32 $0x200, s24;
	s24 =	simm.s32 $0x4;
	v2 =	vmul.f32 v56, v23;
	v5 =	vmul.f32 v15, v23;
	v23 =	vor.u32 s1, v4;
	v15 =	vld.idx.msk [tilespmem:v16+s16+$0x0], $0xffff  }
0x366: {  	v24 =	vadd.f32 v24, v28;
	v59 =	vor.u32 s25, v7;
	v61 =	vor.u32 s24, v4;
	s22 =	sand.u32 $0x800, s18;
	v21 =	vld.idx.msk [tilespmem:v21+s16+$0x0], $0xffff  }
0x367: {  	s11 =	sadd.s32 s22, s10;
	s22 =	simm.s32 $0x5;
	v16 =	vld.idx.msk [tilespmem:v20+s16+$0x0], $0xffff;
	v20 =	vor.u32 s1, v6;
	v19 =	vmul.f32 v19, v2;
	v17 =	vmul.f32 v17, v5  }
0x368: {  	v62 =	vor.u32 s22, v6;
	v22 =	vmul.f32 v22, v2;
	v13 =	vld.idx.msk [tilespmem:v13+s16+$0x0], $0xffff;
	v18 =	vmul.f32 v18, v5  }
0x369: {  	s13 =	sadd.s32 $0x100, s13;
	s7 =	sand.u32 $0x800, s7;
	v29 =	vld.idx.msk [tilespmem:v29+s16+$0x0], $0xffff;
	v27 =	vmul.f32 v27, v1;
	v17 =	vadd.f32 v17, v19;
	v19 =	vor.u32 s1, v7  }
0x36a: {  	s23 =	sadd.s32 $0xFFFFFF80, s13;
	[tilespmem:s20+$0x60] =	vst v9;
	s7 =	sadd.s32 s7, s10;
	s25 =	sand.u32 $0x380, s13;
	v23 =	vld.idx.msk [tilespmem:v23+s16+$0x0], $0xffff;
	v30 =	vmul.f32 v30, v1;
	v18 =	vadd.f32 v18, v22;
	v22 =	vor.u32 s24, v3  }
0x36b: {  	[tilespmem:s14+$0x60] =	vst v8;
	s18 =	sadd.s32 $0x200, s18;
	v60 =	vor.u32 s22, v3;
	s25 =	sadd.s32 s25, s11;
	v26 =	vld.idx.msk [tilespmem:v59+s16+$0x0], $0xffff;
	v15 =	vmul.f32 v15, v0;
	s1 =	sand.u32 $0x300, s23;
	v21 =	vmul.f32 v21, v0  }
0x36c: {  	s13 =	sadd.s32 $0x100, s13;
	s18 =	sand.u32 $0x800, s18;
	[tilespmem:s25+$0x60] =	vst v11;
	v20 =	vld.idx.msk [tilespmem:v20+s16+$0x0], $0xffff;
	s1 =	sadd.s32 s1, s11;
	v17 =	vadd.f32 v27, v17;
	v9 =	vadd.f32 v30, v18;
	v18 =	vor.u32 s22, v4  }
0x36d: {  	v14 =	vor.u32 s24, v6;
	s18 =	sadd.s32 s18, s10;
	v11 =	vmul.f32 v58, v2;
	s23 =	sadd.s32 $0xFFFFFF80, s13;
	s13 =	sand.u32 $0x380, s13;
	v63 =	vmul.f32 v13, v1;
	v13 =	vld.idx.msk [tilespmem:v62+s16+$0x0], $0xffff;
	[tilespmem:s1+$0x60] =	vst v10  }
0x36e: {  	s25 =	sand.u32 $0x300, s23;
	s13 =	sadd.s32 s13, s18;
	s11 =	simm.s32 $0x80;
	v17 =	vadd.f32 v21, v17;
	v21 =	vadd.f32 v15, v9;
	v9 =	vld.idx.msk [tilespmem:v19+s16+$0x0], $0xffff;
	v19 =	vmul.f32 v29, v5  }
0x36f: {  	s14 =	sadd.s32 s25, s18;
	[tilespmem:s13+$0x60] =	vst v12;
	s18 =	simm.s32 $0x0;
	s20 =	sand.u32 $0x380, s11;
	v12 =	vmul.f32 v16, v2;
	v15 =	vor.u32 s22, v7;
	v8 =	vld.idx.msk [tilespmem:v22+s16+$0x0], $0xffff;
	v22 =	vmul.f32 v23, v5  }
0x370: {  	s23 =	simm.s32 $0x6;
	v10 =	vld.idx.msk [tilespmem:v60+s16+$0x0], $0xffff;
	v16 =	vor.u32 s24, v7;
	[tilespmem:s14+$0x60] =	vst v24;
	s25 =	sadd.s32 s20, s7;
	s22 =	sand.u32 $0x300, s18;
	v23 =	vadd.f32 v19, v11  }
0x371: {  	s24 =	simm.s32 $0x7;
	s1 =	sadd.s32 s22, s7;
	[tilespmem:s25+$0x70] =	vst v17;
	v17 =	vor.u32 s23, v3;
	v11 =	vld.idx.msk [tilespmem:v18+s16+$0x0], $0xffff;
	v19 =	vadd.f32 v22, v12;
	v22 =	vmul.f32 v20, v1  }
0x372: {  	s20 =	simm.s32 $0x8;
	s7 =	simm.s32 $0x200;
	[tilespmem:s1+$0x70] =	vst v21;
	v21 =	vmul.f32 v26, v0;
	v12 =	vld.idx.msk [tilespmem:v61+s16+$0x0], $0xffff;
	v18 =	vor.u32 s24, v3;
	v20 =	vadd.f32 v63, v23  }
.LBB2_36:
0x373: {  	p2 =	slt.u32 s20, $0xE;
	v23 =	vor.u32 s24, v4;
	v24 =	vld.idx.msk [tilespmem:v14+s16+$0x0], $0xffff;
	v14 =	vadd.f32 v22, v19;
	v19 =	vmul.f32 v9, v0;
	s1 =	sand.u32 $0x800, s7;
	s11 =	sadd.s32 $0x100, s11  }
0x374: {  	v22 =	vor.u32 s23, v4;
	v25 =	vld.idx.msk [tilespmem:v15+s16+$0x0], $0xffff;
	s13 =	sadd.s32 $0xFFFFFF80, s11;
	s1 =	sadd.s32 s1, s10;
	v15 =	vadd.f32 v21, v20;
	s14 =	sand.u32 $0x380, s11;
	v20 =	vmov v8  }
0x375: {  	v21 =	vor.u32 s24, v6;
	v9 =	vld.idx.msk [tilespmem:v16+s16+$0x0], $0xffff;
	v16 =	vadd.f32 v19, v14;
	s13 =	sand.u32 $0x300, s13;
	s14 =	sadd.s32 s14, s1  }
.Ltmp18:
0x376: {  	v14 =	vor.u32 s23, v6;
	v19 =	vmul.f32 v11, v5;
	v8 =	vld.idx.msk [tilespmem:v17+s16+$0x0], $0xffff;
	v17 =	vmul.f32 v10, v2;
	s1 =	sadd.s32 s13, s1;
	[tilespmem:s14+$0x70] =	vst v15;
	(pc) =	sbr.rel @p2 .LBB2_36-.Ltmp18, $4  }
0x377: {  	v15 =	vor.u32 s24, v7;
	v10 =	vld.idx.msk [tilespmem:v18+s16+$0x0], $0xffff;
	v18 =	vmul.f32 v20, v2;
	v20 =	vmul.f32 v12, v5;
	[tilespmem:s1+$0x70] =	vst v16  }
0x378: {  	v16 =	vor.u32 s23, v7;
	v26 =	vmul.f32 v13, v1;
	s23 =	smov.u32 s20;
	v11 =	vld.idx.msk [tilespmem:v23+s16+$0x0], $0xffff;
	v23 =	vadd.f32 v19, v17  }
0x379: {  	s24 =	sadd.s32 $0x1, s20;
	v17 =	vor.u32 s20, v3;
	v12 =	vld.idx.msk [tilespmem:v22+s16+$0x0], $0xffff;
	v19 =	vadd.f32 v20, v18;
	v22 =	vmul.f32 v24, v1  }
0x37a: {  	s7 =	sadd.s32 $0x200, s7;
	s20 =	sadd.s32 $0x2, s20;
	v18 =	vor.u32 s24, v3;
	v13 =	vld.idx.msk [tilespmem:v21+s16+$0x0], $0xffff;
	v20 =	vadd.f32 v26, v23;
	v21 =	vmul.f32 v25, v0  }
0x37b: {  	_ =	sdelay $0x3  }
0x37c: {  	v3 =	vor.u32 s24, v4;
	v14 =	vld.idx.msk [tilespmem:v14+s16+$0x0], $0xffff  }
0x37d: {  	v47 =	vor.u32 s23, v4;
	v15 =	vld.idx.msk [tilespmem:v15+s16+$0x0], $0xffff  }
0x37e: {  	v23 =	vor.u32 s24, v6;
	v16 =	vld.idx.msk [tilespmem:v16+s16+$0x0], $0xffff  }
0x37f: {  	v17 =	vld.idx.msk [tilespmem:v17+s16+$0x0], $0xffff;
	v48 =	vor.u32 s23, v6  }
0x380: {  	v18 =	vld.idx.msk [tilespmem:v18+s16+$0x0], $0xffff;
	v24 =	vor.u32 s24, v7  }
0x381: {  	v49 =	vor.u32 s23, v7;
	v9 =	vmul.f32 v9, v0;
	v3 =	vld.idx.msk [tilespmem:v3+s16+$0x0], $0xffff  }
0x382: {  	v8 =	vmul.f32 v8, v2;
	v10 =	vmul.f32 v10, v2;
	v4 =	vld.idx.msk [tilespmem:v47+s16+$0x0], $0xffff  }
0x383: {  	v19 =	vadd.f32 v22, v19;
	v11 =	vmul.f32 v11, v5;
	v12 =	vmul.f32 v12, v5;
	v50 =	vld.idx.msk [tilespmem:v23+s16+$0x0], $0xffff  }
0x384: {  	v20 =	vadd.f32 v21, v20;
	v13 =	vmul.f32 v13, v1;
	v6 =	vld.idx.msk [tilespmem:v48+s16+$0x0], $0xffff;
	v51 =	vmul.f32 v14, v1  }
0x385: {  	s1 =	sand.u32 $0x800, s7;
	s11 =	sadd.s32 $0x100, s11;
	s24 =	sadd.s32 $0x200, s7;
	v9 =	vadd.f32 v9, v19;
	v52 =	vmul.f32 v15, v0;
	v53 =	vld.idx.msk [tilespmem:v24+s16+$0x0], $0xffff;
	v54 =	vmul.f32 v18, v2  }
0x386: {  	s13 =	sadd.s32 $0xFFFFFF80, s11;
	s1 =	sadd.s32 s1, s10;
	s14 =	sand.u32 $0x380, s11;
	v10 =	vadd.f32 v11, v10;
	v7 =	vld.idx.msk [tilespmem:v49+s16+$0x0], $0xffff;
	v55 =	vmul.f32 v17, v2;
	v3 =	vmul.f32 v3, v5  }
0x387: {  	s25 =	sand.u32 $0x800, s24;
	s11 =	sadd.s32 $0x100, s11;
	s7 =	sadd.s32 $0x200, s24;
	v8 =	vadd.f32 v12, v8;
	v58 =	vmul.f32 v16, v0;
	v4 =	vmul.f32 v4, v5  }
0x388: {  	s13 =	sand.u32 $0x300, s13;
	s14 =	sadd.s32 s14, s1;
	s18 =	sadd.s32 $0xFFFFFF80, s11;
	v10 =	vadd.f32 v13, v10;
	v57 =	vmul.f32 v50, v1;
	v3 =	vadd.f32 v3, v54  }
0x389: {  	s20 =	sand.u32 $0x380, s11;
	s7 =	sand.u32 $0x800, s7;
	s11 =	sadd.s32 $0x100, s11;
	v56 =	vadd.f32 v51, v8;
	v59 =	vmul.f32 v6, v1;
	v2 =	vadd.f32 v4, v55  }
0x38a: {  	s1 =	sadd.s32 s13, s1;
	s13 =	sadd.s32 s25, s10;
	[tilespmem:s14+$0x70] =	vst v20;
	s18 =	sand.u32 $0x300, s18;
	v60 =	vadd.f32 v52, v10;
	v61 =	vmul.f32 v53, v0;
	v3 =	vadd.f32 v57, v3  }
.Ltmp19:
0x38b: {  	s23 =	sadd.s32 $0xFFFFFF80, s11;
	s20 =	sadd.s32 s20, s13;
	[tilespmem:s1+$0x70] =	vst v9;
	v5 =	vadd.f32 v58, v56;
	v62 =	vmul.f32 v7, v0;
	v1 =	vadd.f32 v59, v2;
	(pc) =	sbr.rel @p0 .LBB2_21-.Ltmp19, $4  }
0x38c: {  	s7 =	sadd.s32 s7, s10;
	s24 =	sand.u32 $0x380, s11;
	s22 =	sadd.s32 s18, s13;
	[tilespmem:s20+$0x70] =	vst v60;
	v63 =	vadd.f32 v61, v3  }
0x38d: {  	s25 =	sand.u32 $0x300, s23;
	s10 =	sadd.s32 s24, s7;
	[tilespmem:s22+$0x70] =	vst v5;
	v0 =	vadd.f32 v62, v1  }
0x38e: {  	s1 =	sadd.s32 s25, s7;
	[tilespmem:s10+$0x70] =	vst v63  }
0x38f: {  	p2 =	por $0x0, $0x0;
	[tilespmem:s1+$0x70] =	vst v0;
	s10 =	simm.s32 $0x8  }
.Ltmp20:
0x390: {  	(pc) =	sbr.rel @p1 .LBB2_40-.Ltmp20, $4  }
0x391: {  	s0 =	sshll.u32 s28, $0x8  }
0x392: {  	s1 =	simm.s32 $0x800;
	s0 =	sand.u32 $0x1FFFFF00, s0  }
0x393: {  	s2 =	simm.s32 $0x400000;
	s3 =	simm.s32 $0x11000;
	s0 =	sadd.s32 s31, s0  }
0x394: {  	[hbm4b:s0+s1] =	stream.strided.scatter [tilespmem:s3], [sflag:$0x4], $0x1000, s2, s1, $0x38;
	[tilespmem:$0x12000] =	vst v63  }
0x395: {  	s0 =	sadd.s32 $0x2, s28  }
.Ltmp21:
0x396: {  	s1 =	sshll.u32 s0, $0x4;
	(pc) =	sbr.rel .LBB2_2-.Ltmp21, $4  }
0x397: {  	s0 =	sshll.u32 s0, $0xB;
	s1 =	sand.u32 $0x70, s1  }
0x398: {  	s31 =	simm.s32 $0x80;
	s0 =	sand.u32 $0xFFFC000, s0;
	s1 =	sadd.s32 s4, s1  }
0x399: {  	s2 =	simm.s32 $0x400;
	s26 =	sadd.s32 $0x1, s26;
	s0 =	sadd.s32 s0, s1  }
0x39a: {  	[tilespmem:s16], [sflag:$0x2] =	stream.strided.gather [hbm4b:s0+s31], $0x4000, s2, s31, $0x38;
	[tilespmem:$0x12000] =	vst v63  }
.LBB2_41:
0x39b: {  	_ =	sfence.sel $0x180000  }
0x39c: {  	[bflag:$0x0] =	sbarrier.arrive $0xFFFF  }
0x39d: {  	_ =	strace $0x90000047  }
0x39e: {  	s0 =	stileid.u32;
	[bflag:$0x2] =	sbarrier.arrive $0xFFFF  }
0x39f: {  	p0 =	sne.s32 s0, $0x0;
	s0 =	rddreg [dreg:$0x4]  }
0x3a0: {  	s0 =	sadd.s32 @!p0 $0x100000, s0  }
0x3a1: {  	[sflag:s0] =	ssyncadd.tile.s32 @!p0 $0x1;
	_ =	shalt  }
.Lfunc_end2:
_tile_overlayer_lowered:
.L_overlay_start_2:
0x3a2: {  	(tag) =	ssettag $0x2  }
0x3a3: {  	s0 =	rddreg [dreg:$0x0];
	s2 =	stileid.u32  }
0x3a4: {  	s1 =	rddreg [dreg:$0x1];
	p0 =	sne.s32 s2, $0x0  }
0x3a5: {  	s3 =	rddreg [dreg:$0x2];
	[bflag:$0x3] =	sbarrier.arrive $0xFFFF;
	s2 =	simm.s32 @!p0 $0x1C05  }
0x3a6: {  	[timem:s3], [sflag:s2] =	dma.local @!p0 [hbm:s0], s1  }
0x3a7: {  	s0 =	simm.s32 @!p0 $0x5  }
0x3a8: {  	_ =	swait.ge @!p0 [sflag:s0], s1  }
0x3a9: {  	s1 =	ssub.s32 @!p0 $0x0, s1;
	[sflag:s0] =	ssyncset.done @!p0 $0x0  }
0x3aa: {  	[sflag:s0] =	ssyncadd.s32 @!p0 s1  }
0x3ab: {  	[bflag:$0x3] =	sbarrier.arrive $0xFFFF  }
0x3ac: {  	_ =	shalt  }

</sc_bundles>
